<compile_context>
chip_gen: v7x
topology: tpu7x:2x2x1
jax: 0.10.2.dev20260603
libtpu: 0.0.44.dev20260713+nightly
codegen_flags: <defaults>
</compile_context>

<pallas_src>
import functools

import jax
import jax.numpy as jnp
from jax import lax
from jax.experimental import pallas as pl
from jax.experimental.pallas import tpu as pltpu
from jax.experimental.pallas import tpu_sc as plsc

F32 = jnp.float32

_N = 10000
_E = 320000
_D = 128
_H = 8
_AH = 16
_VH = 16

_NW = 32
_EPW = _E // _NW
_CH = 80
_NIT = _EPW // _CH
_NPAD = 10240
_NPT = _NPAD // 16
_ZR = 128

_BN = 2000
_BE = 4000

_RPT = 320
_SLOP = 8
_CH2 = 64
_CAP = 10816
_SCN = 1000
_NSC = _E // _SCN
_NBC = _CAP // _CH2



def _tables_body(xd, xs, wd, ws, wsa, wsv, dtp, aa, av, ba, bv):
    td = jnp.dot(xd[...], wd[...], preferred_element_type=F32) * dtp[...]
    aa[...] = jnp.dot(td, wsa[...], preferred_element_type=F32)
    av[...] = jnp.dot(td, wsv[...], preferred_element_type=F32)
    ts = jnp.dot(xs[...], ws[...], preferred_element_type=F32) * dtp[...]
    ba[...] = jnp.dot(ts, wsa[...], preferred_element_type=F32)
    bv[...] = jnp.dot(ts, wsv[...], preferred_element_type=F32)


def _make_tables(xd, xs, wd, ws, wsa, wsv, dtp):
    n = xd.shape[0]
    grid = (n // _BN,)
    blk_n = pl.BlockSpec((_BN, _D), lambda i: (i, 0))
    blk_w = pl.BlockSpec((_D, _D), lambda i: (0, 0))
    blk_1 = pl.BlockSpec((1, _D), lambda i: (0, 0))
    return pl.pallas_call(
        _tables_body,
        grid=grid,
        in_specs=[blk_n, blk_n, blk_w, blk_w, blk_w, blk_w, blk_1],
        out_specs=[blk_n, blk_n, blk_n, blk_n],
        out_shape=[jax.ShapeDtypeStruct((n, _D), F32)] * 4,
    )(xd, xs, wd, ws, wsa, wsv, dtp)



def _gather_body(di_h, si_h, aa_h, ba_h, out_h, di_v, si_v, a_v, b_v, s1, s2):
    c = lax.axis_index("c")
    s = lax.axis_index("s")
    base = (c * 16 + s) * _EPW

    def it(i, carry):
        off = base + i * _CH
        pltpu.sync_copy(di_h.at[pl.ds(off, _CH)], di_v)
        pltpu.sync_copy(si_h.at[pl.ds(off, _CH)], si_v)
        ca = pltpu.async_copy(aa_h.at[di_v], a_v, s1)
        cb = pltpu.async_copy(ba_h.at[si_v], b_v, s2)
        ca.wait()
        cb.wait()

        def add_row(j, carry2):
            for v in range(8):
                sl = pl.ds(v * 16, 16)
                a_v[j, sl] = a_v[j, sl] + b_v[j, sl]
            return carry2

        lax.fori_loop(0, _CH, add_row, 0)
        pltpu.sync_copy(a_v, out_h.at[pl.ds(off, _CH)])
        return carry

    lax.fori_loop(0, _NIT, it, 0)


def _gather_msg(di, si, aa, ba):
    mesh = plsc.VectorSubcoreMesh(core_axis_name="c", subcore_axis_name="s")
    f = functools.partial(
        pl.kernel,
        mesh=mesh,
        out_type=jax.ShapeDtypeStruct((_E, _D), F32),
        scratch_types=[
            pltpu.VMEM((_CH,), jnp.int32),
            pltpu.VMEM((_CH,), jnp.int32),
            pltpu.VMEM((_CH, _D), F32),
            pltpu.VMEM((_CH, _D), F32),
            pltpu.SemaphoreType.DMA,
            pltpu.SemaphoreType.DMA,
        ],
    )(_gather_body)
    return f(di, si, aa, ba)



def _edge_body(msg, sa, b_a, wblk2, pps):
    g = sa[...] * msg[...] + b_a[...]
    sg = jax.nn.sigmoid(g)
    act = 0.6 * g + 0.4 * g * (2.0 * sg - 1.0)
    logit2 = jnp.dot(act, wblk2[...], preferred_element_type=F32)
    p2 = jnp.exp(logit2)
    col = lax.broadcasted_iota(jnp.int32, p2.shape, 1)
    pps[...] = p2 * jnp.where(col < _H, 1.0, sa[...])


def _edge_pps(msg, sa, b_a, wblk2):
    grid = (_E // _BE,)
    return pl.pallas_call(
        _edge_body,
        grid=grid,
        in_specs=[
            pl.BlockSpec((_BE, _D), lambda i: (i, 0)),
            pl.BlockSpec((_BE, 1), lambda i: (i, 0)),
            pl.BlockSpec((1, _D), lambda i: (0, 0)),
            pl.BlockSpec((_D, 16), lambda i: (0, 0)),
        ],
        out_specs=pl.BlockSpec((_BE, 16), lambda i: (i, 0)),
        out_shape=jax.ShapeDtypeStruct((_E, 16), F32),
    )(msg, sa, b_a, wblk2)



def _scatter_body(di_h, si_h, pps_h, bv_h, accb_out, ppsa_out,
                  di_s, si_s, l_rs, l_eid, gi_v, ge_v,
                  bv_v, pps_v, acc_b, acc_p, tmp32, stg32, cnt_s, s1, s2):
    c = lax.axis_index("c")
    s = lax.axis_index("s")
    wid = c * 16 + s
    lo = wid * _RPT
    iota = lax.broadcasted_iota(jnp.int32, (16,), 0)
    zero = jnp.zeros((16,), F32)

    tmp32[pl.ds(0, 16)] = iota - iota

    def zacc(j, carry):
        for v in range(8):
            acc_b[j, pl.ds(v * 16, 16)] = zero
        acc_p[j, pl.ds(0, 16)] = zero
        return carry

    lax.fori_loop(0, _RPT + _SLOP, zacc, 0)

    def zfill(k, carry):
        b16 = k * 16
        l_rs[pl.ds(b16, 16)] = (_RPT + (iota & (_SLOP - 1))
                                + ((b16 + iota) & 8191) * 512)
        l_eid[pl.ds(b16, 16)] = iota - iota
        return carry

    lax.fori_loop(0, _CAP // 16, zfill, 0)

    zero_i = iota - iota
    cnt_s[0] = 0
    cnt_s[1] = 0
    stg32[pl.ds(0, 16)] = zero_i
    stg32[pl.ds(16, 16)] = zero_i

    def scan_chunk(sc, carry):
        ebase = sc * _SCN
        pltpu.sync_copy(di_h.at[pl.ds(ebase, _SCN)], di_s)
        pltpu.sync_copy(si_h.at[pl.ds(ebase, _SCN)], si_s)

        def scan16(i, cnt2):
            j16 = i * 16
            d = di_s[pl.ds(j16, 16)]
            u = d - lo
            neg = lax.shift_right_logical(u, 31)
            blw = lax.shift_right_logical(u - _RPT, 31)
            m01 = (1 - neg) * blw
            total = (m01[0] + m01[1] + m01[2] + m01[3] + m01[4] + m01[5]
                     + m01[6] + m01[7] + m01[8] + m01[9] + m01[10] + m01[11]
                     + m01[12] + m01[13] + m01[14] + m01[15])

            @pl.when(total > 0)
            def _append():
                sv = si_s[pl.ds(j16, 16)]
                running = cnt2
                for l in range(16):
                    sel = m01[l]
                    pos = running * sel + _CAP * (1 - sel)
                    l_rs[pl.ds(pos, 16)] = zero_i + (u[l] + sv[l] * 512)
                    l_eid[pl.ds(pos, 16)] = zero_i + (ebase + j16 + l)
                    running = running + sel

            nxt = cnt2 + total
            dd = nxt - (_CAP - 16)
            return (_CAP - 16) + dd * lax.shift_right_logical(dd, 31)

        return lax.fori_loop(0, _SCN // 16, scan16, carry)

    cnt_fin = lax.fori_loop(0, _NSC, scan_chunk, jnp.int32(0))

    pad_rs = (_RPT + (iota & (_SLOP - 1)) + ((iota * 97) & 8191) * 512)
    l_rs[pl.ds(cnt_fin, 16)] = pad_rs
    l_eid[pl.ds(cnt_fin, 16)] = zero_i

    def chunk_b(g, carry):
        o = g * _CH2
        for k in range(_CH2 // 16):
            gi_v[pl.ds(k * 16, 16)] = (
                lax.shift_right_logical(l_rs[pl.ds(o + k * 16, 16)], 9))
            ge_v[pl.ds(k * 16, 16)] = (
                lax.shift_right_logical(l_eid[pl.ds(o + k * 16, 16)], 3))
        ca = pltpu.async_copy(bv_h.at[gi_v], bv_v, s1)
        cb = pltpu.async_copy(pps_h.at[ge_v], pps_v, s2)
        ca.wait()
        cb.wait()

        def one_lane(t, carry2):
            ll = t & 15
            b16 = o + t - ll
            dlv = iota - ll
            oh = 1 - jnp.minimum(dlv * dlv, 1)
            s = l_rs[pl.ds(b16, 16)] * oh
            rsv = (s[0] + s[1] + s[2] + s[3] + s[4] + s[5] + s[6] + s[7]
                   + s[8] + s[9] + s[10] + s[11] + s[12] + s[13] + s[14]
                   + s[15])
            rl = rsv & 511
            s2 = l_eid[pl.ds(b16, 16)] * oh
            eiv = (s2[0] + s2[1] + s2[2] + s2[3] + s2[4] + s2[5] + s2[6]
                   + s2[7] + s2[8] + s2[9] + s2[10] + s2[11] + s2[12]
                   + s2[13] + s2[14] + s2[15])
            off = (eiv & 7) * 16
            pp = pps_v[t, pl.ds(off, 16)]
            plsc.addupdate(acc_p.at[rl, pl.ds(0, 16)], pp)
            for h in range(8):
                sl = pl.ds(h * 16, 16)
                plsc.addupdate(acc_b.at[rl, sl], pp[8 + h] * bv_v[t, sl])
            return carry2

        lax.fori_loop(0, _CH2, one_lane, 0)
        return carry

    lax.fori_loop(0, _NBC, chunk_b, 0)

    obase = wid * _RPT
    for q in range(_RPT // _CH2):
        pltpu.sync_copy(acc_b.at[pl.ds(q * _CH2, _CH2)],
                        accb_out.at[pl.ds(obase + q * _CH2, _CH2)])
        pltpu.sync_copy(acc_p.at[pl.ds(q * _CH2, _CH2)],
                        ppsa_out.at[pl.ds(obase + q * _CH2, _CH2)])


def _scatter_acc(di, si, pps, bv):
    mesh = plsc.VectorSubcoreMesh(core_axis_name="c", subcore_axis_name="s")
    f = functools.partial(
        pl.kernel,
        mesh=mesh,
        out_type=(
            jax.ShapeDtypeStruct((_NPAD, _D), F32),
            jax.ShapeDtypeStruct((_NPAD, 16), F32),
        ),
        scratch_types=[
            pltpu.VMEM((_SCN,), jnp.int32),
            pltpu.VMEM((_SCN,), jnp.int32),
            pltpu.VMEM((_CAP + 16,), jnp.int32),
            pltpu.VMEM((_CAP + 16,), jnp.int32),
            pltpu.VMEM((_CH2,), jnp.int32),
            pltpu.VMEM((_CH2,), jnp.int32),
            pltpu.VMEM((_CH2, _D), F32),
            pltpu.VMEM((_CH2, _D), F32),
            pltpu.VMEM((_RPT + _SLOP, _D), F32),
            pltpu.VMEM((_RPT + _SLOP, 16), F32),
            pltpu.VMEM((32,), jnp.int32),
            pltpu.VMEM((32,), jnp.int32),
            pltpu.SMEM((2,), jnp.int32),
            pltpu.SemaphoreType.DMA,
            pltpu.SemaphoreType.DMA,
        ],
    )(_scatter_body)
    return f(di, si, pps, bv)



def _final_body(accb2, pp2, av, b_v, e1, e2, wp, bp, out):
    accb = accb2[...]
    pp = pp2[...]
    asum = jnp.dot(pp, e1[...], preferred_element_type=F32)
    sps = jnp.dot(pp, e2[...], preferred_element_type=F32)
    attn = (accb + av[...] * sps + b_v[...] * asum) / (asum + 1e-16)
    out[...] = jnp.dot(attn, wp[...], preferred_element_type=F32) + bp[...]


def _final(accb2, pp2, av, b_v, e1, e2, wp, bp):
    grid = (_N // _BN,)
    return pl.pallas_call(
        _final_body,
        grid=grid,
        in_specs=[
            pl.BlockSpec((_BN, _D), lambda i: (i, 0)),
            pl.BlockSpec((_BN, 16), lambda i: (i, 0)),
            pl.BlockSpec((_BN, _D), lambda i: (i, 0)),
            pl.BlockSpec((1, _D), lambda i: (0, 0)),
            pl.BlockSpec((16, _D), lambda i: (0, 0)),
            pl.BlockSpec((16, _D), lambda i: (0, 0)),
            pl.BlockSpec((_D, _D), lambda i: (0, 0)),
            pl.BlockSpec((1, _D), lambda i: (0, 0)),
        ],
        out_specs=pl.BlockSpec((_BN, _D), lambda i: (i, 0)),
        out_shape=jax.ShapeDtypeStruct((_N, _D), F32),
    )(accb2, pp2, av, b_v, e1, e2, wp, bp)



def kernel(dst_input, src_input, dst_index, src_index, src_attr,
           W_dst, W_src, dtp_w, W_sep, b_sep, alpha_dot, W_proj, b_proj):
    ws3 = W_sep.reshape(_D, _H, _AH + _VH)
    wsa = ws3[:, :, :_AH].reshape(_D, _H * _AH)
    wsv = ws3[:, :, _AH:].reshape(_D, _H * _VH)
    b3 = b_sep.reshape(_H, _AH + _VH)
    b_a = b3[:, :_AH].reshape(1, _H * _AH)
    b_v = b3[:, _AH:].reshape(1, _H * _VH)
    wa = alpha_dot[0].reshape(_H * _AH)
    head_of = jnp.arange(_H * _AH, dtype=jnp.int32) // _AH
    wblk = jnp.where(head_of[:, None] == jnp.arange(_H)[None, :], wa[:, None], 0.0)
    wblk2 = jnp.concatenate([wblk, wblk], axis=1)
    col_h = jnp.arange(_D, dtype=jnp.int32) // _VH
    e1 = (col_h[None, :] == jnp.arange(16)[:, None]).astype(F32)
    e2 = (col_h[None, :] + _H == jnp.arange(16)[:, None]).astype(F32)
    di = dst_index.astype(jnp.int32)
    si = src_index.astype(jnp.int32)
    dtp = dtp_w.reshape(1, _D)

    aa, av, ba, bv = _make_tables(dst_input, src_input, W_dst, W_src, wsa, wsv, dtp)
    msg = _gather_msg(di, si, aa, ba)
    pps = _edge_pps(msg, src_attr, b_a, wblk2)
    accb_flat, ppsa_flat = _scatter_acc(di, si, pps.reshape(_E // 8, 8 * 16), bv)
    return _final(accb_flat, ppsa_flat, av, b_v, e1, e2, W_proj,
                  b_proj.reshape(1, _D))

# --- scband reference (transcript-rebuilt; emitter-appended) ---
"""Pipeline reference for scband-graph-attention-29927332118760 (READ-ONLY COPY).

The authoritative reference and input builder live on the scoring server;
editing this copy changes nothing except your own understanding.
"""

import jax, jax.numpy as jnp
import numpy as np

N = 10000
E = 320000
D = 128
H = 8
AH = 16  # mul_alpha_head (alpha scalars per head)
VH = 16  # value dims per head (irreps_head = 16x0e)


def smooth_leaky_relu(x, a=0.2):
    return ((1.0 + a) / 2.0) * x + ((1.0 - a) / 2.0) * x * (2.0 * jax.nn.sigmoid(x) - 1.0)


def setup_inputs(seed: int = 0) -> dict:
    key = jax.random.key(seed)
    ks = jax.random.split(key, 12)
    dst_input = jax.random.normal(ks[0], (N, D), dtype=jnp.float32)
    src_input = jax.random.normal(ks[1], (N, D), dtype=jnp.float32)
    dst_index = jax.random.randint(ks[2], (E,), 0, N)
    src_index = jax.random.randint(ks[3], (E,), 0, N)
    src_attr = jax.random.normal(ks[4], (E, 1), dtype=jnp.float32)
    # learned parameters (all irreps are scalar 0e, so equivariant ops reduce to dense linears)
    W_dst = jax.random.normal(ks[5], (D, D), dtype=jnp.float32) / np.sqrt(D)   # merge_dst LinearRS (no bias)
    W_src = jax.random.normal(ks[6], (D, D), dtype=jnp.float32) / np.sqrt(D)   # merge_src LinearRS (no bias)
    dtp_w = jax.random.normal(ks[7], (D,), dtype=jnp.float32)                   # depthwise TP internal weights (0e x 0e -> 0e)
    W_sep = jax.random.normal(ks[8], (D, H * (AH + VH)), dtype=jnp.float32) / np.sqrt(D)  # sep.lin -> irreps_attn_all (256x0e)
    b_sep = jnp.zeros((H * (AH + VH),), dtype=jnp.float32)
    alpha_dot = jax.random.normal(ks[9], (1, H, AH), dtype=jnp.float32) / np.sqrt(AH)
    W_proj = jax.random.normal(ks[10], (H * VH, D), dtype=jnp.float32) / np.sqrt(H * VH)
    b_proj = jnp.zeros((D,), dtype=jnp.float32)
    return {
        "dst_input": dst_input, "src_input": src_input,
        "dst_index": dst_index, "src_index": src_index, "src_attr": src_attr,
        "W_dst": W_dst, "W_src": W_src, "dtp_w": dtp_w,
        "W_sep": W_sep, "b_sep": b_sep, "alpha_dot": alpha_dot,
        "W_proj": W_proj, "b_proj": b_proj,
    }


def reference(dst_input, src_input, dst_index, src_index, src_attr,
              W_dst, W_src, dtp_w, W_sep, b_sep, alpha_dot, W_proj, b_proj):
    n_dst = dst_input.shape[0]
    e = dst_index.shape[0]
    # merge_dst / merge_src + gather to edges
    message_dst = dst_input @ W_dst
    message_src = src_input @ W_src
    message = message_dst[dst_index] + message_src[src_index]          # [E, D]
    # SeparableFCTP: depthwise tensor product with scalar edge attr, then linear
    message = message * src_attr * dtp_w                                # [E, D]
    message = message @ W_sep + b_sep                                   # [E, H*(AH+VH)]
    # Vec2AttnHeads
    message = message.reshape(e, H, AH + VH)
    alpha = message[:, :, :AH]                                          # [E, H, AH]
    value = message[:, :, AH:]                                          # [E, H, VH]
    # alpha activation + inner product with alpha_dot
    alpha = smooth_leaky_relu(alpha, 0.2)
    alpha = jnp.einsum('bik,aik->bi', alpha, alpha_dot)                 # [E, H]
    # segment softmax over destination nodes
    amax = jax.ops.segment_max(alpha, dst_index, num_segments=n_dst)
    amax = jnp.where(jnp.isfinite(amax), amax, 0.0)
    alpha = jnp.exp(alpha - amax[dst_index])
    asum = jax.ops.segment_sum(alpha, dst_index, num_segments=n_dst)
    alpha = alpha / (asum[dst_index] + 1e-16)
    alpha = alpha[:, :, None]                                           # [E, H, 1]
    # weighted message aggregation (scatter-add over dst)
    attn = value * alpha                                                # [E, H, VH]
    attn = jax.ops.segment_sum(attn, dst_index, num_segments=n_dst)     # [N, H, VH]
    # AttnHeads2Vec + output projection
    attn = attn.reshape(n_dst, H * VH)
    node_output = attn @ W_proj + b_proj                                # [N, D]
    return node_output

if __name__ == "__main__":
    import jax
    _d = setup_inputs()
    print(jax.jit(kernel)(*tuple(_d.values())))

</pallas_src>

<mosaic_0001>
#map = affine_map<(d0, d1) -> (0)>
#map1 = affine_map<(d0, d1) -> (0, 0)>
module attributes {stable_mosaic.version = 14 : i64} {
  func.func @_gather_body(%arg0: i32, %arg1: i32, %arg2: memref<320000xi32, #tpu.memory_space<hbm>>, %arg3: memref<320000xi32, #tpu.memory_space<hbm>>, %arg4: memref<10000x128xf32, #tpu.memory_space<hbm>>, %arg5: memref<10000x128xf32, #tpu.memory_space<hbm>>, %arg6: memref<320000x128xf32, #tpu.memory_space<hbm>>, %arg7: memref<80xi32, #tpu.memory_space<vmem>>, %arg8: memref<80xi32, #tpu.memory_space<vmem>>, %arg9: memref<80x128xf32, #tpu.memory_space<vmem>>, %arg10: memref<80x128xf32, #tpu.memory_space<vmem>>, %arg11: memref<!tpu.dma_semaphore, #tpu.memory_space<semaphore_mem>>, %arg12: memref<!tpu.dma_semaphore, #tpu.memory_space<semaphore_mem>>) attributes {dimension_semantics = [#tpu.dimension_semantics<core_parallel>, #tpu.dimension_semantics<subcore_parallel>], iteration_bounds = array<i64: 2, 16>, scalar_prefetch = 0 : i64, scratch_operands = 6 : i64, tpu.core_type = #tpu.core_type<sc_vector_subcore>, window_params = [{transform_indices = #map}, {transform_indices = #map}, {transform_indices = #map1}, {transform_indices = #map1}, {transform_indices = #map1}]} {
    %mul3A = arith.constant 16 : i32
    %mul3A_0 = arith.muli %arg0, %mul3A : i32
    %add3A = arith.addi %mul3A_0, %arg1 : i32
    %mul3A_1 = arith.constant 10000 : i32
    %mul3A_2 = arith.muli %add3A, %mul3A_1 : i32
    %scan3A = arith.constant 0 : i32
    %scan3A_3 = arith.constant 0 : i32
    %scan3A_4 = arith.constant 125 : i32
    %scan3A_5 = arith.addi %scan3A_3, %scan3A_4 : i32
    %scan3A_6 = arith.constant 1 : i32
    scf.for %scan3A_8 = %scan3A_3 to %scan3A_5 step %scan3A_6  : i32 {
      %mul3A_9 = arith.constant 80 : i32
      %mul3A_10 = arith.muli %scan3A_8, %mul3A_9 : i32
      %add3A_11 = arith.addi %mul3A_2, %mul3A_10 : i32
      "tpu.region"() ({
        %run_scoped3A = tpu.sem_alloc : memref<!tpu.dma_semaphore, #tpu.memory_space<semaphore_mem>>
        %dma_start3A_28 = tpu.memref_slice %arg2[%add3A_11] : memref<320000xi32, #tpu.memory_space<hbm>> -> memref<80xi32, #tpu.memory_space<hbm>>
        %dma_start3A_29 = tpu.memref_slice %arg2[%add3A_11] : memref<320000xi32, #tpu.memory_space<hbm>> -> memref<80xi32, #tpu.memory_space<hbm>>
        tpu.enqueue_dma source(%dma_start3A_29 : memref<80xi32, #tpu.memory_space<hbm>>) target(%arg7 : memref<80xi32, #tpu.memory_space<vmem>>) target_semaphore(%run_scoped3A : memref<!tpu.dma_semaphore, #tpu.memory_space<semaphore_mem>>)
        %dma_wait3A_30 = tpu.memref_slice %arg2[%add3A_11] : memref<320000xi32, #tpu.memory_space<hbm>> -> memref<80xi32, #tpu.memory_space<hbm>>
        %dma_wait3A_31 = tpu.memref_slice %arg2[%add3A_11] : memref<320000xi32, #tpu.memory_space<hbm>> -> memref<80xi32, #tpu.memory_space<hbm>>
        tpu.wait_dma2 semaphore(%run_scoped3A : memref<!tpu.dma_semaphore, #tpu.memory_space<semaphore_mem>>) src(%dma_wait3A_31 : memref<80xi32, #tpu.memory_space<hbm>>) dst(%arg7 : memref<80xi32, #tpu.memory_space<vmem>>)
        tpu.yield
      }) : () -> ()
      "tpu.region"() ({
        %run_scoped3A = tpu.sem_alloc : memref<!tpu.dma_semaphore, #tpu.memory_space<semaphore_mem>>
        %dma_start3A_28 = tpu.memref_slice %arg3[%add3A_11] : memref<320000xi32, #tpu.memory_space<hbm>> -> memref<80xi32, #tpu.memory_space<hbm>>
        %dma_start3A_29 = tpu.memref_slice %arg3[%add3A_11] : memref<320000xi32, #tpu.memory_space<hbm>> -> memref<80xi32, #tpu.memory_space<hbm>>
        tpu.enqueue_dma source(%dma_start3A_29 : memref<80xi32, #tpu.memory_space<hbm>>) target(%arg8 : memref<80xi32, #tpu.memory_space<vmem>>) target_semaphore(%run_scoped3A : memref<!tpu.dma_semaphore, #tpu.memory_space<semaphore_mem>>)
        %dma_wait3A_30 = tpu.memref_slice %arg3[%add3A_11] : memref<320000xi32, #tpu.memory_space<hbm>> -> memref<80xi32, #tpu.memory_space<hbm>>
        %dma_wait3A_31 = tpu.memref_slice %arg3[%add3A_11] : memref<320000xi32, #tpu.memory_space<hbm>> -> memref<80xi32, #tpu.memory_space<hbm>>
        tpu.wait_dma2 semaphore(%run_scoped3A : memref<!tpu.dma_semaphore, #tpu.memory_space<semaphore_mem>>) src(%dma_wait3A_31 : memref<80xi32, #tpu.memory_space<hbm>>) dst(%arg8 : memref<80xi32, #tpu.memory_space<vmem>>)
        tpu.yield
      }) : () -> ()
      %dma_start3A = arith.constant 0 : i32
      %dma_start3A_12 = arith.constant 0 : i32
      %dma_start3A_13 = tpu.memref_slice %arg4[%dma_start3A, %dma_start3A_12] : memref<10000x128xf32, #tpu.memory_space<hbm>> -> memref<10000x128xf32, #tpu.memory_space<hbm>>
      tpu.enqueue_indirect_dma source(%dma_start3A_13 : memref<10000x128xf32, #tpu.memory_space<hbm>>) target(%arg9 : memref<80x128xf32, #tpu.memory_space<vmem>>) offsets(%arg7 : memref<80xi32, #tpu.memory_space<vmem>>) semaphore(%arg11 : memref<!tpu.dma_semaphore, #tpu.memory_space<semaphore_mem>>)
      %dma_start3A_14 = arith.constant 0 : i32
      %dma_start3A_15 = arith.constant 0 : i32
      %dma_start3A_16 = tpu.memref_slice %arg5[%dma_start3A_14, %dma_start3A_15] : memref<10000x128xf32, #tpu.memory_space<hbm>> -> memref<10000x128xf32, #tpu.memory_space<hbm>>
      tpu.enqueue_indirect_dma source(%dma_start3A_16 : memref<10000x128xf32, #tpu.memory_space<hbm>>) target(%arg10 : memref<80x128xf32, #tpu.memory_space<vmem>>) offsets(%arg8 : memref<80xi32, #tpu.memory_space<vmem>>) semaphore(%arg12 : memref<!tpu.dma_semaphore, #tpu.memory_space<semaphore_mem>>)
      %dma_wait3A = arith.constant 0 : i32
      %dma_wait3A_17 = arith.constant 0 : i32
      %dma_wait3A_18 = tpu.memref_slice %arg4[%dma_wait3A, %dma_wait3A_17] : memref<10000x128xf32, #tpu.memory_space<hbm>> -> memref<10000x128xf32, #tpu.memory_space<hbm>>
      tpu.wait_indirect_dma semaphore(%arg11 : memref<!tpu.dma_semaphore, #tpu.memory_space<semaphore_mem>>) src(%dma_wait3A_18 : memref<10000x128xf32, #tpu.memory_space<hbm>>) dst(%arg9 : memref<80x128xf32, #tpu.memory_space<vmem>>)
      %dma_wait3A_19 = arith.constant 0 : i32
      %dma_wait3A_20 = arith.constant 0 : i32
      %dma_wait3A_21 = tpu.memref_slice %arg5[%dma_wait3A_19, %dma_wait3A_20] : memref<10000x128xf32, #tpu.memory_space<hbm>> -> memref<10000x128xf32, #tpu.memory_space<hbm>>
      tpu.wait_indirect_dma semaphore(%arg12 : memref<!tpu.dma_semaphore, #tpu.memory_space<semaphore_mem>>) src(%dma_wait3A_21 : memref<10000x128xf32, #tpu.memory_space<hbm>>) dst(%arg10 : memref<80x128xf32, #tpu.memory_space<vmem>>)
      %scan3A_22 = arith.constant 0 : i32
      %scan3A_23 = arith.constant 0 : i32
      %scan3A_24 = arith.constant 80 : i32
      %scan3A_25 = arith.addi %scan3A_23, %scan3A_24 : i32
      %scan3A_26 = arith.constant 1 : i32
      scf.for %scan3A_28 = %scan3A_23 to %scan3A_25 step %scan3A_26  : i32 {
        %get3A = arith.index_cast %scan3A_28 : i32 to index
        %get3A_29 = arith.constant 0 : index
        %get3A_30 = tpu.vector_load %arg9[%get3A, %get3A_29] {strides = array<i32>} : memref<80x128xf32, #tpu.memory_space<vmem>>, vector<1x16xf32>,
        %get3A_31 = vector.shape_cast %get3A_30 : vector<1x16xf32> to vector<16xf32>
        %get3A_32 = arith.index_cast %scan3A_28 : i32 to index
        %get3A_33 = arith.constant 0 : index
        %get3A_34 = tpu.vector_load %arg10[%get3A_32, %get3A_33] {strides = array<i32>} : memref<80x128xf32, #tpu.memory_space<vmem>>, vector<1x16xf32>,
        %get3A_35 = vector.shape_cast %get3A_34 : vector<1x16xf32> to vector<16xf32>
        %add3A_36 = arith.addf %get3A_31, %get3A_35 : vector<16xf32>
        %swap3A = arith.index_cast %scan3A_28 : i32 to index
        %swap3A_37 = arith.constant 0 : index
        %swap3A_38 = tpu.vector_load %arg9[%swap3A, %swap3A_37] {strides = array<i32>} : memref<80x128xf32, #tpu.memory_space<vmem>>, vector<1x16xf32>,
        %swap3A_39 = vector.shape_cast %swap3A_38 : vector<1x16xf32> to vector<16xf32>
        %swap3A_40 = vector.shape_cast %add3A_36 : vector<16xf32> to vector<1x16xf32>
        tpu.vector_store %arg9[%swap3A, %swap3A_37], %swap3A_40 {strides = array<i32>} : memref<80x128xf32, #tpu.memory_space<vmem>>, vector<1x16xf32>,
        %get3A_41 = arith.index_cast %scan3A_28 : i32 to index
        %get3A_42 = arith.constant 16 : index
        %get3A_43 = tpu.vector_load %arg9[%get3A_41, %get3A_42] {strides = array<i32>} : memref<80x128xf32, #tpu.memory_space<vmem>>, vector<1x16xf32>,
        %get3A_44 = vector.shape_cast %get3A_43 : vector<1x16xf32> to vector<16xf32>
        %get3A_45 = arith.index_cast %scan3A_28 : i32 to index
        %get3A_46 = arith.constant 16 : index
        %get3A_47 = tpu.vector_load %arg10[%get3A_45, %get3A_46] {strides = array<i32>} : memref<80x128xf32, #tpu.memory_space<vmem>>, vector<1x16xf32>,
        %get3A_48 = vector.shape_cast %get3A_47 : vector<1x16xf32> to vector<16xf32>
        %add3A_49 = arith.addf %get3A_44, %get3A_48 : vector<16xf32>
        %swap3A_50 = arith.index_cast %scan3A_28 : i32 to index
        %swap3A_51 = arith.constant 16 : index
        %swap3A_52 = tpu.vector_load %arg9[%swap3A_50, %swap3A_51] {strides = array<i32>} : memref<80x128xf32, #tpu.memory_space<vmem>>, vector<1x16xf32>,
        %swap3A_53 = vector.shape_cast %swap3A_52 : vector<1x16xf32> to vector<16xf32>
        %swap3A_54 = vector.shape_cast %add3A_49 : vector<16xf32> to vector<1x16xf32>
        tpu.vector_store %arg9[%swap3A_50, %swap3A_51], %swap3A_54 {strides = array<i32>} : memref<80x128xf32, #tpu.memory_space<vmem>>, vector<1x16xf32>,
        %get3A_55 = arith.index_cast %scan3A_28 : i32 to index
        %get3A_56 = arith.constant 32 : index
        %get3A_57 = tpu.vector_load %arg9[%get3A_55, %get3A_56] {strides = array<i32>} : memref<80x128xf32, #tpu.memory_space<vmem>>, vector<1x16xf32>,
        %get3A_58 = vector.shape_cast %get3A_57 : vector<1x16xf32> to vector<16xf32>
        %get3A_59 = arith.index_cast %scan3A_28 : i32 to index
        %get3A_60 = arith.constant 32 : index
        %get3A_61 = tpu.vector_load %arg10[%get3A_59, %get3A_60] {strides = array<i32>} : memref<80x128xf32, #tpu.memory_space<vmem>>, vector<1x16xf32>,
        %get3A_62 = vector.shape_cast %get3A_61 : vector<1x16xf32> to vector<16xf32>
        %add3A_63 = arith.addf %get3A_58, %get3A_62 : vector<16xf32>
        %swap3A_64 = arith.index_cast %scan3A_28 : i32 to index
        %swap3A_65 = arith.constant 32 : index
        %swap3A_66 = tpu.vector_load %arg9[%swap3A_64, %swap3A_65] {strides = array<i32>} : memref<80x128xf32, #tpu.memory_space<vmem>>, vector<1x16xf32>,
        %swap3A_67 = vector.shape_cast %swap3A_66 : vector<1x16xf32> to vector<16xf32>
        %swap3A_68 = vector.shape_cast %add3A_63 : vector<16xf32> to vector<1x16xf32>
        tpu.vector_store %arg9[%swap3A_64, %swap3A_65], %swap3A_68 {strides = array<i32>} : memref<80x128xf32, #tpu.memory_space<vmem>>, vector<1x16xf32>,
        %get3A_69 = arith.index_cast %scan3A_28 : i32 to index
        %get3A_70 = arith.constant 48 : index
        %get3A_71 = tpu.vector_load %arg9[%get3A_69, %get3A_70] {strides = array<i32>} : memref<80x128xf32, #tpu.memory_space<vmem>>, vector<1x16xf32>,
        %get3A_72 = vector.shape_cast %get3A_71 : vector<1x16xf32> to vector<16xf32>
        %get3A_73 = arith.index_cast %scan3A_28 : i32 to index
        %get3A_74 = arith.constant 48 : index
        %get3A_75 = tpu.vector_load %arg10[%get3A_73, %get3A_74] {strides = array<i32>} : memref<80x128xf32, #tpu.memory_space<vmem>>, vector<1x16xf32>,
        %get3A_76 = vector.shape_cast %get3A_75 : vector<1x16xf32> to vector<16xf32>
        %add3A_77 = arith.addf %get3A_72, %get3A_76 : vector<16xf32>
        %swap3A_78 = arith.index_cast %scan3A_28 : i32 to index
        %swap3A_79 = arith.constant 48 : index
        %swap3A_80 = tpu.vector_load %arg9[%swap3A_78, %swap3A_79] {strides = array<i32>} : memref<80x128xf32, #tpu.memory_space<vmem>>, vector<1x16xf32>,
        %swap3A_81 = vector.shape_cast %swap3A_80 : vector<1x16xf32> to vector<16xf32>
        %swap3A_82 = vector.shape_cast %add3A_77 : vector<16xf32> to vector<1x16xf32>
        tpu.vector_store %arg9[%swap3A_78, %swap3A_79], %swap3A_82 {strides = array<i32>} : memref<80x128xf32, #tpu.memory_space<vmem>>, vector<1x16xf32>,
        %get3A_83 = arith.index_cast %scan3A_28 : i32 to index
        %get3A_84 = arith.constant 64 : index
        %get3A_85 = tpu.vector_load %arg9[%get3A_83, %get3A_84] {strides = array<i32>} : memref<80x128xf32, #tpu.memory_space<vmem>>, vector<1x16xf32>,
        %get3A_86 = vector.shape_cast %get3A_85 : vector<1x16xf32> to vector<16xf32>
        %get3A_87 = arith.index_cast %scan3A_28 : i32 to index
        %get3A_88 = arith.constant 64 : index
        %get3A_89 = tpu.vector_load %arg10[%get3A_87, %get3A_88] {strides = array<i32>} : memref<80x128xf32, #tpu.memory_space<vmem>>, vector<1x16xf32>,
        %get3A_90 = vector.shape_cast %get3A_89 : vector<1x16xf32> to vector<16xf32>
        %add3A_91 = arith.addf %get3A_86, %get3A_90 : vector<16xf32>
        %swap3A_92 = arith.index_cast %scan3A_28 : i32 to index
        %swap3A_93 = arith.constant 64 : index
        %swap3A_94 = tpu.vector_load %arg9[%swap3A_92, %swap3A_93] {strides = array<i32>} : memref<80x128xf32, #tpu.memory_space<vmem>>, vector<1x16xf32>,
        %swap3A_95 = vector.shape_cast %swap3A_94 : vector<1x16xf32> to vector<16xf32>
        %swap3A_96 = vector.shape_cast %add3A_91 : vector<16xf32> to vector<1x16xf32>
        tpu.vector_store %arg9[%swap3A_92, %swap3A_93], %swap3A_96 {strides = array<i32>} : memref<80x128xf32, #tpu.memory_space<vmem>>, vector<1x16xf32>,
        %get3A_97 = arith.index_cast %scan3A_28 : i32 to index
        %get3A_98 = arith.constant 80 : index
        %get3A_99 = tpu.vector_load %arg9[%get3A_97, %get3A_98] {strides = array<i32>} : memref<80x128xf32, #tpu.memory_space<vmem>>, vector<1x16xf32>,
        %get3A_100 = vector.shape_cast %get3A_99 : vector<1x16xf32> to vector<16xf32>
        %get3A_101 = arith.index_cast %scan3A_28 : i32 to index
        %get3A_102 = arith.constant 80 : index
        %get3A_103 = tpu.vector_load %arg10[%get3A_101, %get3A_102] {strides = array<i32>} : memref<80x128xf32, #tpu.memory_space<vmem>>, vector<1x16xf32>,
        %get3A_104 = vector.shape_cast %get3A_103 : vector<1x16xf32> to vector<16xf32>
        %add3A_105 = arith.addf %get3A_100, %get3A_104 : vector<16xf32>
        %swap3A_106 = arith.index_cast %scan3A_28 : i32 to index
        %swap3A_107 = arith.constant 80 : index
        %swap3A_108 = tpu.vector_load %arg9[%swap3A_106, %swap3A_107] {strides = array<i32>} : memref<80x128xf32, #tpu.memory_space<vmem>>, vector<1x16xf32>,
        %swap3A_109 = vector.shape_cast %swap3A_108 : vector<1x16xf32> to vector<16xf32>
        %swap3A_110 = vector.shape_cast %add3A_105 : vector<16xf32> to vector<1x16xf32>
        tpu.vector_store %arg9[%swap3A_106, %swap3A_107], %swap3A_110 {strides = array<i32>} : memref<80x128xf32, #tpu.memory_space<vmem>>, vector<1x16xf32>,
        %get3A_111 = arith.index_cast %scan3A_28 : i32 to index
        %get3A_112 = arith.constant 96 : index
        %get3A_113 = tpu.vector_load %arg9[%get3A_111, %get3A_112] {strides = array<i32>} : memref<80x128xf32, #tpu.memory_space<vmem>>, vector<1x16xf32>,
        %get3A_114 = vector.shape_cast %get3A_113 : vector<1x16xf32> to vector<16xf32>
        %get3A_115 = arith.index_cast %scan3A_28 : i32 to index
        %get3A_116 = arith.constant 96 : index
        %get3A_117 = tpu.vector_load %arg10[%get3A_115, %get3A_116] {strides = array<i32>} : memref<80x128xf32, #tpu.memory_space<vmem>>, vector<1x16xf32>,
        %get3A_118 = vector.shape_cast %get3A_117 : vector<1x16xf32> to vector<16xf32>
        %add3A_119 = arith.addf %get3A_114, %get3A_118 : vector<16xf32>
        %swap3A_120 = arith.index_cast %scan3A_28 : i32 to index
        %swap3A_121 = arith.constant 96 : index
        %swap3A_122 = tpu.vector_load %arg9[%swap3A_120, %swap3A_121] {strides = array<i32>} : memref<80x128xf32, #tpu.memory_space<vmem>>, vector<1x16xf32>,
        %swap3A_123 = vector.shape_cast %swap3A_122 : vector<1x16xf32> to vector<16xf32>
        %swap3A_124 = vector.shape_cast %add3A_119 : vector<16xf32> to vector<1x16xf32>
        tpu.vector_store %arg9[%swap3A_120, %swap3A_121], %swap3A_124 {strides = array<i32>} : memref<80x128xf32, #tpu.memory_space<vmem>>, vector<1x16xf32>,
        %get3A_125 = arith.index_cast %scan3A_28 : i32 to index
        %get3A_126 = arith.constant 112 : index
        %get3A_127 = tpu.vector_load %arg9[%get3A_125, %get3A_126] {strides = array<i32>} : memref<80x128xf32, #tpu.memory_space<vmem>>, vector<1x16xf32>,
        %get3A_128 = vector.shape_cast %get3A_127 : vector<1x16xf32> to vector<16xf32>
        %get3A_129 = arith.index_cast %scan3A_28 : i32 to index
        %get3A_130 = arith.constant 112 : index
        %get3A_131 = tpu.vector_load %arg10[%get3A_129, %get3A_130] {strides = array<i32>} : memref<80x128xf32, #tpu.memory_space<vmem>>, vector<1x16xf32>,
        %get3A_132 = vector.shape_cast %get3A_131 : vector<1x16xf32> to vector<16xf32>
        %add3A_133 = arith.addf %get3A_128, %get3A_132 : vector<16xf32>
        %swap3A_134 = arith.index_cast %scan3A_28 : i32 to index
        %swap3A_135 = arith.constant 112 : index
        %swap3A_136 = tpu.vector_load %arg9[%swap3A_134, %swap3A_135] {strides = array<i32>} : memref<80x128xf32, #tpu.memory_space<vmem>>, vector<1x16xf32>,
        %swap3A_137 = vector.shape_cast %swap3A_136 : vector<1x16xf32> to vector<16xf32>
        %swap3A_138 = vector.shape_cast %add3A_133 : vector<16xf32> to vector<1x16xf32>
        tpu.vector_store %arg9[%swap3A_134, %swap3A_135], %swap3A_138 {strides = array<i32>} : memref<80x128xf32, #tpu.memory_space<vmem>>, vector<1x16xf32>,
      }
      %scan3A_27 = arith.constant 80 : i32
      "tpu.region"() ({
        %run_scoped3A = tpu.sem_alloc : memref<!tpu.dma_semaphore, #tpu.memory_space<semaphore_mem>>
        %dma_start3A_28 = arith.constant 0 : i32
        %dma_start3A_29 = tpu.memref_slice %arg6[%add3A_11, %dma_start3A_28] : memref<320000x128xf32, #tpu.memory_space<hbm>> -> memref<80x128xf32, #tpu.memory_space<hbm>>
        %dma_start3A_30 = arith.constant 0 : i32
        %dma_start3A_31 = tpu.memref_slice %arg6[%add3A_11, %dma_start3A_30] : memref<320000x128xf32, #tpu.memory_space<hbm>> -> memref<80x128xf32, #tpu.memory_space<hbm>>
        tpu.enqueue_dma source(%arg9 : memref<80x128xf32, #tpu.memory_space<vmem>>) target(%dma_start3A_31 : memref<80x128xf32, #tpu.memory_space<hbm>>) target_semaphore(%run_scoped3A : memref<!tpu.dma_semaphore, #tpu.memory_space<semaphore_mem>>)
        %dma_wait3A_32 = arith.constant 0 : i32
        %dma_wait3A_33 = tpu.memref_slice %arg6[%add3A_11, %dma_wait3A_32] : memref<320000x128xf32, #tpu.memory_space<hbm>> -> memref<80x128xf32, #tpu.memory_space<hbm>>
        %dma_wait3A_34 = arith.constant 0 : i32
        %dma_wait3A_35 = tpu.memref_slice %arg6[%add3A_11, %dma_wait3A_34] : memref<320000x128xf32, #tpu.memory_space<hbm>> -> memref<80x128xf32, #tpu.memory_space<hbm>>
        tpu.wait_dma2 semaphore(%run_scoped3A : memref<!tpu.dma_semaphore, #tpu.memory_space<semaphore_mem>>) src(%arg9 : memref<80x128xf32, #tpu.memory_space<vmem>>) dst(%dma_wait3A_35 : memref<80x128xf32, #tpu.memory_space<hbm>>)
        tpu.yield
      }) : () -> ()
    }
    %scan3A_7 = arith.constant 125 : i32
    return
  }
}

#map = affine_map<(d0, d1) -> (0)>
#map1 = affine_map<(d0, d1) -> (0, 0)>
module attributes {stable_mosaic.version = 14 : i64} {
  func.func @_scatter_body(%arg0: i32, %arg1: i32, %arg2: memref<320000xi32, #tpu.memory_space<hbm>>, %arg3: memref<320000xi32, #tpu.memory_space<hbm>>, %arg4: memref<40000x128xf32, #tpu.memory_space<hbm>>, %arg5: memref<10000x128xf32, #tpu.memory_space<hbm>>, %arg6: memref<10240x128xf32, #tpu.memory_space<hbm>>, %arg7: memref<10240x16xf32, #tpu.memory_space<hbm>>, %arg8: memref<1000xi32, #tpu.memory_space<vmem>>, %arg9: memref<1000xi32, #tpu.memory_space<vmem>>, %arg10: memref<10832xi32, #tpu.memory_space<vmem>>, %arg11: memref<10832xi32, #tpu.memory_space<vmem>>, %arg12: memref<64xi32, #tpu.memory_space<vmem>>, %arg13: memref<64xi32, #tpu.memory_space<vmem>>, %arg14: memref<64x128xf32, #tpu.memory_space<vmem>>, %arg15: memref<64x128xf32, #tpu.memory_space<vmem>>, %arg16: memref<328x128xf32, #tpu.memory_space<vmem>>, %arg17: memref<328x16xf32, #tpu.memory_space<vmem>>, %arg18: memref<32xi32, #tpu.memory_space<vmem>>, %arg19: memref<32xi32, #tpu.memory_space<vmem>>, %arg20: memref<2xi32, #tpu.memory_space<smem>>, %arg21: memref<!tpu.dma_semaphore, #tpu.memory_space<semaphore_mem>>, %arg22: memref<!tpu.dma_semaphore, #tpu.memory_space<semaphore_mem>>) attributes {dimension_semantics = [#tpu.dimension_semantics<core_parallel>, #tpu.dimension_semantics<subcore_parallel>], iteration_bounds = array<i64: 2, 16>, scalar_prefetch = 0 : i64, scratch_operands = 15 : i64, tpu.core_type = #tpu.core_type<sc_vector_subcore>, window_params = [{transform_indices = #map}, {transform_indices = #map}, {transform_indices = #map1}, {transform_indices = #map1}, {transform_indices = #map1}, {transform_indices = #map1}]} {
    %mul3A = arith.constant 16 : i32
    %mul3A_0 = arith.muli %arg0, %mul3A : i32
    %add3A = arith.addi %mul3A_0, %arg1 : i32
    %mul3A_1 = arith.constant 320 : i32
    %mul3A_2 = arith.muli %add3A, %mul3A_1 : i32
    %iota3A = tpu.iota {dimensions = array<i32: 0>} : vector<16xi32>
    %broadcast_in_dim3A = arith.constant 0.000000e+00 : f32
    %broadcast_in_dim3A_3 = vector.broadcast %broadcast_in_dim3A : f32 to vector<16xf32>
    %sub3A = arith.subi %iota3A, %iota3A : vector<16xi32>
    %swap3A = arith.constant 0 : index
    %swap3A_4 = tpu.vector_load %arg18[%swap3A] {strides = array<i32>} : memref<32xi32, #tpu.memory_space<vmem>>, vector<16xi32>,
    %swap3A_5 = vector.shape_cast %swap3A_4 : vector<16xi32> to vector<16xi32>
    %swap3A_6 = vector.shape_cast %sub3A : vector<16xi32> to vector<16xi32>
    tpu.vector_store %arg18[%swap3A], %swap3A_6 {strides = array<i32>} : memref<32xi32, #tpu.memory_space<vmem>>, vector<16xi32>,
    %scan3A = arith.constant 0 : i32
    %scan3A_7 = arith.constant 0 : i32
    %scan3A_8 = arith.constant 328 : i32
    %scan3A_9 = arith.addi %scan3A_7, %scan3A_8 : i32
    %scan3A_10 = arith.constant 1 : i32
    scf.for %scan3A_93 = %scan3A_7 to %scan3A_9 step %scan3A_10  : i32 {
      %swap3A_94 = arith.index_cast %scan3A_93 : i32 to index
      %swap3A_95 = arith.constant 0 : index
      %swap3A_96 = tpu.vector_load %arg16[%swap3A_94, %swap3A_95] {strides = array<i32>} : memref<328x128xf32, #tpu.memory_space<vmem>>, vector<1x16xf32>,
      %swap3A_97 = vector.shape_cast %swap3A_96 : vector<1x16xf32> to vector<16xf32>
      %swap3A_98 = vector.shape_cast %broadcast_in_dim3A_3 : vector<16xf32> to vector<1x16xf32>
      tpu.vector_store %arg16[%swap3A_94, %swap3A_95], %swap3A_98 {strides = array<i32>} : memref<328x128xf32, #tpu.memory_space<vmem>>, vector<1x16xf32>,
      %swap3A_99 = arith.index_cast %scan3A_93 : i32 to index
      %swap3A_100 = arith.constant 16 : index
      %swap3A_101 = tpu.vector_load %arg16[%swap3A_99, %swap3A_100] {strides = array<i32>} : memref<328x128xf32, #tpu.memory_space<vmem>>, vector<1x16xf32>,
      %swap3A_102 = vector.shape_cast %swap3A_101 : vector<1x16xf32> to vector<16xf32>
      %swap3A_103 = vector.shape_cast %broadcast_in_dim3A_3 : vector<16xf32> to vector<1x16xf32>
      tpu.vector_store %arg16[%swap3A_99, %swap3A_100], %swap3A_103 {strides = array<i32>} : memref<328x128xf32, #tpu.memory_space<vmem>>, vector<1x16xf32>,
      %swap3A_104 = arith.index_cast %scan3A_93 : i32 to index
      %swap3A_105 = arith.constant 32 : index
      %swap3A_106 = tpu.vector_load %arg16[%swap3A_104, %swap3A_105] {strides = array<i32>} : memref<328x128xf32, #tpu.memory_space<vmem>>, vector<1x16xf32>,
      %swap3A_107 = vector.shape_cast %swap3A_106 : vector<1x16xf32> to vector<16xf32>
      %swap3A_108 = vector.shape_cast %broadcast_in_dim3A_3 : vector<16xf32> to vector<1x16xf32>
      tpu.vector_store %arg16[%swap3A_104, %swap3A_105], %swap3A_108 {strides = array<i32>} : memref<328x128xf32, #tpu.memory_space<vmem>>, vector<1x16xf32>,
      %swap3A_109 = arith.index_cast %scan3A_93 : i32 to index
      %swap3A_110 = arith.constant 48 : index
      %swap3A_111 = tpu.vector_load %arg16[%swap3A_109, %swap3A_110] {strides = array<i32>} : memref<328x128xf32, #tpu.memory_space<vmem>>, vector<1x16xf32>,
      %swap3A_112 = vector.shape_cast %swap3A_111 : vector<1x16xf32> to vector<16xf32>
      %swap3A_113 = vector.shape_cast %broadcast_in_dim3A_3 : vector<16xf32> to vector<1x16xf32>
      tpu.vector_store %arg16[%swap3A_109, %swap3A_110], %swap3A_113 {strides = array<i32>} : memref<328x128xf32, #tpu.memory_space<vmem>>, vector<1x16xf32>,
      %swap3A_114 = arith.index_cast %scan3A_93 : i32 to index
      %swap3A_115 = arith.constant 64 : index
      %swap3A_116 = tpu.vector_load %arg16[%swap3A_114, %swap3A_115] {strides = array<i32>} : memref<328x128xf32, #tpu.memory_space<vmem>>, vector<1x16xf32>,
      %swap3A_117 = vector.shape_cast %swap3A_116 : vector<1x16xf32> to vector<16xf32>
      %swap3A_118 = vector.shape_cast %broadcast_in_dim3A_3 : vector<16xf32> to vector<1x16xf32>
      tpu.vector_store %arg16[%swap3A_114, %swap3A_115], %swap3A_118 {strides = array<i32>} : memref<328x128xf32, #tpu.memory_space<vmem>>, vector<1x16xf32>,
      %swap3A_119 = arith.index_cast %scan3A_93 : i32 to index
      %swap3A_120 = arith.constant 80 : index
      %swap3A_121 = tpu.vector_load %arg16[%swap3A_119, %swap3A_120] {strides = array<i32>} : memref<328x128xf32, #tpu.memory_space<vmem>>, vector<1x16xf32>,
      %swap3A_122 = vector.shape_cast %swap3A_121 : vector<1x16xf32> to vector<16xf32>
      %swap3A_123 = vector.shape_cast %broadcast_in_dim3A_3 : vector<16xf32> to vector<1x16xf32>
      tpu.vector_store %arg16[%swap3A_119, %swap3A_120], %swap3A_123 {strides = array<i32>} : memref<328x128xf32, #tpu.memory_space<vmem>>, vector<1x16xf32>,
      %swap3A_124 = arith.index_cast %scan3A_93 : i32 to index
      %swap3A_125 = arith.constant 96 : index
      %swap3A_126 = tpu.vector_load %arg16[%swap3A_124, %swap3A_125] {strides = array<i32>} : memref<328x128xf32, #tpu.memory_space<vmem>>, vector<1x16xf32>,
      %swap3A_127 = vector.shape_cast %swap3A_126 : vector<1x16xf32> to vector<16xf32>
      %swap3A_128 = vector.shape_cast %broadcast_in_dim3A_3 : vector<16xf32> to vector<1x16xf32>
      tpu.vector_store %arg16[%swap3A_124, %swap3A_125], %swap3A_128 {strides = array<i32>} : memref<328x128xf32, #tpu.memory_space<vmem>>, vector<1x16xf32>,
      %swap3A_129 = arith.index_cast %scan3A_93 : i32 to index
      %swap3A_130 = arith.constant 112 : index
      %swap3A_131 = tpu.vector_load %arg16[%swap3A_129, %swap3A_130] {strides = array<i32>} : memref<328x128xf32, #tpu.memory_space<vmem>>, vector<1x16xf32>,
      %swap3A_132 = vector.shape_cast %swap3A_131 : vector<1x16xf32> to vector<16xf32>
      %swap3A_133 = vector.shape_cast %broadcast_in_dim3A_3 : vector<16xf32> to vector<1x16xf32>
      tpu.vector_store %arg16[%swap3A_129, %swap3A_130], %swap3A_133 {strides = array<i32>} : memref<328x128xf32, #tpu.memory_space<vmem>>, vector<1x16xf32>,
      %swap3A_134 = arith.index_cast %scan3A_93 : i32 to index
      %swap3A_135 = arith.constant 0 : index
      %swap3A_136 = tpu.vector_load %arg17[%swap3A_134, %swap3A_135] {strides = array<i32>} : memref<328x16xf32, #tpu.memory_space<vmem>>, vector<1x16xf32>,
      %swap3A_137 = vector.shape_cast %swap3A_136 : vector<1x16xf32> to vector<16xf32>
      %swap3A_138 = vector.shape_cast %broadcast_in_dim3A_3 : vector<16xf32> to vector<1x16xf32>
      tpu.vector_store %arg17[%swap3A_134, %swap3A_135], %swap3A_138 {strides = array<i32>} : memref<328x16xf32, #tpu.memory_space<vmem>>, vector<1x16xf32>,
    }
    %scan3A_11 = arith.constant 328 : i32
    %scan3A_12 = arith.constant 0 : i32
    %scan3A_13 = arith.constant 0 : i32
    %scan3A_14 = arith.constant 676 : i32
    %scan3A_15 = arith.addi %scan3A_13, %scan3A_14 : i32
    %scan3A_16 = arith.constant 1 : i32
    scf.for %scan3A_93 = %scan3A_13 to %scan3A_15 step %scan3A_16  : i32 {
      %mul3A_94 = arith.constant 16 : i32
      %mul3A_95 = arith.muli %scan3A_93, %mul3A_94 : i32
      %and3A_96 = arith.constant 7 : i32
      %and3A_97 = vector.broadcast %and3A_96 : i32 to vector<16xi32>
      %and3A_98 = arith.andi %iota3A, %and3A_97 : vector<16xi32>
      %add3A_99 = arith.constant 320 : i32
      %add3A_100 = vector.broadcast %add3A_99 : i32 to vector<16xi32>
      %add3A_101 = arith.addi %add3A_100, %and3A_98 : vector<16xi32>
      %add3A_102 = vector.broadcast %mul3A_95 : i32 to vector<16xi32>
      %add3A_103 = arith.addi %add3A_102, %iota3A : vector<16xi32>
      %and3A_104 = arith.constant 8191 : i32
      %and3A_105 = vector.broadcast %and3A_104 : i32 to vector<16xi32>
      %and3A_106 = arith.andi %add3A_103, %and3A_105 : vector<16xi32>
      %mul3A_107 = arith.constant 512 : i32
      %mul3A_108 = vector.broadcast %mul3A_107 : i32 to vector<16xi32>
      %mul3A_109 = arith.muli %and3A_106, %mul3A_108 : vector<16xi32>
      %add3A_110 = arith.addi %add3A_101, %mul3A_109 : vector<16xi32>
      %swap3A_111 = arith.index_cast %mul3A_95 : i32 to index
      %swap3A_112 = tpu.vector_load %arg10[%swap3A_111] {strides = array<i32>} : memref<10832xi32, #tpu.memory_space<vmem>>, vector<16xi32>,
      %swap3A_113 = vector.shape_cast %swap3A_112 : vector<16xi32> to vector<16xi32>
      %swap3A_114 = vector.shape_cast %add3A_110 : vector<16xi32> to vector<16xi32>
      tpu.vector_store %arg10[%swap3A_111], %swap3A_114 {strides = array<i32>} : memref<10832xi32, #tpu.memory_space<vmem>>, vector<16xi32>,
      %sub3A_115 = arith.subi %iota3A, %iota3A : vector<16xi32>
      %swap3A_116 = arith.index_cast %mul3A_95 : i32 to index
      %swap3A_117 = tpu.vector_load %arg11[%swap3A_116] {strides = array<i32>} : memref<10832xi32, #tpu.memory_space<vmem>>, vector<16xi32>,
      %swap3A_118 = vector.shape_cast %swap3A_117 : vector<16xi32> to vector<16xi32>
      %swap3A_119 = vector.shape_cast %sub3A_115 : vector<16xi32> to vector<16xi32>
      tpu.vector_store %arg11[%swap3A_116], %swap3A_119 {strides = array<i32>} : memref<10832xi32, #tpu.memory_space<vmem>>, vector<16xi32>,
    }
    %scan3A_17 = arith.constant 676 : i32
    %sub3A_18 = arith.subi %iota3A, %iota3A : vector<16xi32>
    %swap3A_19 = arith.constant 0 : i32
    %swap3A_20 = arith.constant 0 : i32
    %swap3A_21 = arith.index_cast %swap3A_20 : i32 to index
    %swap3A_22 = memref.load %arg20[%swap3A_21] : memref<2xi32, #tpu.memory_space<smem>>
    memref.store %swap3A_19, %arg20[%swap3A_21] : memref<2xi32, #tpu.memory_space<smem>>
    %swap3A_23 = arith.constant 0 : i32
    %swap3A_24 = arith.constant 1 : i32
    %swap3A_25 = arith.index_cast %swap3A_24 : i32 to index
    %swap3A_26 = memref.load %arg20[%swap3A_25] : memref<2xi32, #tpu.memory_space<smem>>
    memref.store %swap3A_23, %arg20[%swap3A_25] : memref<2xi32, #tpu.memory_space<smem>>
    %swap3A_27 = arith.constant 0 : index
    %swap3A_28 = tpu.vector_load %arg19[%swap3A_27] {strides = array<i32>} : memref<32xi32, #tpu.memory_space<vmem>>, vector<16xi32>,
    %swap3A_29 = vector.shape_cast %swap3A_28 : vector<16xi32> to vector<16xi32>
    %swap3A_30 = vector.shape_cast %sub3A_18 : vector<16xi32> to vector<16xi32>
    tpu.vector_store %arg19[%swap3A_27], %swap3A_30 {strides = array<i32>} : memref<32xi32, #tpu.memory_space<vmem>>, vector<16xi32>,
    %swap3A_31 = arith.constant 16 : index
    %swap3A_32 = tpu.vector_load %arg19[%swap3A_31] {strides = array<i32>} : memref<32xi32, #tpu.memory_space<vmem>>, vector<16xi32>,
    %swap3A_33 = vector.shape_cast %swap3A_32 : vector<16xi32> to vector<16xi32>
    %swap3A_34 = vector.shape_cast %sub3A_18 : vector<16xi32> to vector<16xi32>
    tpu.vector_store %arg19[%swap3A_31], %swap3A_34 {strides = array<i32>} : memref<32xi32, #tpu.memory_space<vmem>>, vector<16xi32>,
    %scan3A_35 = arith.constant 0 : i32
    %scan3A_36 = arith.constant 0 : i32
    %scan3A_37 = arith.constant 320 : i32
    %scan3A_38 = arith.addi %scan3A_36, %scan3A_37 : i32
    %scan3A_39 = arith.constant 1 : i32
    %scan3A_40 = scf.for %scan3A_93 = %scan3A_36 to %scan3A_38 step %scan3A_39 iter_args(%scan3A_94 = %scan3A_35) -> (i32)  : i32 {
      %mul3A_95 = arith.constant 1000 : i32
      %mul3A_96 = arith.muli %scan3A_93, %mul3A_95 : i32
      "tpu.region"() ({
        %run_scoped3A = tpu.sem_alloc : memref<!tpu.dma_semaphore, #tpu.memory_space<semaphore_mem>>
        %dma_start3A = tpu.memref_slice %arg2[%mul3A_96] : memref<320000xi32, #tpu.memory_space<hbm>> -> memref<1000xi32, #tpu.memory_space<hbm>>
        %dma_start3A_103 = tpu.memref_slice %arg2[%mul3A_96] : memref<320000xi32, #tpu.memory_space<hbm>> -> memref<1000xi32, #tpu.memory_space<hbm>>
        tpu.enqueue_dma source(%dma_start3A_103 : memref<1000xi32, #tpu.memory_space<hbm>>) target(%arg8 : memref<1000xi32, #tpu.memory_space<vmem>>) target_semaphore(%run_scoped3A : memref<!tpu.dma_semaphore, #tpu.memory_space<semaphore_mem>>)
        %dma_wait3A = tpu.memref_slice %arg2[%mul3A_96] : memref<320000xi32, #tpu.memory_space<hbm>> -> memref<1000xi32, #tpu.memory_space<hbm>>
        %dma_wait3A_104 = tpu.memref_slice %arg2[%mul3A_96] : memref<320000xi32, #tpu.memory_space<hbm>> -> memref<1000xi32, #tpu.memory_space<hbm>>
        tpu.wait_dma2 semaphore(%run_scoped3A : memref<!tpu.dma_semaphore, #tpu.memory_space<semaphore_mem>>) src(%dma_wait3A_104 : memref<1000xi32, #tpu.memory_space<hbm>>) dst(%arg8 : memref<1000xi32, #tpu.memory_space<vmem>>)
        tpu.yield
      }) : () -> ()
      "tpu.region"() ({
        %run_scoped3A = tpu.sem_alloc : memref<!tpu.dma_semaphore, #tpu.memory_space<semaphore_mem>>
        %dma_start3A = tpu.memref_slice %arg3[%mul3A_96] : memref<320000xi32, #tpu.memory_space<hbm>> -> memref<1000xi32, #tpu.memory_space<hbm>>
        %dma_start3A_103 = tpu.memref_slice %arg3[%mul3A_96] : memref<320000xi32, #tpu.memory_space<hbm>> -> memref<1000xi32, #tpu.memory_space<hbm>>
        tpu.enqueue_dma source(%dma_start3A_103 : memref<1000xi32, #tpu.memory_space<hbm>>) target(%arg9 : memref<1000xi32, #tpu.memory_space<vmem>>) target_semaphore(%run_scoped3A : memref<!tpu.dma_semaphore, #tpu.memory_space<semaphore_mem>>)
        %dma_wait3A = tpu.memref_slice %arg3[%mul3A_96] : memref<320000xi32, #tpu.memory_space<hbm>> -> memref<1000xi32, #tpu.memory_space<hbm>>
        %dma_wait3A_104 = tpu.memref_slice %arg3[%mul3A_96] : memref<320000xi32, #tpu.memory_space<hbm>> -> memref<1000xi32, #tpu.memory_space<hbm>>
        tpu.wait_dma2 semaphore(%run_scoped3A : memref<!tpu.dma_semaphore, #tpu.memory_space<semaphore_mem>>) src(%dma_wait3A_104 : memref<1000xi32, #tpu.memory_space<hbm>>) dst(%arg9 : memref<1000xi32, #tpu.memory_space<vmem>>)
        tpu.yield
      }) : () -> ()
      %scan3A_97 = arith.constant 0 : i32
      %scan3A_98 = arith.constant 62 : i32
      %scan3A_99 = arith.addi %scan3A_97, %scan3A_98 : i32
      %scan3A_100 = arith.constant 1 : i32
      %scan3A_101 = scf.for %scan3A_103 = %scan3A_97 to %scan3A_99 step %scan3A_100 iter_args(%scan3A_104 = %scan3A_94) -> (i32)  : i32 {
        %mul3A_105 = arith.constant 16 : i32
        %mul3A_106 = arith.muli %scan3A_103, %mul3A_105 : i32
        %get3A = arith.index_cast %mul3A_106 : i32 to index
        %get3A_107 = tpu.vector_load %arg8[%get3A] {strides = array<i32>} : memref<1000xi32, #tpu.memory_space<vmem>>, vector<16xi32>,
        %get3A_108 = vector.shape_cast %get3A_107 : vector<16xi32> to vector<16xi32>
        %sub3A_109 = vector.broadcast %mul3A_2 : i32 to vector<16xi32>
        %sub3A_110 = arith.subi %get3A_108, %sub3A_109 : vector<16xi32>
        %shift_right_logical3A = arith.constant 31 : i32
        %shift_right_logical3A_111 = vector.broadcast %shift_right_logical3A : i32 to vector<16xi32>
        %shift_right_logical3A_112 = arith.shrui %sub3A_110, %shift_right_logical3A_111 : vector<16xi32>
        %sub3A_113 = arith.constant 320 : i32
        %sub3A_114 = vector.broadcast %sub3A_113 : i32 to vector<16xi32>
        %sub3A_115 = arith.subi %sub3A_110, %sub3A_114 : vector<16xi32>
        %shift_right_logical3A_116 = arith.constant 31 : i32
        %shift_right_logical3A_117 = vector.broadcast %shift_right_logical3A_116 : i32 to vector<16xi32>
        %shift_right_logical3A_118 = arith.shrui %sub3A_115, %shift_right_logical3A_117 : vector<16xi32>
        %sub3A_119 = arith.constant 1 : i32
        %sub3A_120 = vector.broadcast %sub3A_119 : i32 to vector<16xi32>
        %sub3A_121 = arith.subi %sub3A_120, %shift_right_logical3A_112 : vector<16xi32>
        %mul3A_122 = arith.muli %sub3A_121, %shift_right_logical3A_118 : vector<16xi32>
        %slice3A = vector.extract_strided_slice %mul3A_122 {offsets = [0], sizes = [1], strides = [1]} : vector<16xi32> to vector<1xi32>
        %squeeze3A = vector.extract %slice3A[0] : i32 from vector<1xi32>
        %slice3A_123 = vector.extract_strided_slice %mul3A_122 {offsets = [1], sizes = [1], strides = [1]} : vector<16xi32> to vector<1xi32>
        %squeeze3A_124 = vector.extract %slice3A_123[0] : i32 from vector<1xi32>
        %add3A_125 = arith.addi %squeeze3A, %squeeze3A_124 : i32
        %slice3A_126 = vector.extract_strided_slice %mul3A_122 {offsets = [2], sizes = [1], strides = [1]} : vector<16xi32> to vector<1xi32>
        %squeeze3A_127 = vector.extract %slice3A_126[0] : i32 from vector<1xi32>
        %add3A_128 = arith.addi %add3A_125, %squeeze3A_127 : i32
        %slice3A_129 = vector.extract_strided_slice %mul3A_122 {offsets = [3], sizes = [1], strides = [1]} : vector<16xi32> to vector<1xi32>
        %squeeze3A_130 = vector.extract %slice3A_129[0] : i32 from vector<1xi32>
        %add3A_131 = arith.addi %add3A_128, %squeeze3A_130 : i32
        %slice3A_132 = vector.extract_strided_slice %mul3A_122 {offsets = [4], sizes = [1], strides = [1]} : vector<16xi32> to vector<1xi32>
        %squeeze3A_133 = vector.extract %slice3A_132[0] : i32 from vector<1xi32>
        %add3A_134 = arith.addi %add3A_131, %squeeze3A_133 : i32
        %slice3A_135 = vector.extract_strided_slice %mul3A_122 {offsets = [5], sizes = [1], strides = [1]} : vector<16xi32> to vector<1xi32>
        %squeeze3A_136 = vector.extract %slice3A_135[0] : i32 from vector<1xi32>
        %add3A_137 = arith.addi %add3A_134, %squeeze3A_136 : i32
        %slice3A_138 = vector.extract_strided_slice %mul3A_122 {offsets = [6], sizes = [1], strides = [1]} : vector<16xi32> to vector<1xi32>
        %squeeze3A_139 = vector.extract %slice3A_138[0] : i32 from vector<1xi32>
        %add3A_140 = arith.addi %add3A_137, %squeeze3A_139 : i32
        %slice3A_141 = vector.extract_strided_slice %mul3A_122 {offsets = [7], sizes = [1], strides = [1]} : vector<16xi32> to vector<1xi32>
        %squeeze3A_142 = vector.extract %slice3A_141[0] : i32 from vector<1xi32>
        %add3A_143 = arith.addi %add3A_140, %squeeze3A_142 : i32
        %slice3A_144 = vector.extract_strided_slice %mul3A_122 {offsets = [8], sizes = [1], strides = [1]} : vector<16xi32> to vector<1xi32>
        %squeeze3A_145 = vector.extract %slice3A_144[0] : i32 from vector<1xi32>
        %add3A_146 = arith.addi %add3A_143, %squeeze3A_145 : i32
        %slice3A_147 = vector.extract_strided_slice %mul3A_122 {offsets = [9], sizes = [1], strides = [1]} : vector<16xi32> to vector<1xi32>
        %squeeze3A_148 = vector.extract %slice3A_147[0] : i32 from vector<1xi32>
        %add3A_149 = arith.addi %add3A_146, %squeeze3A_148 : i32
        %slice3A_150 = vector.extract_strided_slice %mul3A_122 {offsets = [10], sizes = [1], strides = [1]} : vector<16xi32> to vector<1xi32>
        %squeeze3A_151 = vector.extract %slice3A_150[0] : i32 from vector<1xi32>
        %add3A_152 = arith.addi %add3A_149, %squeeze3A_151 : i32
        %slice3A_153 = vector.extract_strided_slice %mul3A_122 {offsets = [11], sizes = [1], strides = [1]} : vector<16xi32> to vector<1xi32>
        %squeeze3A_154 = vector.extract %slice3A_153[0] : i32 from vector<1xi32>
        %add3A_155 = arith.addi %add3A_152, %squeeze3A_154 : i32
        %slice3A_156 = vector.extract_strided_slice %mul3A_122 {offsets = [12], sizes = [1], strides = [1]} : vector<16xi32> to vector<1xi32>
        %squeeze3A_157 = vector.extract %slice3A_156[0] : i32 from vector<1xi32>
        %add3A_158 = arith.addi %add3A_155, %squeeze3A_157 : i32
        %slice3A_159 = vector.extract_strided_slice %mul3A_122 {offsets = [13], sizes = [1], strides = [1]} : vector<16xi32> to vector<1xi32>
        %squeeze3A_160 = vector.extract %slice3A_159[0] : i32 from vector<1xi32>
        %add3A_161 = arith.addi %add3A_158, %squeeze3A_160 : i32
        %slice3A_162 = vector.extract_strided_slice %mul3A_122 {offsets = [14], sizes = [1], strides = [1]} : vector<16xi32> to vector<1xi32>
        %squeeze3A_163 = vector.extract %slice3A_162[0] : i32 from vector<1xi32>
        %add3A_164 = arith.addi %add3A_161, %squeeze3A_163 : i32
        %slice3A_165 = vector.extract_strided_slice %mul3A_122 {offsets = [15], sizes = [1], strides = [1]} : vector<16xi32> to vector<1xi32>
        %squeeze3A_166 = vector.extract %slice3A_165[0] : i32 from vector<1xi32>
        %add3A_167 = arith.addi %add3A_164, %squeeze3A_166 : i32
        %gt3A = arith.constant 0 : i32
        %gt3A_168 = arith.cmpi sgt, %add3A_167, %gt3A : i32
        %convert_element_type3A = arith.extui %gt3A_168 : i1 to i32
        %cond3A = arith.constant 0 : i32
        %cond3A_169 = arith.cmpi ne, %convert_element_type3A, %cond3A : i32
        scf.if %cond3A_169 {
          %get3A_178 = arith.index_cast %mul3A_106 : i32 to index
          %get3A_179 = tpu.vector_load %arg9[%get3A_178] {strides = array<i32>} : memref<1000xi32, #tpu.memory_space<vmem>>, vector<16xi32>,
          %get3A_180 = vector.shape_cast %get3A_179 : vector<16xi32> to vector<16xi32>
          %slice3A_181 = vector.extract_strided_slice %mul3A_122 {offsets = [0], sizes = [1], strides = [1]} : vector<16xi32> to vector<1xi32>
          %squeeze3A_182 = vector.extract %slice3A_181[0] : i32 from vector<1xi32>
          %mul3A_183 = arith.muli %scan3A_104, %squeeze3A_182 : i32
          %sub3A_184 = arith.constant 1 : i32
          %sub3A_185 = arith.subi %sub3A_184, %squeeze3A_182 : i32
          %mul3A_186 = arith.constant 10816 : i32
          %mul3A_187 = arith.muli %mul3A_186, %sub3A_185 : i32
          %add3A_188 = arith.addi %mul3A_183, %mul3A_187 : i32
          %slice3A_189 = vector.extract_strided_slice %sub3A_110 {offsets = [0], sizes = [1], strides = [1]} : vector<16xi32> to vector<1xi32>
          %squeeze3A_190 = vector.extract %slice3A_189[0] : i32 from vector<1xi32>
          %slice3A_191 = vector.extract_strided_slice %get3A_180 {offsets = [0], sizes = [1], strides = [1]} : vector<16xi32> to vector<1xi32>
          %squeeze3A_192 = vector.extract %slice3A_191[0] : i32 from vector<1xi32>
          %mul3A_193 = arith.constant 512 : i32
          %mul3A_194 = arith.muli %squeeze3A_192, %mul3A_193 : i32
          %add3A_195 = arith.addi %squeeze3A_190, %mul3A_194 : i32
          %add3A_196 = vector.broadcast %add3A_195 : i32 to vector<16xi32>
          %add3A_197 = arith.addi %sub3A_18, %add3A_196 : vector<16xi32>
          %swap3A_198 = arith.index_cast %add3A_188 : i32 to index
          %swap3A_199 = tpu.vector_load %arg10[%swap3A_198] {strides = array<i32>} : memref<10832xi32, #tpu.memory_space<vmem>>, vector<16xi32>,
          %swap3A_200 = vector.shape_cast %swap3A_199 : vector<16xi32> to vector<16xi32>
          %swap3A_201 = vector.shape_cast %add3A_197 : vector<16xi32> to vector<16xi32>
          tpu.vector_store %arg10[%swap3A_198], %swap3A_201 {strides = array<i32>} : memref<10832xi32, #tpu.memory_space<vmem>>, vector<16xi32>,
          %add3A_202 = arith.addi %mul3A_96, %mul3A_106 : i32
          %add3A_203 = arith.constant 0 : i32
          %add3A_204 = arith.addi %add3A_202, %add3A_203 : i32
          %add3A_205 = vector.broadcast %add3A_204 : i32 to vector<16xi32>
          %add3A_206 = arith.addi %sub3A_18, %add3A_205 : vector<16xi32>
          %swap3A_207 = arith.index_cast %add3A_188 : i32 to index
          %swap3A_208 = tpu.vector_load %arg11[%swap3A_207] {strides = array<i32>} : memref<10832xi32, #tpu.memory_space<vmem>>, vector<16xi32>,
          %swap3A_209 = vector.shape_cast %swap3A_208 : vector<16xi32> to vector<16xi32>
          %swap3A_210 = vector.shape_cast %add3A_206 : vector<16xi32> to vector<16xi32>
          tpu.vector_store %arg11[%swap3A_207], %swap3A_210 {strides = array<i32>} : memref<10832xi32, #tpu.memory_space<vmem>>, vector<16xi32>,
          %add3A_211 = arith.addi %scan3A_104, %squeeze3A_182 : i32
          %slice3A_212 = vector.extract_strided_slice %mul3A_122 {offsets = [1], sizes = [1], strides = [1]} : vector<16xi32> to vector<1xi32>
          %squeeze3A_213 = vector.extract %slice3A_212[0] : i32 from vector<1xi32>
          %mul3A_214 = arith.muli %add3A_211, %squeeze3A_213 : i32
          %sub3A_215 = arith.constant 1 : i32
          %sub3A_216 = arith.subi %sub3A_215, %squeeze3A_213 : i32
          %mul3A_217 = arith.constant 10816 : i32
          %mul3A_218 = arith.muli %mul3A_217, %sub3A_216 : i32
          %add3A_219 = arith.addi %mul3A_214, %mul3A_218 : i32
          %slice3A_220 = vector.extract_strided_slice %sub3A_110 {offsets = [1], sizes = [1], strides = [1]} : vector<16xi32> to vector<1xi32>
          %squeeze3A_221 = vector.extract %slice3A_220[0] : i32 from vector<1xi32>
          %slice3A_222 = vector.extract_strided_slice %get3A_180 {offsets = [1], sizes = [1], strides = [1]} : vector<16xi32> to vector<1xi32>
          %squeeze3A_223 = vector.extract %slice3A_222[0] : i32 from vector<1xi32>
          %mul3A_224 = arith.constant 512 : i32
          %mul3A_225 = arith.muli %squeeze3A_223, %mul3A_224 : i32
          %add3A_226 = arith.addi %squeeze3A_221, %mul3A_225 : i32
          %add3A_227 = vector.broadcast %add3A_226 : i32 to vector<16xi32>
          %add3A_228 = arith.addi %sub3A_18, %add3A_227 : vector<16xi32>
          %swap3A_229 = arith.index_cast %add3A_219 : i32 to index
          %swap3A_230 = tpu.vector_load %arg10[%swap3A_229] {strides = array<i32>} : memref<10832xi32, #tpu.memory_space<vmem>>, vector<16xi32>,
          %swap3A_231 = vector.shape_cast %swap3A_230 : vector<16xi32> to vector<16xi32>
          %swap3A_232 = vector.shape_cast %add3A_228 : vector<16xi32> to vector<16xi32>
          tpu.vector_store %arg10[%swap3A_229], %swap3A_232 {strides = array<i32>} : memref<10832xi32, #tpu.memory_space<vmem>>, vector<16xi32>,
          %add3A_233 = arith.addi %mul3A_96, %mul3A_106 : i32
          %add3A_234 = arith.constant 1 : i32
          %add3A_235 = arith.addi %add3A_233, %add3A_234 : i32
          %add3A_236 = vector.broadcast %add3A_235 : i32 to vector<16xi32>
          %add3A_237 = arith.addi %sub3A_18, %add3A_236 : vector<16xi32>
          %swap3A_238 = arith.index_cast %add3A_219 : i32 to index
          %swap3A_239 = tpu.vector_load %arg11[%swap3A_238] {strides = array<i32>} : memref<10832xi32, #tpu.memory_space<vmem>>, vector<16xi32>,
          %swap3A_240 = vector.shape_cast %swap3A_239 : vector<16xi32> to vector<16xi32>
          %swap3A_241 = vector.shape_cast %add3A_237 : vector<16xi32> to vector<16xi32>
          tpu.vector_store %arg11[%swap3A_238], %swap3A_241 {strides = array<i32>} : memref<10832xi32, #tpu.memory_space<vmem>>, vector<16xi32>,
          %add3A_242 = arith.addi %add3A_211, %squeeze3A_213 : i32
          %slice3A_243 = vector.extract_strided_slice %mul3A_122 {offsets = [2], sizes = [1], strides = [1]} : vector<16xi32> to vector<1xi32>
          %squeeze3A_244 = vector.extract %slice3A_243[0] : i32 from vector<1xi32>
          %mul3A_245 = arith.muli %add3A_242, %squeeze3A_244 : i32
          %sub3A_246 = arith.constant 1 : i32
          %sub3A_247 = arith.subi %sub3A_246, %squeeze3A_244 : i32
          %mul3A_248 = arith.constant 10816 : i32
          %mul3A_249 = arith.muli %mul3A_248, %sub3A_247 : i32
          %add3A_250 = arith.addi %mul3A_245, %mul3A_249 : i32
          %slice3A_251 = vector.extract_strided_slice %sub3A_110 {offsets = [2], sizes = [1], strides = [1]} : vector<16xi32> to vector<1xi32>
          %squeeze3A_252 = vector.extract %slice3A_251[0] : i32 from vector<1xi32>
          %slice3A_253 = vector.extract_strided_slice %get3A_180 {offsets = [2], sizes = [1], strides = [1]} : vector<16xi32> to vector<1xi32>
          %squeeze3A_254 = vector.extract %slice3A_253[0] : i32 from vector<1xi32>
          %mul3A_255 = arith.constant 512 : i32
          %mul3A_256 = arith.muli %squeeze3A_254, %mul3A_255 : i32
          %add3A_257 = arith.addi %squeeze3A_252, %mul3A_256 : i32
          %add3A_258 = vector.broadcast %add3A_257 : i32 to vector<16xi32>
          %add3A_259 = arith.addi %sub3A_18, %add3A_258 : vector<16xi32>
          %swap3A_260 = arith.index_cast %add3A_250 : i32 to index
          %swap3A_261 = tpu.vector_load %arg10[%swap3A_260] {strides = array<i32>} : memref<10832xi32, #tpu.memory_space<vmem>>, vector<16xi32>,
          %swap3A_262 = vector.shape_cast %swap3A_261 : vector<16xi32> to vector<16xi32>
          %swap3A_263 = vector.shape_cast %add3A_259 : vector<16xi32> to vector<16xi32>
          tpu.vector_store %arg10[%swap3A_260], %swap3A_263 {strides = array<i32>} : memref<10832xi32, #tpu.memory_space<vmem>>, vector<16xi32>,
          %add3A_264 = arith.addi %mul3A_96, %mul3A_106 : i32
          %add3A_265 = arith.constant 2 : i32
          %add3A_266 = arith.addi %add3A_264, %add3A_265 : i32
          %add3A_267 = vector.broadcast %add3A_266 : i32 to vector<16xi32>
          %add3A_268 = arith.addi %sub3A_18, %add3A_267 : vector<16xi32>
          %swap3A_269 = arith.index_cast %add3A_250 : i32 to index
          %swap3A_270 = tpu.vector_load %arg11[%swap3A_269] {strides = array<i32>} : memref<10832xi32, #tpu.memory_space<vmem>>, vector<16xi32>,
          %swap3A_271 = vector.shape_cast %swap3A_270 : vector<16xi32> to vector<16xi32>
          %swap3A_272 = vector.shape_cast %add3A_268 : vector<16xi32> to vector<16xi32>
          tpu.vector_store %arg11[%swap3A_269], %swap3A_272 {strides = array<i32>} : memref<10832xi32, #tpu.memory_space<vmem>>, vector<16xi32>,
          %add3A_273 = arith.addi %add3A_242, %squeeze3A_244 : i32
          %slice3A_274 = vector.extract_strided_slice %mul3A_122 {offsets = [3], sizes = [1], strides = [1]} : vector<16xi32> to vector<1xi32>
          %squeeze3A_275 = vector.extract %slice3A_274[0] : i32 from vector<1xi32>
          %mul3A_276 = arith.muli %add3A_273, %squeeze3A_275 : i32
          %sub3A_277 = arith.constant 1 : i32
          %sub3A_278 = arith.subi %sub3A_277, %squeeze3A_275 : i32
          %mul3A_279 = arith.constant 10816 : i32
          %mul3A_280 = arith.muli %mul3A_279, %sub3A_278 : i32
          %add3A_281 = arith.addi %mul3A_276, %mul3A_280 : i32
          %slice3A_282 = vector.extract_strided_slice %sub3A_110 {offsets = [3], sizes = [1], strides = [1]} : vector<16xi32> to vector<1xi32>
          %squeeze3A_283 = vector.extract %slice3A_282[0] : i32 from vector<1xi32>
          %slice3A_284 = vector.extract_strided_slice %get3A_180 {offsets = [3], sizes = [1], strides = [1]} : vector<16xi32> to vector<1xi32>
          %squeeze3A_285 = vector.extract %slice3A_284[0] : i32 from vector<1xi32>
          %mul3A_286 = arith.constant 512 : i32
          %mul3A_287 = arith.muli %squeeze3A_285, %mul3A_286 : i32
          %add3A_288 = arith.addi %squeeze3A_283, %mul3A_287 : i32
          %add3A_289 = vector.broadcast %add3A_288 : i32 to vector<16xi32>
          %add3A_290 = arith.addi %sub3A_18, %add3A_289 : vector<16xi32>
          %swap3A_291 = arith.index_cast %add3A_281 : i32 to index
          %swap3A_292 = tpu.vector_load %arg10[%swap3A_291] {strides = array<i32>} : memref<10832xi32, #tpu.memory_space<vmem>>, vector<16xi32>,
          %swap3A_293 = vector.shape_cast %swap3A_292 : vector<16xi32> to vector<16xi32>
          %swap3A_294 = vector.shape_cast %add3A_290 : vector<16xi32> to vector<16xi32>
          tpu.vector_store %arg10[%swap3A_291], %swap3A_294 {strides = array<i32>} : memref<10832xi32, #tpu.memory_space<vmem>>, vector<16xi32>,
          %add3A_295 = arith.addi %mul3A_96, %mul3A_106 : i32
          %add3A_296 = arith.constant 3 : i32
          %add3A_297 = arith.addi %add3A_295, %add3A_296 : i32
          %add3A_298 = vector.broadcast %add3A_297 : i32 to vector<16xi32>
          %add3A_299 = arith.addi %sub3A_18, %add3A_298 : vector<16xi32>
          %swap3A_300 = arith.index_cast %add3A_281 : i32 to index
          %swap3A_301 = tpu.vector_load %arg11[%swap3A_300] {strides = array<i32>} : memref<10832xi32, #tpu.memory_space<vmem>>, vector<16xi32>,
          %swap3A_302 = vector.shape_cast %swap3A_301 : vector<16xi32> to vector<16xi32>
          %swap3A_303 = vector.shape_cast %add3A_299 : vector<16xi32> to vector<16xi32>
          tpu.vector_store %arg11[%swap3A_300], %swap3A_303 {strides = array<i32>} : memref<10832xi32, #tpu.memory_space<vmem>>, vector<16xi32>,
          %add3A_304 = arith.addi %add3A_273, %squeeze3A_275 : i32
          %slice3A_305 = vector.extract_strided_slice %mul3A_122 {offsets = [4], sizes = [1], strides = [1]} : vector<16xi32> to vector<1xi32>
          %squeeze3A_306 = vector.extract %slice3A_305[0] : i32 from vector<1xi32>
          %mul3A_307 = arith.muli %add3A_304, %squeeze3A_306 : i32
          %sub3A_308 = arith.constant 1 : i32
          %sub3A_309 = arith.subi %sub3A_308, %squeeze3A_306 : i32
          %mul3A_310 = arith.constant 10816 : i32
          %mul3A_311 = arith.muli %mul3A_310, %sub3A_309 : i32
          %add3A_312 = arith.addi %mul3A_307, %mul3A_311 : i32
          %slice3A_313 = vector.extract_strided_slice %sub3A_110 {offsets = [4], sizes = [1], strides = [1]} : vector<16xi32> to vector<1xi32>
          %squeeze3A_314 = vector.extract %slice3A_313[0] : i32 from vector<1xi32>
          %slice3A_315 = vector.extract_strided_slice %get3A_180 {offsets = [4], sizes = [1], strides = [1]} : vector<16xi32> to vector<1xi32>
          %squeeze3A_316 = vector.extract %slice3A_315[0] : i32 from vector<1xi32>
          %mul3A_317 = arith.constant 512 : i32
          %mul3A_318 = arith.muli %squeeze3A_316, %mul3A_317 : i32
          %add3A_319 = arith.addi %squeeze3A_314, %mul3A_318 : i32
          %add3A_320 = vector.broadcast %add3A_319 : i32 to vector<16xi32>
          %add3A_321 = arith.addi %sub3A_18, %add3A_320 : vector<16xi32>
          %swap3A_322 = arith.index_cast %add3A_312 : i32 to index
          %swap3A_323 = tpu.vector_load %arg10[%swap3A_322] {strides = array<i32>} : memref<10832xi32, #tpu.memory_space<vmem>>, vector<16xi32>,
          %swap3A_324 = vector.shape_cast %swap3A_323 : vector<16xi32> to vector<16xi32>
          %swap3A_325 = vector.shape_cast %add3A_321 : vector<16xi32> to vector<16xi32>
          tpu.vector_store %arg10[%swap3A_322], %swap3A_325 {strides = array<i32>} : memref<10832xi32, #tpu.memory_space<vmem>>, vector<16xi32>,
          %add3A_326 = arith.addi %mul3A_96, %mul3A_106 : i32
          %add3A_327 = arith.constant 4 : i32
          %add3A_328 = arith.addi %add3A_326, %add3A_327 : i32
          %add3A_329 = vector.broadcast %add3A_328 : i32 to vector<16xi32>
          %add3A_330 = arith.addi %sub3A_18, %add3A_329 : vector<16xi32>
          %swap3A_331 = arith.index_cast %add3A_312 : i32 to index
          %swap3A_332 = tpu.vector_load %arg11[%swap3A_331] {strides = array<i32>} : memref<10832xi32, #tpu.memory_space<vmem>>, vector<16xi32>,
          %swap3A_333 = vector.shape_cast %swap3A_332 : vector<16xi32> to vector<16xi32>
          %swap3A_334 = vector.shape_cast %add3A_330 : vector<16xi32> to vector<16xi32>
          tpu.vector_store %arg11[%swap3A_331], %swap3A_334 {strides = array<i32>} : memref<10832xi32, #tpu.memory_space<vmem>>, vector<16xi32>,
          %add3A_335 = arith.addi %add3A_304, %squeeze3A_306 : i32
          %slice3A_336 = vector.extract_strided_slice %mul3A_122 {offsets = [5], sizes = [1], strides = [1]} : vector<16xi32> to vector<1xi32>
          %squeeze3A_337 = vector.extract %slice3A_336[0] : i32 from vector<1xi32>
          %mul3A_338 = arith.muli %add3A_335, %squeeze3A_337 : i32
          %sub3A_339 = arith.constant 1 : i32
          %sub3A_340 = arith.subi %sub3A_339, %squeeze3A_337 : i32
          %mul3A_341 = arith.constant 10816 : i32
          %mul3A_342 = arith.muli %mul3A_341, %sub3A_340 : i32
          %add3A_343 = arith.addi %mul3A_338, %mul3A_342 : i32
          %slice3A_344 = vector.extract_strided_slice %sub3A_110 {offsets = [5], sizes = [1], strides = [1]} : vector<16xi32> to vector<1xi32>
          %squeeze3A_345 = vector.extract %slice3A_344[0] : i32 from vector<1xi32>
          %slice3A_346 = vector.extract_strided_slice %get3A_180 {offsets = [5], sizes = [1], strides = [1]} : vector<16xi32> to vector<1xi32>
          %squeeze3A_347 = vector.extract %slice3A_346[0] : i32 from vector<1xi32>
          %mul3A_348 = arith.constant 512 : i32
          %mul3A_349 = arith.muli %squeeze3A_347, %mul3A_348 : i32
          %add3A_350 = arith.addi %squeeze3A_345, %mul3A_349 : i32
          %add3A_351 = vector.broadcast %add3A_350 : i32 to vector<16xi32>
          %add3A_352 = arith.addi %sub3A_18, %add3A_351 : vector<16xi32>
          %swap3A_353 = arith.index_cast %add3A_343 : i32 to index
          %swap3A_354 = tpu.vector_load %arg10[%swap3A_353] {strides = array<i32>} : memref<10832xi32, #tpu.memory_space<vmem>>, vector<16xi32>,
          %swap3A_355 = vector.shape_cast %swap3A_354 : vector<16xi32> to vector<16xi32>
          %swap3A_356 = vector.shape_cast %add3A_352 : vector<16xi32> to vector<16xi32>
          tpu.vector_store %arg10[%swap3A_353], %swap3A_356 {strides = array<i32>} : memref<10832xi32, #tpu.memory_space<vmem>>, vector<16xi32>,
          %add3A_357 = arith.addi %mul3A_96, %mul3A_106 : i32
          %add3A_358 = arith.constant 5 : i32
          %add3A_359 = arith.addi %add3A_357, %add3A_358 : i32
          %add3A_360 = vector.broadcast %add3A_359 : i32 to vector<16xi32>
          %add3A_361 = arith.addi %sub3A_18, %add3A_360 : vector<16xi32>
          %swap3A_362 = arith.index_cast %add3A_343 : i32 to index
          %swap3A_363 = tpu.vector_load %arg11[%swap3A_362] {strides = array<i32>} : memref<10832xi32, #tpu.memory_space<vmem>>, vector<16xi32>,
          %swap3A_364 = vector.shape_cast %swap3A_363 : vector<16xi32> to vector<16xi32>
          %swap3A_365 = vector.shape_cast %add3A_361 : vector<16xi32> to vector<16xi32>
          tpu.vector_store %arg11[%swap3A_362], %swap3A_365 {strides = array<i32>} : memref<10832xi32, #tpu.memory_space<vmem>>, vector<16xi32>,
          %add3A_366 = arith.addi %add3A_335, %squeeze3A_337 : i32
          %slice3A_367 = vector.extract_strided_slice %mul3A_122 {offsets = [6], sizes = [1], strides = [1]} : vector<16xi32> to vector<1xi32>
          %squeeze3A_368 = vector.extract %slice3A_367[0] : i32 from vector<1xi32>
          %mul3A_369 = arith.muli %add3A_366, %squeeze3A_368 : i32
          %sub3A_370 = arith.constant 1 : i32
          %sub3A_371 = arith.subi %sub3A_370, %squeeze3A_368 : i32
          %mul3A_372 = arith.constant 10816 : i32
          %mul3A_373 = arith.muli %mul3A_372, %sub3A_371 : i32
          %add3A_374 = arith.addi %mul3A_369, %mul3A_373 : i32
          %slice3A_375 = vector.extract_strided_slice %sub3A_110 {offsets = [6], sizes = [1], strides = [1]} : vector<16xi32> to vector<1xi32>
          %squeeze3A_376 = vector.extract %slice3A_375[0] : i32 from vector<1xi32>
          %slice3A_377 = vector.extract_strided_slice %get3A_180 {offsets = [6], sizes = [1], strides = [1]} : vector<16xi32> to vector<1xi32>
          %squeeze3A_378 = vector.extract %slice3A_377[0] : i32 from vector<1xi32>
          %mul3A_379 = arith.constant 512 : i32
          %mul3A_380 = arith.muli %squeeze3A_378, %mul3A_379 : i32
          %add3A_381 = arith.addi %squeeze3A_376, %mul3A_380 : i32
          %add3A_382 = vector.broadcast %add3A_381 : i32 to vector<16xi32>
          %add3A_383 = arith.addi %sub3A_18, %add3A_382 : vector<16xi32>
          %swap3A_384 = arith.index_cast %add3A_374 : i32 to index
          %swap3A_385 = tpu.vector_load %arg10[%swap3A_384] {strides = array<i32>} : memref<10832xi32, #tpu.memory_space<vmem>>, vector<16xi32>,
          %swap3A_386 = vector.shape_cast %swap3A_385 : vector<16xi32> to vector<16xi32>
          %swap3A_387 = vector.shape_cast %add3A_383 : vector<16xi32> to vector<16xi32>
          tpu.vector_store %arg10[%swap3A_384], %swap3A_387 {strides = array<i32>} : memref<10832xi32, #tpu.memory_space<vmem>>, vector<16xi32>,
          %add3A_388 = arith.addi %mul3A_96, %mul3A_106 : i32
          %add3A_389 = arith.constant 6 : i32
          %add3A_390 = arith.addi %add3A_388, %add3A_389 : i32
          %add3A_391 = vector.broadcast %add3A_390 : i32 to vector<16xi32>
          %add3A_392 = arith.addi %sub3A_18, %add3A_391 : vector<16xi32>
          %swap3A_393 = arith.index_cast %add3A_374 : i32 to index
          %swap3A_394 = tpu.vector_load %arg11[%swap3A_393] {strides = array<i32>} : memref<10832xi32, #tpu.memory_space<vmem>>, vector<16xi32>,
          %swap3A_395 = vector.shape_cast %swap3A_394 : vector<16xi32> to vector<16xi32>
          %swap3A_396 = vector.shape_cast %add3A_392 : vector<16xi32> to vector<16xi32>
          tpu.vector_store %arg11[%swap3A_393], %swap3A_396 {strides = array<i32>} : memref<10832xi32, #tpu.memory_space<vmem>>, vector<16xi32>,
          %add3A_397 = arith.addi %add3A_366, %squeeze3A_368 : i32
          %slice3A_398 = vector.extract_strided_slice %mul3A_122 {offsets = [7], sizes = [1], strides = [1]} : vector<16xi32> to vector<1xi32>
          %squeeze3A_399 = vector.extract %slice3A_398[0] : i32 from vector<1xi32>
          %mul3A_400 = arith.muli %add3A_397, %squeeze3A_399 : i32
          %sub3A_401 = arith.constant 1 : i32
          %sub3A_402 = arith.subi %sub3A_401, %squeeze3A_399 : i32
          %mul3A_403 = arith.constant 10816 : i32
          %mul3A_404 = arith.muli %mul3A_403, %sub3A_402 : i32
          %add3A_405 = arith.addi %mul3A_400, %mul3A_404 : i32
          %slice3A_406 = vector.extract_strided_slice %sub3A_110 {offsets = [7], sizes = [1], strides = [1]} : vector<16xi32> to vector<1xi32>
          %squeeze3A_407 = vector.extract %slice3A_406[0] : i32 from vector<1xi32>
          %slice3A_408 = vector.extract_strided_slice %get3A_180 {offsets = [7], sizes = [1], strides = [1]} : vector<16xi32> to vector<1xi32>
          %squeeze3A_409 = vector.extract %slice3A_408[0] : i32 from vector<1xi32>
          %mul3A_410 = arith.constant 512 : i32
          %mul3A_411 = arith.muli %squeeze3A_409, %mul3A_410 : i32
          %add3A_412 = arith.addi %squeeze3A_407, %mul3A_411 : i32
          %add3A_413 = vector.broadcast %add3A_412 : i32 to vector<16xi32>
          %add3A_414 = arith.addi %sub3A_18, %add3A_413 : vector<16xi32>
          %swap3A_415 = arith.index_cast %add3A_405 : i32 to index
          %swap3A_416 = tpu.vector_load %arg10[%swap3A_415] {strides = array<i32>} : memref<10832xi32, #tpu.memory_space<vmem>>, vector<16xi32>,
          %swap3A_417 = vector.shape_cast %swap3A_416 : vector<16xi32> to vector<16xi32>
          %swap3A_418 = vector.shape_cast %add3A_414 : vector<16xi32> to vector<16xi32>
          tpu.vector_store %arg10[%swap3A_415], %swap3A_418 {strides = array<i32>} : memref<10832xi32, #tpu.memory_space<vmem>>, vector<16xi32>,
          %add3A_419 = arith.addi %mul3A_96, %mul3A_106 : i32
          %add3A_420 = arith.constant 7 : i32
          %add3A_421 = arith.addi %add3A_419, %add3A_420 : i32
          %add3A_422 = vector.broadcast %add3A_421 : i32 to vector<16xi32>
          %add3A_423 = arith.addi %sub3A_18, %add3A_422 : vector<16xi32>
          %swap3A_424 = arith.index_cast %add3A_405 : i32 to index
          %swap3A_425 = tpu.vector_load %arg11[%swap3A_424] {strides = array<i32>} : memref<10832xi32, #tpu.memory_space<vmem>>, vector<16xi32>,
          %swap3A_426 = vector.shape_cast %swap3A_425 : vector<16xi32> to vector<16xi32>
          %swap3A_427 = vector.shape_cast %add3A_423 : vector<16xi32> to vector<16xi32>
          tpu.vector_store %arg11[%swap3A_424], %swap3A_427 {strides = array<i32>} : memref<10832xi32, #tpu.memory_space<vmem>>, vector<16xi32>,
          %add3A_428 = arith.addi %add3A_397, %squeeze3A_399 : i32
          %slice3A_429 = vector.extract_strided_slice %mul3A_122 {offsets = [8], sizes = [1], strides = [1]} : vector<16xi32> to vector<1xi32>
          %squeeze3A_430 = vector.extract %slice3A_429[0] : i32 from vector<1xi32>
          %mul3A_431 = arith.muli %add3A_428, %squeeze3A_430 : i32
          %sub3A_432 = arith.constant 1 : i32
          %sub3A_433 = arith.subi %sub3A_432, %squeeze3A_430 : i32
          %mul3A_434 = arith.constant 10816 : i32
          %mul3A_435 = arith.muli %mul3A_434, %sub3A_433 : i32
          %add3A_436 = arith.addi %mul3A_431, %mul3A_435 : i32
          %slice3A_437 = vector.extract_strided_slice %sub3A_110 {offsets = [8], sizes = [1], strides = [1]} : vector<16xi32> to vector<1xi32>
          %squeeze3A_438 = vector.extract %slice3A_437[0] : i32 from vector<1xi32>
          %slice3A_439 = vector.extract_strided_slice %get3A_180 {offsets = [8], sizes = [1], strides = [1]} : vector<16xi32> to vector<1xi32>
          %squeeze3A_440 = vector.extract %slice3A_439[0] : i32 from vector<1xi32>
          %mul3A_441 = arith.constant 512 : i32
          %mul3A_442 = arith.muli %squeeze3A_440, %mul3A_441 : i32
          %add3A_443 = arith.addi %squeeze3A_438, %mul3A_442 : i32
          %add3A_444 = vector.broadcast %add3A_443 : i32 to vector<16xi32>
          %add3A_445 = arith.addi %sub3A_18, %add3A_444 : vector<16xi32>
          %swap3A_446 = arith.index_cast %add3A_436 : i32 to index
          %swap3A_447 = tpu.vector_load %arg10[%swap3A_446] {strides = array<i32>} : memref<10832xi32, #tpu.memory_space<vmem>>, vector<16xi32>,
          %swap3A_448 = vector.shape_cast %swap3A_447 : vector<16xi32> to vector<16xi32>
          %swap3A_449 = vector.shape_cast %add3A_445 : vector<16xi32> to vector<16xi32>
          tpu.vector_store %arg10[%swap3A_446], %swap3A_449 {strides = array<i32>} : memref<10832xi32, #tpu.memory_space<vmem>>, vector<16xi32>,
          %add3A_450 = arith.addi %mul3A_96, %mul3A_106 : i32
          %add3A_451 = arith.constant 8 : i32
          %add3A_452 = arith.addi %add3A_450, %add3A_451 : i32
          %add3A_453 = vector.broadcast %add3A_452 : i32 to vector<16xi32>
          %add3A_454 = arith.addi %sub3A_18, %add3A_453 : vector<16xi32>
          %swap3A_455 = arith.index_cast %add3A_436 : i32 to index
          %swap3A_456 = tpu.vector_load %arg11[%swap3A_455] {strides = array<i32>} : memref<10832xi32, #tpu.memory_space<vmem>>, vector<16xi32>,
          %swap3A_457 = vector.shape_cast %swap3A_456 : vector<16xi32> to vector<16xi32>
          %swap3A_458 = vector.shape_cast %add3A_454 : vector<16xi32> to vector<16xi32>
          tpu.vector_store %arg11[%swap3A_455], %swap3A_458 {strides = array<i32>} : memref<10832xi32, #tpu.memory_space<vmem>>, vector<16xi32>,
          %add3A_459 = arith.addi %add3A_428, %squeeze3A_430 : i32
          %slice3A_460 = vector.extract_strided_slice %mul3A_122 {offsets = [9], sizes = [1], strides = [1]} : vector<16xi32> to vector<1xi32>
          %squeeze3A_461 = vector.extract %slice3A_460[0] : i32 from vector<1xi32>
          %mul3A_462 = arith.muli %add3A_459, %squeeze3A_461 : i32
          %sub3A_463 = arith.constant 1 : i32
          %sub3A_464 = arith.subi %sub3A_463, %squeeze3A_461 : i32
          %mul3A_465 = arith.constant 10816 : i32
          %mul3A_466 = arith.muli %mul3A_465, %sub3A_464 : i32
          %add3A_467 = arith.addi %mul3A_462, %mul3A_466 : i32
          %slice3A_468 = vector.extract_strided_slice %sub3A_110 {offsets = [9], sizes = [1], strides = [1]} : vector<16xi32> to vector<1xi32>
          %squeeze3A_469 = vector.extract %slice3A_468[0] : i32 from vector<1xi32>
          %slice3A_470 = vector.extract_strided_slice %get3A_180 {offsets = [9], sizes = [1], strides = [1]} : vector<16xi32> to vector<1xi32>
          %squeeze3A_471 = vector.extract %slice3A_470[0] : i32 from vector<1xi32>
          %mul3A_472 = arith.constant 512 : i32
          %mul3A_473 = arith.muli %squeeze3A_471, %mul3A_472 : i32
          %add3A_474 = arith.addi %squeeze3A_469, %mul3A_473 : i32
          %add3A_475 = vector.broadcast %add3A_474 : i32 to vector<16xi32>
          %add3A_476 = arith.addi %sub3A_18, %add3A_475 : vector<16xi32>
          %swap3A_477 = arith.index_cast %add3A_467 : i32 to index
          %swap3A_478 = tpu.vector_load %arg10[%swap3A_477] {strides = array<i32>} : memref<10832xi32, #tpu.memory_space<vmem>>, vector<16xi32>,
          %swap3A_479 = vector.shape_cast %swap3A_478 : vector<16xi32> to vector<16xi32>
          %swap3A_480 = vector.shape_cast %add3A_476 : vector<16xi32> to vector<16xi32>
          tpu.vector_store %arg10[%swap3A_477], %swap3A_480 {strides = array<i32>} : memref<10832xi32, #tpu.memory_space<vmem>>, vector<16xi32>,
          %add3A_481 = arith.addi %mul3A_96, %mul3A_106 : i32
          %add3A_482 = arith.constant 9 : i32
          %add3A_483 = arith.addi %add3A_481, %add3A_482 : i32
          %add3A_484 = vector.broadcast %add3A_483 : i32 to vector<16xi32>
          %add3A_485 = arith.addi %sub3A_18, %add3A_484 : vector<16xi32>
          %swap3A_486 = arith.index_cast %add3A_467 : i32 to index
          %swap3A_487 = tpu.vector_load %arg11[%swap3A_486] {strides = array<i32>} : memref<10832xi32, #tpu.memory_space<vmem>>, vector<16xi32>,
          %swap3A_488 = vector.shape_cast %swap3A_487 : vector<16xi32> to vector<16xi32>
          %swap3A_489 = vector.shape_cast %add3A_485 : vector<16xi32> to vector<16xi32>
          tpu.vector_store %arg11[%swap3A_486], %swap3A_489 {strides = array<i32>} : memref<10832xi32, #tpu.memory_space<vmem>>, vector<16xi32>,
          %add3A_490 = arith.addi %add3A_459, %squeeze3A_461 : i32
          %slice3A_491 = vector.extract_strided_slice %mul3A_122 {offsets = [10], sizes = [1], strides = [1]} : vector<16xi32> to vector<1xi32>
          %squeeze3A_492 = vector.extract %slice3A_491[0] : i32 from vector<1xi32>
          %mul3A_493 = arith.muli %add3A_490, %squeeze3A_492 : i32
          %sub3A_494 = arith.constant 1 : i32
          %sub3A_495 = arith.subi %sub3A_494, %squeeze3A_492 : i32
          %mul3A_496 = arith.constant 10816 : i32
          %mul3A_497 = arith.muli %mul3A_496, %sub3A_495 : i32
          %add3A_498 = arith.addi %mul3A_493, %mul3A_497 : i32
          %slice3A_499 = vector.extract_strided_slice %sub3A_110 {offsets = [10], sizes = [1], strides = [1]} : vector<16xi32> to vector<1xi32>
          %squeeze3A_500 = vector.extract %slice3A_499[0] : i32 from vector<1xi32>
          %slice3A_501 = vector.extract_strided_slice %get3A_180 {offsets = [10], sizes = [1], strides = [1]} : vector<16xi32> to vector<1xi32>
          %squeeze3A_502 = vector.extract %slice3A_501[0] : i32 from vector<1xi32>
          %mul3A_503 = arith.constant 512 : i32
          %mul3A_504 = arith.muli %squeeze3A_502, %mul3A_503 : i32
          %add3A_505 = arith.addi %squeeze3A_500, %mul3A_504 : i32
          %add3A_506 = vector.broadcast %add3A_505 : i32 to vector<16xi32>
          %add3A_507 = arith.addi %sub3A_18, %add3A_506 : vector<16xi32>
          %swap3A_508 = arith.index_cast %add3A_498 : i32 to index
          %swap3A_509 = tpu.vector_load %arg10[%swap3A_508] {strides = array<i32>} : memref<10832xi32, #tpu.memory_space<vmem>>, vector<16xi32>,
          %swap3A_510 = vector.shape_cast %swap3A_509 : vector<16xi32> to vector<16xi32>
          %swap3A_511 = vector.shape_cast %add3A_507 : vector<16xi32> to vector<16xi32>
          tpu.vector_store %arg10[%swap3A_508], %swap3A_511 {strides = array<i32>} : memref<10832xi32, #tpu.memory_space<vmem>>, vector<16xi32>,
          %add3A_512 = arith.addi %mul3A_96, %mul3A_106 : i32
          %add3A_513 = arith.constant 10 : i32
          %add3A_514 = arith.addi %add3A_512, %add3A_513 : i32
          %add3A_515 = vector.broadcast %add3A_514 : i32 to vector<16xi32>
          %add3A_516 = arith.addi %sub3A_18, %add3A_515 : vector<16xi32>
          %swap3A_517 = arith.index_cast %add3A_498 : i32 to index
          %swap3A_518 = tpu.vector_load %arg11[%swap3A_517] {strides = array<i32>} : memref<10832xi32, #tpu.memory_space<vmem>>, vector<16xi32>,
          %swap3A_519 = vector.shape_cast %swap3A_518 : vector<16xi32> to vector<16xi32>
          %swap3A_520 = vector.shape_cast %add3A_516 : vector<16xi32> to vector<16xi32>
          tpu.vector_store %arg11[%swap3A_517], %swap3A_520 {strides = array<i32>} : memref<10832xi32, #tpu.memory_space<vmem>>, vector<16xi32>,
          %add3A_521 = arith.addi %add3A_490, %squeeze3A_492 : i32
          %slice3A_522 = vector.extract_strided_slice %mul3A_122 {offsets = [11], sizes = [1], strides = [1]} : vector<16xi32> to vector<1xi32>
          %squeeze3A_523 = vector.extract %slice3A_522[0] : i32 from vector<1xi32>
          %mul3A_524 = arith.muli %add3A_521, %squeeze3A_523 : i32
          %sub3A_525 = arith.constant 1 : i32
          %sub3A_526 = arith.subi %sub3A_525, %squeeze3A_523 : i32
          %mul3A_527 = arith.constant 10816 : i32
          %mul3A_528 = arith.muli %mul3A_527, %sub3A_526 : i32
          %add3A_529 = arith.addi %mul3A_524, %mul3A_528 : i32
          %slice3A_530 = vector.extract_strided_slice %sub3A_110 {offsets = [11], sizes = [1], strides = [1]} : vector<16xi32> to vector<1xi32>
          %squeeze3A_531 = vector.extract %slice3A_530[0] : i32 from vector<1xi32>
          %slice3A_532 = vector.extract_strided_slice %get3A_180 {offsets = [11], sizes = [1], strides = [1]} : vector<16xi32> to vector<1xi32>
          %squeeze3A_533 = vector.extract %slice3A_532[0] : i32 from vector<1xi32>
          %mul3A_534 = arith.constant 512 : i32
          %mul3A_535 = arith.muli %squeeze3A_533, %mul3A_534 : i32
          %add3A_536 = arith.addi %squeeze3A_531, %mul3A_535 : i32
          %add3A_537 = vector.broadcast %add3A_536 : i32 to vector<16xi32>
          %add3A_538 = arith.addi %sub3A_18, %add3A_537 : vector<16xi32>
          %swap3A_539 = arith.index_cast %add3A_529 : i32 to index
          %swap3A_540 = tpu.vector_load %arg10[%swap3A_539] {strides = array<i32>} : memref<10832xi32, #tpu.memory_space<vmem>>, vector<16xi32>,
          %swap3A_541 = vector.shape_cast %swap3A_540 : vector<16xi32> to vector<16xi32>
          %swap3A_542 = vector.shape_cast %add3A_538 : vector<16xi32> to vector<16xi32>
          tpu.vector_store %arg10[%swap3A_539], %swap3A_542 {strides = array<i32>} : memref<10832xi32, #tpu.memory_space<vmem>>, vector<16xi32>,
          %add3A_543 = arith.addi %mul3A_96, %mul3A_106 : i32
          %add3A_544 = arith.constant 11 : i32
          %add3A_545 = arith.addi %add3A_543, %add3A_544 : i32
          %add3A_546 = vector.broadcast %add3A_545 : i32 to vector<16xi32>
          %add3A_547 = arith.addi %sub3A_18, %add3A_546 : vector<16xi32>
          %swap3A_548 = arith.index_cast %add3A_529 : i32 to index
          %swap3A_549 = tpu.vector_load %arg11[%swap3A_548] {strides = array<i32>} : memref<10832xi32, #tpu.memory_space<vmem>>, vector<16xi32>,
          %swap3A_550 = vector.shape_cast %swap3A_549 : vector<16xi32> to vector<16xi32>
          %swap3A_551 = vector.shape_cast %add3A_547 : vector<16xi32> to vector<16xi32>
          tpu.vector_store %arg11[%swap3A_548], %swap3A_551 {strides = array<i32>} : memref<10832xi32, #tpu.memory_space<vmem>>, vector<16xi32>,
          %add3A_552 = arith.addi %add3A_521, %squeeze3A_523 : i32
          %slice3A_553 = vector.extract_strided_slice %mul3A_122 {offsets = [12], sizes = [1], strides = [1]} : vector<16xi32> to vector<1xi32>
          %squeeze3A_554 = vector.extract %slice3A_553[0] : i32 from vector<1xi32>
          %mul3A_555 = arith.muli %add3A_552, %squeeze3A_554 : i32
          %sub3A_556 = arith.constant 1 : i32
          %sub3A_557 = arith.subi %sub3A_556, %squeeze3A_554 : i32
          %mul3A_558 = arith.constant 10816 : i32
          %mul3A_559 = arith.muli %mul3A_558, %sub3A_557 : i32
          %add3A_560 = arith.addi %mul3A_555, %mul3A_559 : i32
          %slice3A_561 = vector.extract_strided_slice %sub3A_110 {offsets = [12], sizes = [1], strides = [1]} : vector<16xi32> to vector<1xi32>
          %squeeze3A_562 = vector.extract %slice3A_561[0] : i32 from vector<1xi32>
          %slice3A_563 = vector.extract_strided_slice %get3A_180 {offsets = [12], sizes = [1], strides = [1]} : vector<16xi32> to vector<1xi32>
          %squeeze3A_564 = vector.extract %slice3A_563[0] : i32 from vector<1xi32>
          %mul3A_565 = arith.constant 512 : i32
          %mul3A_566 = arith.muli %squeeze3A_564, %mul3A_565 : i32
          %add3A_567 = arith.addi %squeeze3A_562, %mul3A_566 : i32
          %add3A_568 = vector.broadcast %add3A_567 : i32 to vector<16xi32>
          %add3A_569 = arith.addi %sub3A_18, %add3A_568 : vector<16xi32>
          %swap3A_570 = arith.index_cast %add3A_560 : i32 to index
          %swap3A_571 = tpu.vector_load %arg10[%swap3A_570] {strides = array<i32>} : memref<10832xi32, #tpu.memory_space<vmem>>, vector<16xi32>,
          %swap3A_572 = vector.shape_cast %swap3A_571 : vector<16xi32> to vector<16xi32>
          %swap3A_573 = vector.shape_cast %add3A_569 : vector<16xi32> to vector<16xi32>
          tpu.vector_store %arg10[%swap3A_570], %swap3A_573 {strides = array<i32>} : memref<10832xi32, #tpu.memory_space<vmem>>, vector<16xi32>,
          %add3A_574 = arith.addi %mul3A_96, %mul3A_106 : i32
          %add3A_575 = arith.constant 12 : i32
          %add3A_576 = arith.addi %add3A_574, %add3A_575 : i32
          %add3A_577 = vector.broadcast %add3A_576 : i32 to vector<16xi32>
          %add3A_578 = arith.addi %sub3A_18, %add3A_577 : vector<16xi32>
          %swap3A_579 = arith.index_cast %add3A_560 : i32 to index
          %swap3A_580 = tpu.vector_load %arg11[%swap3A_579] {strides = array<i32>} : memref<10832xi32, #tpu.memory_space<vmem>>, vector<16xi32>,
          %swap3A_581 = vector.shape_cast %swap3A_580 : vector<16xi32> to vector<16xi32>
          %swap3A_582 = vector.shape_cast %add3A_578 : vector<16xi32> to vector<16xi32>
          tpu.vector_store %arg11[%swap3A_579], %swap3A_582 {strides = array<i32>} : memref<10832xi32, #tpu.memory_space<vmem>>, vector<16xi32>,
          %add3A_583 = arith.addi %add3A_552, %squeeze3A_554 : i32
          %slice3A_584 = vector.extract_strided_slice %mul3A_122 {offsets = [13], sizes = [1], strides = [1]} : vector<16xi32> to vector<1xi32>
          %squeeze3A_585 = vector.extract %slice3A_584[0] : i32 from vector<1xi32>
          %mul3A_586 = arith.muli %add3A_583, %squeeze3A_585 : i32
          %sub3A_587 = arith.constant 1 : i32
          %sub3A_588 = arith.subi %sub3A_587, %squeeze3A_585 : i32
          %mul3A_589 = arith.constant 10816 : i32
          %mul3A_590 = arith.muli %mul3A_589, %sub3A_588 : i32
          %add3A_591 = arith.addi %mul3A_586, %mul3A_590 : i32
          %slice3A_592 = vector.extract_strided_slice %sub3A_110 {offsets = [13], sizes = [1], strides = [1]} : vector<16xi32> to vector<1xi32>
          %squeeze3A_593 = vector.extract %slice3A_592[0] : i32 from vector<1xi32>
          %slice3A_594 = vector.extract_strided_slice %get3A_180 {offsets = [13], sizes = [1], strides = [1]} : vector<16xi32> to vector<1xi32>
          %squeeze3A_595 = vector.extract %slice3A_594[0] : i32 from vector<1xi32>
          %mul3A_596 = arith.constant 512 : i32
          %mul3A_597 = arith.muli %squeeze3A_595, %mul3A_596 : i32
          %add3A_598 = arith.addi %squeeze3A_593, %mul3A_597 : i32
          %add3A_599 = vector.broadcast %add3A_598 : i32 to vector<16xi32>
          %add3A_600 = arith.addi %sub3A_18, %add3A_599 : vector<16xi32>
          %swap3A_601 = arith.index_cast %add3A_591 : i32 to index
          %swap3A_602 = tpu.vector_load %arg10[%swap3A_601] {strides = array<i32>} : memref<10832xi32, #tpu.memory_space<vmem>>, vector<16xi32>,
          %swap3A_603 = vector.shape_cast %swap3A_602 : vector<16xi32> to vector<16xi32>
          %swap3A_604 = vector.shape_cast %add3A_600 : vector<16xi32> to vector<16xi32>
          tpu.vector_store %arg10[%swap3A_601], %swap3A_604 {strides = array<i32>} : memref<10832xi32, #tpu.memory_space<vmem>>, vector<16xi32>,
          %add3A_605 = arith.addi %mul3A_96, %mul3A_106 : i32
          %add3A_606 = arith.constant 13 : i32
          %add3A_607 = arith.addi %add3A_605, %add3A_606 : i32
          %add3A_608 = vector.broadcast %add3A_607 : i32 to vector<16xi32>
          %add3A_609 = arith.addi %sub3A_18, %add3A_608 : vector<16xi32>
          %swap3A_610 = arith.index_cast %add3A_591 : i32 to index
          %swap3A_611 = tpu.vector_load %arg11[%swap3A_610] {strides = array<i32>} : memref<10832xi32, #tpu.memory_space<vmem>>, vector<16xi32>,
          %swap3A_612 = vector.shape_cast %swap3A_611 : vector<16xi32> to vector<16xi32>
          %swap3A_613 = vector.shape_cast %add3A_609 : vector<16xi32> to vector<16xi32>
          tpu.vector_store %arg11[%swap3A_610], %swap3A_613 {strides = array<i32>} : memref<10832xi32, #tpu.memory_space<vmem>>, vector<16xi32>,
          %add3A_614 = arith.addi %add3A_583, %squeeze3A_585 : i32
          %slice3A_615 = vector.extract_strided_slice %mul3A_122 {offsets = [14], sizes = [1], strides = [1]} : vector<16xi32> to vector<1xi32>
          %squeeze3A_616 = vector.extract %slice3A_615[0] : i32 from vector<1xi32>
          %mul3A_617 = arith.muli %add3A_614, %squeeze3A_616 : i32
          %sub3A_618 = arith.constant 1 : i32
          %sub3A_619 = arith.subi %sub3A_618, %squeeze3A_616 : i32
          %mul3A_620 = arith.constant 10816 : i32
          %mul3A_621 = arith.muli %mul3A_620, %sub3A_619 : i32
          %add3A_622 = arith.addi %mul3A_617, %mul3A_621 : i32
          %slice3A_623 = vector.extract_strided_slice %sub3A_110 {offsets = [14], sizes = [1], strides = [1]} : vector<16xi32> to vector<1xi32>
          %squeeze3A_624 = vector.extract %slice3A_623[0] : i32 from vector<1xi32>
          %slice3A_625 = vector.extract_strided_slice %get3A_180 {offsets = [14], sizes = [1], strides = [1]} : vector<16xi32> to vector<1xi32>
          %squeeze3A_626 = vector.extract %slice3A_625[0] : i32 from vector<1xi32>
          %mul3A_627 = arith.constant 512 : i32
          %mul3A_628 = arith.muli %squeeze3A_626, %mul3A_627 : i32
          %add3A_629 = arith.addi %squeeze3A_624, %mul3A_628 : i32
          %add3A_630 = vector.broadcast %add3A_629 : i32 to vector<16xi32>
          %add3A_631 = arith.addi %sub3A_18, %add3A_630 : vector<16xi32>
          %swap3A_632 = arith.index_cast %add3A_622 : i32 to index
          %swap3A_633 = tpu.vector_load %arg10[%swap3A_632] {strides = array<i32>} : memref<10832xi32, #tpu.memory_space<vmem>>, vector<16xi32>,
          %swap3A_634 = vector.shape_cast %swap3A_633 : vector<16xi32> to vector<16xi32>
          %swap3A_635 = vector.shape_cast %add3A_631 : vector<16xi32> to vector<16xi32>
          tpu.vector_store %arg10[%swap3A_632], %swap3A_635 {strides = array<i32>} : memref<10832xi32, #tpu.memory_space<vmem>>, vector<16xi32>,
          %add3A_636 = arith.addi %mul3A_96, %mul3A_106 : i32
          %add3A_637 = arith.constant 14 : i32
          %add3A_638 = arith.addi %add3A_636, %add3A_637 : i32
          %add3A_639 = vector.broadcast %add3A_638 : i32 to vector<16xi32>
          %add3A_640 = arith.addi %sub3A_18, %add3A_639 : vector<16xi32>
          %swap3A_641 = arith.index_cast %add3A_622 : i32 to index
          %swap3A_642 = tpu.vector_load %arg11[%swap3A_641] {strides = array<i32>} : memref<10832xi32, #tpu.memory_space<vmem>>, vector<16xi32>,
          %swap3A_643 = vector.shape_cast %swap3A_642 : vector<16xi32> to vector<16xi32>
          %swap3A_644 = vector.shape_cast %add3A_640 : vector<16xi32> to vector<16xi32>
          tpu.vector_store %arg11[%swap3A_641], %swap3A_644 {strides = array<i32>} : memref<10832xi32, #tpu.memory_space<vmem>>, vector<16xi32>,
          %add3A_645 = arith.addi %add3A_614, %squeeze3A_616 : i32
          %slice3A_646 = vector.extract_strided_slice %mul3A_122 {offsets = [15], sizes = [1], strides = [1]} : vector<16xi32> to vector<1xi32>
          %squeeze3A_647 = vector.extract %slice3A_646[0] : i32 from vector<1xi32>
          %mul3A_648 = arith.muli %add3A_645, %squeeze3A_647 : i32
          %sub3A_649 = arith.constant 1 : i32
          %sub3A_650 = arith.subi %sub3A_649, %squeeze3A_647 : i32
          %mul3A_651 = arith.constant 10816 : i32
          %mul3A_652 = arith.muli %mul3A_651, %sub3A_650 : i32
          %add3A_653 = arith.addi %mul3A_648, %mul3A_652 : i32
          %slice3A_654 = vector.extract_strided_slice %sub3A_110 {offsets = [15], sizes = [1], strides = [1]} : vector<16xi32> to vector<1xi32>
          %squeeze3A_655 = vector.extract %slice3A_654[0] : i32 from vector<1xi32>
          %slice3A_656 = vector.extract_strided_slice %get3A_180 {offsets = [15], sizes = [1], strides = [1]} : vector<16xi32> to vector<1xi32>
          %squeeze3A_657 = vector.extract %slice3A_656[0] : i32 from vector<1xi32>
          %mul3A_658 = arith.constant 512 : i32
          %mul3A_659 = arith.muli %squeeze3A_657, %mul3A_658 : i32
          %add3A_660 = arith.addi %squeeze3A_655, %mul3A_659 : i32
          %add3A_661 = vector.broadcast %add3A_660 : i32 to vector<16xi32>
          %add3A_662 = arith.addi %sub3A_18, %add3A_661 : vector<16xi32>
          %swap3A_663 = arith.index_cast %add3A_653 : i32 to index
          %swap3A_664 = tpu.vector_load %arg10[%swap3A_663] {strides = array<i32>} : memref<10832xi32, #tpu.memory_space<vmem>>, vector<16xi32>,
          %swap3A_665 = vector.shape_cast %swap3A_664 : vector<16xi32> to vector<16xi32>
          %swap3A_666 = vector.shape_cast %add3A_662 : vector<16xi32> to vector<16xi32>
          tpu.vector_store %arg10[%swap3A_663], %swap3A_666 {strides = array<i32>} : memref<10832xi32, #tpu.memory_space<vmem>>, vector<16xi32>,
          %add3A_667 = arith.addi %mul3A_96, %mul3A_106 : i32
          %add3A_668 = arith.constant 15 : i32
          %add3A_669 = arith.addi %add3A_667, %add3A_668 : i32
          %add3A_670 = vector.broadcast %add3A_669 : i32 to vector<16xi32>
          %add3A_671 = arith.addi %sub3A_18, %add3A_670 : vector<16xi32>
          %swap3A_672 = arith.index_cast %add3A_653 : i32 to index
          %swap3A_673 = tpu.vector_load %arg11[%swap3A_672] {strides = array<i32>} : memref<10832xi32, #tpu.memory_space<vmem>>, vector<16xi32>,
          %swap3A_674 = vector.shape_cast %swap3A_673 : vector<16xi32> to vector<16xi32>
          %swap3A_675 = vector.shape_cast %add3A_671 : vector<16xi32> to vector<16xi32>
          tpu.vector_store %arg11[%swap3A_672], %swap3A_675 {strides = array<i32>} : memref<10832xi32, #tpu.memory_space<vmem>>, vector<16xi32>,
          %add3A_676 = arith.addi %add3A_645, %squeeze3A_647 : i32
        } else {
        }
        %add3A_170 = arith.addi %scan3A_104, %add3A_167 : i32
        %sub3A_171 = arith.constant 10800 : i32
        %sub3A_172 = arith.subi %add3A_170, %sub3A_171 : i32
        %shift_right_logical3A_173 = arith.constant 31 : i32
        %shift_right_logical3A_174 = arith.shrui %sub3A_172, %shift_right_logical3A_173 : i32
        %mul3A_175 = arith.muli %sub3A_172, %shift_right_logical3A_174 : i32
        %add3A_176 = arith.constant 10800 : i32
        %add3A_177 = arith.addi %add3A_176, %mul3A_175 : i32
        scf.yield %add3A_177 : i32
      }
      %scan3A_102 = arith.constant 62 : i32
      scf.yield %scan3A_101 : i32
    }
    %scan3A_41 = arith.constant 320 : i32
    %and3A = arith.constant 7 : i32
    %and3A_42 = vector.broadcast %and3A : i32 to vector<16xi32>
    %and3A_43 = arith.andi %iota3A, %and3A_42 : vector<16xi32>
    %add3A_44 = arith.constant 320 : i32
    %add3A_45 = vector.broadcast %add3A_44 : i32 to vector<16xi32>
    %add3A_46 = arith.addi %add3A_45, %and3A_43 : vector<16xi32>
    %mul3A_47 = arith.constant 97 : i32
    %mul3A_48 = vector.broadcast %mul3A_47 : i32 to vector<16xi32>
    %mul3A_49 = arith.muli %iota3A, %mul3A_48 : vector<16xi32>
    %and3A_50 = arith.constant 8191 : i32
    %and3A_51 = vector.broadcast %and3A_50 : i32 to vector<16xi32>
    %and3A_52 = arith.andi %mul3A_49, %and3A_51 : vector<16xi32>
    %mul3A_53 = arith.constant 512 : i32
    %mul3A_54 = vector.broadcast %mul3A_53 : i32 to vector<16xi32>
    %mul3A_55 = arith.muli %and3A_52, %mul3A_54 : vector<16xi32>
    %add3A_56 = arith.addi %add3A_46, %mul3A_55 : vector<16xi32>
    %swap3A_57 = arith.index_cast %scan3A_40 : i32 to index
    %swap3A_58 = tpu.vector_load %arg10[%swap3A_57] {strides = array<i32>} : memref<10832xi32, #tpu.memory_space<vmem>>, vector<16xi32>,
    %swap3A_59 = vector.shape_cast %swap3A_58 : vector<16xi32> to vector<16xi32>
    %swap3A_60 = vector.shape_cast %add3A_56 : vector<16xi32> to vector<16xi32>
    tpu.vector_store %arg10[%swap3A_57], %swap3A_60 {strides = array<i32>} : memref<10832xi32, #tpu.memory_space<vmem>>, vector<16xi32>,
    %swap3A_61 = arith.index_cast %scan3A_40 : i32 to index
    %swap3A_62 = tpu.vector_load %arg11[%swap3A_61] {strides = array<i32>} : memref<10832xi32, #tpu.memory_space<vmem>>, vector<16xi32>,
    %swap3A_63 = vector.shape_cast %swap3A_62 : vector<16xi32> to vector<16xi32>
    %swap3A_64 = vector.shape_cast %sub3A_18 : vector<16xi32> to vector<16xi32>
    tpu.vector_store %arg11[%swap3A_61], %swap3A_64 {strides = array<i32>} : memref<10832xi32, #tpu.memory_space<vmem>>, vector<16xi32>,
    %scan3A_65 = arith.constant 0 : i32
    %scan3A_66 = arith.constant 0 : i32
    %scan3A_67 = arith.constant 169 : i32
    %scan3A_68 = arith.addi %scan3A_66, %scan3A_67 : i32
    %scan3A_69 = arith.constant 1 : i32
    scf.for %scan3A_93 = %scan3A_66 to %scan3A_68 step %scan3A_69  : i32 {
      %mul3A_94 = arith.constant 64 : i32
      %mul3A_95 = arith.muli %scan3A_93, %mul3A_94 : i32
      %add3A_96 = arith.constant 0 : i32
      %add3A_97 = arith.addi %mul3A_95, %add3A_96 : i32
      %get3A = arith.index_cast %add3A_97 : i32 to index
      %get3A_98 = tpu.vector_load %arg10[%get3A] {strides = array<i32>} : memref<10832xi32, #tpu.memory_space<vmem>>, vector<16xi32>,
      %get3A_99 = vector.shape_cast %get3A_98 : vector<16xi32> to vector<16xi32>
      %shift_right_logical3A = arith.constant 9 : i32
      %shift_right_logical3A_100 = vector.broadcast %shift_right_logical3A : i32 to vector<16xi32>
      %shift_right_logical3A_101 = arith.shrui %get3A_99, %shift_right_logical3A_100 : vector<16xi32>
      %swap3A_102 = arith.constant 0 : index
      %swap3A_103 = tpu.vector_load %arg12[%swap3A_102] {strides = array<i32>} : memref<64xi32, #tpu.memory_space<vmem>>, vector<16xi32>,
      %swap3A_104 = vector.shape_cast %swap3A_103 : vector<16xi32> to vector<16xi32>
      %swap3A_105 = vector.shape_cast %shift_right_logical3A_101 : vector<16xi32> to vector<16xi32>
      tpu.vector_store %arg12[%swap3A_102], %swap3A_105 {strides = array<i32>} : memref<64xi32, #tpu.memory_space<vmem>>, vector<16xi32>,
      %add3A_106 = arith.constant 0 : i32
      %add3A_107 = arith.addi %mul3A_95, %add3A_106 : i32
      %get3A_108 = arith.index_cast %add3A_107 : i32 to index
      %get3A_109 = tpu.vector_load %arg11[%get3A_108] {strides = array<i32>} : memref<10832xi32, #tpu.memory_space<vmem>>, vector<16xi32>,
      %get3A_110 = vector.shape_cast %get3A_109 : vector<16xi32> to vector<16xi32>
      %shift_right_logical3A_111 = arith.constant 3 : i32
      %shift_right_logical3A_112 = vector.broadcast %shift_right_logical3A_111 : i32 to vector<16xi32>
      %shift_right_logical3A_113 = arith.shrui %get3A_110, %shift_right_logical3A_112 : vector<16xi32>
      %swap3A_114 = arith.constant 0 : index
      %swap3A_115 = tpu.vector_load %arg13[%swap3A_114] {strides = array<i32>} : memref<64xi32, #tpu.memory_space<vmem>>, vector<16xi32>,
      %swap3A_116 = vector.shape_cast %swap3A_115 : vector<16xi32> to vector<16xi32>
      %swap3A_117 = vector.shape_cast %shift_right_logical3A_113 : vector<16xi32> to vector<16xi32>
      tpu.vector_store %arg13[%swap3A_114], %swap3A_117 {strides = array<i32>} : memref<64xi32, #tpu.memory_space<vmem>>, vector<16xi32>,
      %add3A_118 = arith.constant 16 : i32
      %add3A_119 = arith.addi %mul3A_95, %add3A_118 : i32
      %get3A_120 = arith.index_cast %add3A_119 : i32 to index
      %get3A_121 = tpu.vector_load %arg10[%get3A_120] {strides = array<i32>} : memref<10832xi32, #tpu.memory_space<vmem>>, vector<16xi32>,
      %get3A_122 = vector.shape_cast %get3A_121 : vector<16xi32> to vector<16xi32>
      %shift_right_logical3A_123 = arith.constant 9 : i32
      %shift_right_logical3A_124 = vector.broadcast %shift_right_logical3A_123 : i32 to vector<16xi32>
      %shift_right_logical3A_125 = arith.shrui %get3A_122, %shift_right_logical3A_124 : vector<16xi32>
      %swap3A_126 = arith.constant 16 : index
      %swap3A_127 = tpu.vector_load %arg12[%swap3A_126] {strides = array<i32>} : memref<64xi32, #tpu.memory_space<vmem>>, vector<16xi32>,
      %swap3A_128 = vector.shape_cast %swap3A_127 : vector<16xi32> to vector<16xi32>
      %swap3A_129 = vector.shape_cast %shift_right_logical3A_125 : vector<16xi32> to vector<16xi32>
      tpu.vector_store %arg12[%swap3A_126], %swap3A_129 {strides = array<i32>} : memref<64xi32, #tpu.memory_space<vmem>>, vector<16xi32>,
      %add3A_130 = arith.constant 16 : i32
      %add3A_131 = arith.addi %mul3A_95, %add3A_130 : i32
      %get3A_132 = arith.index_cast %add3A_131 : i32 to index
      %get3A_133 = tpu.vector_load %arg11[%get3A_132] {strides = array<i32>} : memref<10832xi32, #tpu.memory_space<vmem>>, vector<16xi32>,
      %get3A_134 = vector.shape_cast %get3A_133 : vector<16xi32> to vector<16xi32>
      %shift_right_logical3A_135 = arith.constant 3 : i32
      %shift_right_logical3A_136 = vector.broadcast %shift_right_logical3A_135 : i32 to vector<16xi32>
      %shift_right_logical3A_137 = arith.shrui %get3A_134, %shift_right_logical3A_136 : vector<16xi32>
      %swap3A_138 = arith.constant 16 : index
      %swap3A_139 = tpu.vector_load %arg13[%swap3A_138] {strides = array<i32>} : memref<64xi32, #tpu.memory_space<vmem>>, vector<16xi32>,
      %swap3A_140 = vector.shape_cast %swap3A_139 : vector<16xi32> to vector<16xi32>
      %swap3A_141 = vector.shape_cast %shift_right_logical3A_137 : vector<16xi32> to vector<16xi32>
      tpu.vector_store %arg13[%swap3A_138], %swap3A_141 {strides = array<i32>} : memref<64xi32, #tpu.memory_space<vmem>>, vector<16xi32>,
      %add3A_142 = arith.constant 32 : i32
      %add3A_143 = arith.addi %mul3A_95, %add3A_142 : i32
      %get3A_144 = arith.index_cast %add3A_143 : i32 to index
      %get3A_145 = tpu.vector_load %arg10[%get3A_144] {strides = array<i32>} : memref<10832xi32, #tpu.memory_space<vmem>>, vector<16xi32>,
      %get3A_146 = vector.shape_cast %get3A_145 : vector<16xi32> to vector<16xi32>
      %shift_right_logical3A_147 = arith.constant 9 : i32
      %shift_right_logical3A_148 = vector.broadcast %shift_right_logical3A_147 : i32 to vector<16xi32>
      %shift_right_logical3A_149 = arith.shrui %get3A_146, %shift_right_logical3A_148 : vector<16xi32>
      %swap3A_150 = arith.constant 32 : index
      %swap3A_151 = tpu.vector_load %arg12[%swap3A_150] {strides = array<i32>} : memref<64xi32, #tpu.memory_space<vmem>>, vector<16xi32>,
      %swap3A_152 = vector.shape_cast %swap3A_151 : vector<16xi32> to vector<16xi32>
      %swap3A_153 = vector.shape_cast %shift_right_logical3A_149 : vector<16xi32> to vector<16xi32>
      tpu.vector_store %arg12[%swap3A_150], %swap3A_153 {strides = array<i32>} : memref<64xi32, #tpu.memory_space<vmem>>, vector<16xi32>,
      %add3A_154 = arith.constant 32 : i32
      %add3A_155 = arith.addi %mul3A_95, %add3A_154 : i32
      %get3A_156 = arith.index_cast %add3A_155 : i32 to index
      %get3A_157 = tpu.vector_load %arg11[%get3A_156] {strides = array<i32>} : memref<10832xi32, #tpu.memory_space<vmem>>, vector<16xi32>,
      %get3A_158 = vector.shape_cast %get3A_157 : vector<16xi32> to vector<16xi32>
      %shift_right_logical3A_159 = arith.constant 3 : i32
      %shift_right_logical3A_160 = vector.broadcast %shift_right_logical3A_159 : i32 to vector<16xi32>
      %shift_right_logical3A_161 = arith.shrui %get3A_158, %shift_right_logical3A_160 : vector<16xi32>
      %swap3A_162 = arith.constant 32 : index
      %swap3A_163 = tpu.vector_load %arg13[%swap3A_162] {strides = array<i32>} : memref<64xi32, #tpu.memory_space<vmem>>, vector<16xi32>,
      %swap3A_164 = vector.shape_cast %swap3A_163 : vector<16xi32> to vector<16xi32>
      %swap3A_165 = vector.shape_cast %shift_right_logical3A_161 : vector<16xi32> to vector<16xi32>
      tpu.vector_store %arg13[%swap3A_162], %swap3A_165 {strides = array<i32>} : memref<64xi32, #tpu.memory_space<vmem>>, vector<16xi32>,
      %add3A_166 = arith.constant 48 : i32
      %add3A_167 = arith.addi %mul3A_95, %add3A_166 : i32
      %get3A_168 = arith.index_cast %add3A_167 : i32 to index
      %get3A_169 = tpu.vector_load %arg10[%get3A_168] {strides = array<i32>} : memref<10832xi32, #tpu.memory_space<vmem>>, vector<16xi32>,
      %get3A_170 = vector.shape_cast %get3A_169 : vector<16xi32> to vector<16xi32>
      %shift_right_logical3A_171 = arith.constant 9 : i32
      %shift_right_logical3A_172 = vector.broadcast %shift_right_logical3A_171 : i32 to vector<16xi32>
      %shift_right_logical3A_173 = arith.shrui %get3A_170, %shift_right_logical3A_172 : vector<16xi32>
      %swap3A_174 = arith.constant 48 : index
      %swap3A_175 = tpu.vector_load %arg12[%swap3A_174] {strides = array<i32>} : memref<64xi32, #tpu.memory_space<vmem>>, vector<16xi32>,
      %swap3A_176 = vector.shape_cast %swap3A_175 : vector<16xi32> to vector<16xi32>
      %swap3A_177 = vector.shape_cast %shift_right_logical3A_173 : vector<16xi32> to vector<16xi32>
      tpu.vector_store %arg12[%swap3A_174], %swap3A_177 {strides = array<i32>} : memref<64xi32, #tpu.memory_space<vmem>>, vector<16xi32>,
      %add3A_178 = arith.constant 48 : i32
      %add3A_179 = arith.addi %mul3A_95, %add3A_178 : i32
      %get3A_180 = arith.index_cast %add3A_179 : i32 to index
      %get3A_181 = tpu.vector_load %arg11[%get3A_180] {strides = array<i32>} : memref<10832xi32, #tpu.memory_space<vmem>>, vector<16xi32>,
      %get3A_182 = vector.shape_cast %get3A_181 : vector<16xi32> to vector<16xi32>
      %shift_right_logical3A_183 = arith.constant 3 : i32
      %shift_right_logical3A_184 = vector.broadcast %shift_right_logical3A_183 : i32 to vector<16xi32>
      %shift_right_logical3A_185 = arith.shrui %get3A_182, %shift_right_logical3A_184 : vector<16xi32>
      %swap3A_186 = arith.constant 48 : index
      %swap3A_187 = tpu.vector_load %arg13[%swap3A_186] {strides = array<i32>} : memref<64xi32, #tpu.memory_space<vmem>>, vector<16xi32>,
      %swap3A_188 = vector.shape_cast %swap3A_187 : vector<16xi32> to vector<16xi32>
      %swap3A_189 = vector.shape_cast %shift_right_logical3A_185 : vector<16xi32> to vector<16xi32>
      tpu.vector_store %arg13[%swap3A_186], %swap3A_189 {strides = array<i32>} : memref<64xi32, #tpu.memory_space<vmem>>, vector<16xi32>,
      %dma_start3A = arith.constant 0 : i32
      %dma_start3A_190 = arith.constant 0 : i32
      %dma_start3A_191 = tpu.memref_slice %arg5[%dma_start3A, %dma_start3A_190] : memref<10000x128xf32, #tpu.memory_space<hbm>> -> memref<10000x128xf32, #tpu.memory_space<hbm>>
      tpu.enqueue_indirect_dma source(%dma_start3A_191 : memref<10000x128xf32, #tpu.memory_space<hbm>>) target(%arg14 : memref<64x128xf32, #tpu.memory_space<vmem>>) offsets(%arg12 : memref<64xi32, #tpu.memory_space<vmem>>) semaphore(%arg21 : memref<!tpu.dma_semaphore, #tpu.memory_space<semaphore_mem>>)
      %dma_start3A_192 = arith.constant 0 : i32
      %dma_start3A_193 = arith.constant 0 : i32
      %dma_start3A_194 = tpu.memref_slice %arg4[%dma_start3A_192, %dma_start3A_193] : memref<40000x128xf32, #tpu.memory_space<hbm>> -> memref<40000x128xf32, #tpu.memory_space<hbm>>
      tpu.enqueue_indirect_dma source(%dma_start3A_194 : memref<40000x128xf32, #tpu.memory_space<hbm>>) target(%arg15 : memref<64x128xf32, #tpu.memory_space<vmem>>) offsets(%arg13 : memref<64xi32, #tpu.memory_space<vmem>>) semaphore(%arg22 : memref<!tpu.dma_semaphore, #tpu.memory_space<semaphore_mem>>)
      %dma_wait3A = arith.constant 0 : i32
      %dma_wait3A_195 = arith.constant 0 : i32
      %dma_wait3A_196 = tpu.memref_slice %arg5[%dma_wait3A, %dma_wait3A_195] : memref<10000x128xf32, #tpu.memory_space<hbm>> -> memref<10000x128xf32, #tpu.memory_space<hbm>>
      tpu.wait_indirect_dma semaphore(%arg21 : memref<!tpu.dma_semaphore, #tpu.memory_space<semaphore_mem>>) src(%dma_wait3A_196 : memref<10000x128xf32, #tpu.memory_space<hbm>>) dst(%arg14 : memref<64x128xf32, #tpu.memory_space<vmem>>)
      %dma_wait3A_197 = arith.constant 0 : i32
      %dma_wait3A_198 = arith.constant 0 : i32
      %dma_wait3A_199 = tpu.memref_slice %arg4[%dma_wait3A_197, %dma_wait3A_198] : memref<40000x128xf32, #tpu.memory_space<hbm>> -> memref<40000x128xf32, #tpu.memory_space<hbm>>
      tpu.wait_indirect_dma semaphore(%arg22 : memref<!tpu.dma_semaphore, #tpu.memory_space<semaphore_mem>>) src(%dma_wait3A_199 : memref<40000x128xf32, #tpu.memory_space<hbm>>) dst(%arg15 : memref<64x128xf32, #tpu.memory_space<vmem>>)
      %scan3A_200 = arith.constant 0 : i32
      %scan3A_201 = arith.constant 0 : i32
      %scan3A_202 = arith.constant 64 : i32
      %scan3A_203 = arith.addi %scan3A_201, %scan3A_202 : i32
      %scan3A_204 = arith.constant 1 : i32
      scf.for %scan3A_206 = %scan3A_201 to %scan3A_203 step %scan3A_204  : i32 {
        %and3A_207 = arith.constant 15 : i32
        %and3A_208 = arith.andi %scan3A_206, %and3A_207 : i32
        %add3A_209 = arith.addi %mul3A_95, %scan3A_206 : i32
        %sub3A_210 = arith.subi %add3A_209, %and3A_208 : i32
        %sub3A_211 = vector.broadcast %and3A_208 : i32 to vector<16xi32>
        %sub3A_212 = arith.subi %iota3A, %sub3A_211 : vector<16xi32>
        %mul3A_213 = arith.muli %sub3A_212, %sub3A_212 : vector<16xi32>
        %min3A = arith.constant 1 : i32
        %min3A_214 = vector.broadcast %min3A : i32 to vector<16xi32>
        %min3A_215 = arith.minsi %mul3A_213, %min3A_214 : vector<16xi32>
        %sub3A_216 = arith.constant 1 : i32
        %sub3A_217 = vector.broadcast %sub3A_216 : i32 to vector<16xi32>
        %sub3A_218 = arith.subi %sub3A_217, %min3A_215 : vector<16xi32>
        %get3A_219 = arith.index_cast %sub3A_210 : i32 to index
        %get3A_220 = tpu.vector_load %arg10[%get3A_219] {strides = array<i32>} : memref<10832xi32, #tpu.memory_space<vmem>>, vector<16xi32>,
        %get3A_221 = vector.shape_cast %get3A_220 : vector<16xi32> to vector<16xi32>
        %mul3A_222 = arith.muli %get3A_221, %sub3A_218 : vector<16xi32>
        %slice3A = vector.extract_strided_slice %mul3A_222 {offsets = [0], sizes = [1], strides = [1]} : vector<16xi32> to vector<1xi32>
        %squeeze3A = vector.extract %slice3A[0] : i32 from vector<1xi32>
        %slice3A_223 = vector.extract_strided_slice %mul3A_222 {offsets = [1], sizes = [1], strides = [1]} : vector<16xi32> to vector<1xi32>
        %squeeze3A_224 = vector.extract %slice3A_223[0] : i32 from vector<1xi32>
        %add3A_225 = arith.addi %squeeze3A, %squeeze3A_224 : i32
        %slice3A_226 = vector.extract_strided_slice %mul3A_222 {offsets = [2], sizes = [1], strides = [1]} : vector<16xi32> to vector<1xi32>
        %squeeze3A_227 = vector.extract %slice3A_226[0] : i32 from vector<1xi32>
        %add3A_228 = arith.addi %add3A_225, %squeeze3A_227 : i32
        %slice3A_229 = vector.extract_strided_slice %mul3A_222 {offsets = [3], sizes = [1], strides = [1]} : vector<16xi32> to vector<1xi32>
        %squeeze3A_230 = vector.extract %slice3A_229[0] : i32 from vector<1xi32>
        %add3A_231 = arith.addi %add3A_228, %squeeze3A_230 : i32
        %slice3A_232 = vector.extract_strided_slice %mul3A_222 {offsets = [4], sizes = [1], strides = [1]} : vector<16xi32> to vector<1xi32>
        %squeeze3A_233 = vector.extract %slice3A_232[0] : i32 from vector<1xi32>
        %add3A_234 = arith.addi %add3A_231, %squeeze3A_233 : i32
        %slice3A_235 = vector.extract_strided_slice %mul3A_222 {offsets = [5], sizes = [1], strides = [1]} : vector<16xi32> to vector<1xi32>
        %squeeze3A_236 = vector.extract %slice3A_235[0] : i32 from vector<1xi32>
        %add3A_237 = arith.addi %add3A_234, %squeeze3A_236 : i32
        %slice3A_238 = vector.extract_strided_slice %mul3A_222 {offsets = [6], sizes = [1], strides = [1]} : vector<16xi32> to vector<1xi32>
        %squeeze3A_239 = vector.extract %slice3A_238[0] : i32 from vector<1xi32>
        %add3A_240 = arith.addi %add3A_237, %squeeze3A_239 : i32
        %slice3A_241 = vector.extract_strided_slice %mul3A_222 {offsets = [7], sizes = [1], strides = [1]} : vector<16xi32> to vector<1xi32>
        %squeeze3A_242 = vector.extract %slice3A_241[0] : i32 from vector<1xi32>
        %add3A_243 = arith.addi %add3A_240, %squeeze3A_242 : i32
        %slice3A_244 = vector.extract_strided_slice %mul3A_222 {offsets = [8], sizes = [1], strides = [1]} : vector<16xi32> to vector<1xi32>
        %squeeze3A_245 = vector.extract %slice3A_244[0] : i32 from vector<1xi32>
        %add3A_246 = arith.addi %add3A_243, %squeeze3A_245 : i32
        %slice3A_247 = vector.extract_strided_slice %mul3A_222 {offsets = [9], sizes = [1], strides = [1]} : vector<16xi32> to vector<1xi32>
        %squeeze3A_248 = vector.extract %slice3A_247[0] : i32 from vector<1xi32>
        %add3A_249 = arith.addi %add3A_246, %squeeze3A_248 : i32
        %slice3A_250 = vector.extract_strided_slice %mul3A_222 {offsets = [10], sizes = [1], strides = [1]} : vector<16xi32> to vector<1xi32>
        %squeeze3A_251 = vector.extract %slice3A_250[0] : i32 from vector<1xi32>
        %add3A_252 = arith.addi %add3A_249, %squeeze3A_251 : i32
        %slice3A_253 = vector.extract_strided_slice %mul3A_222 {offsets = [11], sizes = [1], strides = [1]} : vector<16xi32> to vector<1xi32>
        %squeeze3A_254 = vector.extract %slice3A_253[0] : i32 from vector<1xi32>
        %add3A_255 = arith.addi %add3A_252, %squeeze3A_254 : i32
        %slice3A_256 = vector.extract_strided_slice %mul3A_222 {offsets = [12], sizes = [1], strides = [1]} : vector<16xi32> to vector<1xi32>
        %squeeze3A_257 = vector.extract %slice3A_256[0] : i32 from vector<1xi32>
        %add3A_258 = arith.addi %add3A_255, %squeeze3A_257 : i32
        %slice3A_259 = vector.extract_strided_slice %mul3A_222 {offsets = [13], sizes = [1], strides = [1]} : vector<16xi32> to vector<1xi32>
        %squeeze3A_260 = vector.extract %slice3A_259[0] : i32 from vector<1xi32>
        %add3A_261 = arith.addi %add3A_258, %squeeze3A_260 : i32
        %slice3A_262 = vector.extract_strided_slice %mul3A_222 {offsets = [14], sizes = [1], strides = [1]} : vector<16xi32> to vector<1xi32>
        %squeeze3A_263 = vector.extract %slice3A_262[0] : i32 from vector<1xi32>
        %add3A_264 = arith.addi %add3A_261, %squeeze3A_263 : i32
        %slice3A_265 = vector.extract_strided_slice %mul3A_222 {offsets = [15], sizes = [1], strides = [1]} : vector<16xi32> to vector<1xi32>
        %squeeze3A_266 = vector.extract %slice3A_265[0] : i32 from vector<1xi32>
        %add3A_267 = arith.addi %add3A_264, %squeeze3A_266 : i32
        %and3A_268 = arith.constant 511 : i32
        %and3A_269 = arith.andi %add3A_267, %and3A_268 : i32
        %get3A_270 = arith.index_cast %sub3A_210 : i32 to index
        %get3A_271 = tpu.vector_load %arg11[%get3A_270] {strides = array<i32>} : memref<10832xi32, #tpu.memory_space<vmem>>, vector<16xi32>,
        %get3A_272 = vector.shape_cast %get3A_271 : vector<16xi32> to vector<16xi32>
        %mul3A_273 = arith.muli %get3A_272, %sub3A_218 : vector<16xi32>
        %slice3A_274 = vector.extract_strided_slice %mul3A_273 {offsets = [0], sizes = [1], strides = [1]} : vector<16xi32> to vector<1xi32>
        %squeeze3A_275 = vector.extract %slice3A_274[0] : i32 from vector<1xi32>
        %slice3A_276 = vector.extract_strided_slice %mul3A_273 {offsets = [1], sizes = [1], strides = [1]} : vector<16xi32> to vector<1xi32>
        %squeeze3A_277 = vector.extract %slice3A_276[0] : i32 from vector<1xi32>
        %add3A_278 = arith.addi %squeeze3A_275, %squeeze3A_277 : i32
        %slice3A_279 = vector.extract_strided_slice %mul3A_273 {offsets = [2], sizes = [1], strides = [1]} : vector<16xi32> to vector<1xi32>
        %squeeze3A_280 = vector.extract %slice3A_279[0] : i32 from vector<1xi32>
        %add3A_281 = arith.addi %add3A_278, %squeeze3A_280 : i32
        %slice3A_282 = vector.extract_strided_slice %mul3A_273 {offsets = [3], sizes = [1], strides = [1]} : vector<16xi32> to vector<1xi32>
        %squeeze3A_283 = vector.extract %slice3A_282[0] : i32 from vector<1xi32>
        %add3A_284 = arith.addi %add3A_281, %squeeze3A_283 : i32
        %slice3A_285 = vector.extract_strided_slice %mul3A_273 {offsets = [4], sizes = [1], strides = [1]} : vector<16xi32> to vector<1xi32>
        %squeeze3A_286 = vector.extract %slice3A_285[0] : i32 from vector<1xi32>
        %add3A_287 = arith.addi %add3A_284, %squeeze3A_286 : i32
        %slice3A_288 = vector.extract_strided_slice %mul3A_273 {offsets = [5], sizes = [1], strides = [1]} : vector<16xi32> to vector<1xi32>
        %squeeze3A_289 = vector.extract %slice3A_288[0] : i32 from vector<1xi32>
        %add3A_290 = arith.addi %add3A_287, %squeeze3A_289 : i32
        %slice3A_291 = vector.extract_strided_slice %mul3A_273 {offsets = [6], sizes = [1], strides = [1]} : vector<16xi32> to vector<1xi32>
        %squeeze3A_292 = vector.extract %slice3A_291[0] : i32 from vector<1xi32>
        %add3A_293 = arith.addi %add3A_290, %squeeze3A_292 : i32
        %slice3A_294 = vector.extract_strided_slice %mul3A_273 {offsets = [7], sizes = [1], strides = [1]} : vector<16xi32> to vector<1xi32>
        %squeeze3A_295 = vector.extract %slice3A_294[0] : i32 from vector<1xi32>
        %add3A_296 = arith.addi %add3A_293, %squeeze3A_295 : i32
        %slice3A_297 = vector.extract_strided_slice %mul3A_273 {offsets = [8], sizes = [1], strides = [1]} : vector<16xi32> to vector<1xi32>
        %squeeze3A_298 = vector.extract %slice3A_297[0] : i32 from vector<1xi32>
        %add3A_299 = arith.addi %add3A_296, %squeeze3A_298 : i32
        %slice3A_300 = vector.extract_strided_slice %mul3A_273 {offsets = [9], sizes = [1], strides = [1]} : vector<16xi32> to vector<1xi32>
        %squeeze3A_301 = vector.extract %slice3A_300[0] : i32 from vector<1xi32>
        %add3A_302 = arith.addi %add3A_299, %squeeze3A_301 : i32
        %slice3A_303 = vector.extract_strided_slice %mul3A_273 {offsets = [10], sizes = [1], strides = [1]} : vector<16xi32> to vector<1xi32>
        %squeeze3A_304 = vector.extract %slice3A_303[0] : i32 from vector<1xi32>
        %add3A_305 = arith.addi %add3A_302, %squeeze3A_304 : i32
        %slice3A_306 = vector.extract_strided_slice %mul3A_273 {offsets = [11], sizes = [1], strides = [1]} : vector<16xi32> to vector<1xi32>
        %squeeze3A_307 = vector.extract %slice3A_306[0] : i32 from vector<1xi32>
        %add3A_308 = arith.addi %add3A_305, %squeeze3A_307 : i32
        %slice3A_309 = vector.extract_strided_slice %mul3A_273 {offsets = [12], sizes = [1], strides = [1]} : vector<16xi32> to vector<1xi32>
        %squeeze3A_310 = vector.extract %slice3A_309[0] : i32 from vector<1xi32>
        %add3A_311 = arith.addi %add3A_308, %squeeze3A_310 : i32
        %slice3A_312 = vector.extract_strided_slice %mul3A_273 {offsets = [13], sizes = [1], strides = [1]} : vector<16xi32> to vector<1xi32>
        %squeeze3A_313 = vector.extract %slice3A_312[0] : i32 from vector<1xi32>
        %add3A_314 = arith.addi %add3A_311, %squeeze3A_313 : i32
        %slice3A_315 = vector.extract_strided_slice %mul3A_273 {offsets = [14], sizes = [1], strides = [1]} : vector<16xi32> to vector<1xi32>
        %squeeze3A_316 = vector.extract %slice3A_315[0] : i32 from vector<1xi32>
        %add3A_317 = arith.addi %add3A_314, %squeeze3A_316 : i32
        %slice3A_318 = vector.extract_strided_slice %mul3A_273 {offsets = [15], sizes = [1], strides = [1]} : vector<16xi32> to vector<1xi32>
        %squeeze3A_319 = vector.extract %slice3A_318[0] : i32 from vector<1xi32>
        %add3A_320 = arith.addi %add3A_317, %squeeze3A_319 : i32
        %and3A_321 = arith.constant 7 : i32
        %and3A_322 = arith.andi %add3A_320, %and3A_321 : i32
        %mul3A_323 = arith.constant 16 : i32
        %mul3A_324 = arith.muli %and3A_322, %mul3A_323 : i32
        %get3A_325 = arith.index_cast %scan3A_206 : i32 to index
        %get3A_326 = arith.index_cast %mul3A_324 : i32 to index
        %get3A_327 = tpu.vector_load %arg15[%get3A_325, %get3A_326] {strides = array<i32>} : memref<64x128xf32, #tpu.memory_space<vmem>>, vector<1x16xf32>,
        %get3A_328 = vector.shape_cast %get3A_327 : vector<1x16xf32> to vector<16xf32>
        %swap3A_329 = arith.index_cast %and3A_269 : i32 to index
        %swap3A_330 = arith.constant 0 : index
        %swap3A_331 = tpu.vector_load %arg17[%swap3A_329, %swap3A_330] {strides = array<i32>} : memref<328x16xf32, #tpu.memory_space<vmem>>, vector<1x16xf32>,
        %swap3A_332 = vector.shape_cast %swap3A_331 : vector<1x16xf32> to vector<16xf32>
        %swap3A_333 = vector.shape_cast %get3A_328 : vector<16xf32> to vector<1x16xf32>
        tpu.vector_store %arg17[%swap3A_329, %swap3A_330], %swap3A_333 {add = true, strides = array<i32>} : memref<328x16xf32, #tpu.memory_space<vmem>>, vector<1x16xf32>,
        %slice3A_334 = vector.extract_strided_slice %get3A_328 {offsets = [8], sizes = [1], strides = [1]} : vector<16xf32> to vector<1xf32>
        %squeeze3A_335 = vector.extract %slice3A_334[0] : f32 from vector<1xf32>
        %get3A_336 = arith.index_cast %scan3A_206 : i32 to index
        %get3A_337 = arith.constant 0 : index
        %get3A_338 = tpu.vector_load %arg14[%get3A_336, %get3A_337] {strides = array<i32>} : memref<64x128xf32, #tpu.memory_space<vmem>>, vector<1x16xf32>,
        %get3A_339 = vector.shape_cast %get3A_338 : vector<1x16xf32> to vector<16xf32>
        %mul3A_340 = vector.broadcast %squeeze3A_335 : f32 to vector<16xf32>
        %mul3A_341 = arith.mulf %mul3A_340, %get3A_339 : vector<16xf32>
        %swap3A_342 = arith.index_cast %and3A_269 : i32 to index
        %swap3A_343 = arith.constant 0 : index
        %swap3A_344 = tpu.vector_load %arg16[%swap3A_342, %swap3A_343] {strides = array<i32>} : memref<328x128xf32, #tpu.memory_space<vmem>>, vector<1x16xf32>,
        %swap3A_345 = vector.shape_cast %swap3A_344 : vector<1x16xf32> to vector<16xf32>
        %swap3A_346 = vector.shape_cast %mul3A_341 : vector<16xf32> to vector<1x16xf32>
        tpu.vector_store %arg16[%swap3A_342, %swap3A_343], %swap3A_346 {add = true, strides = array<i32>} : memref<328x128xf32, #tpu.memory_space<vmem>>, vector<1x16xf32>,
        %slice3A_347 = vector.extract_strided_slice %get3A_328 {offsets = [9], sizes = [1], strides = [1]} : vector<16xf32> to vector<1xf32>
        %squeeze3A_348 = vector.extract %slice3A_347[0] : f32 from vector<1xf32>
        %get3A_349 = arith.index_cast %scan3A_206 : i32 to index
        %get3A_350 = arith.constant 16 : index
        %get3A_351 = tpu.vector_load %arg14[%get3A_349, %get3A_350] {strides = array<i32>} : memref<64x128xf32, #tpu.memory_space<vmem>>, vector<1x16xf32>,
        %get3A_352 = vector.shape_cast %get3A_351 : vector<1x16xf32> to vector<16xf32>
        %mul3A_353 = vector.broadcast %squeeze3A_348 : f32 to vector<16xf32>
        %mul3A_354 = arith.mulf %mul3A_353, %get3A_352 : vector<16xf32>
        %swap3A_355 = arith.index_cast %and3A_269 : i32 to index
        %swap3A_356 = arith.constant 16 : index
        %swap3A_357 = tpu.vector_load %arg16[%swap3A_355, %swap3A_356] {strides = array<i32>} : memref<328x128xf32, #tpu.memory_space<vmem>>, vector<1x16xf32>,
        %swap3A_358 = vector.shape_cast %swap3A_357 : vector<1x16xf32> to vector<16xf32>
        %swap3A_359 = vector.shape_cast %mul3A_354 : vector<16xf32> to vector<1x16xf32>
        tpu.vector_store %arg16[%swap3A_355, %swap3A_356], %swap3A_359 {add = true, strides = array<i32>} : memref<328x128xf32, #tpu.memory_space<vmem>>, vector<1x16xf32>,
        %slice3A_360 = vector.extract_strided_slice %get3A_328 {offsets = [10], sizes = [1], strides = [1]} : vector<16xf32> to vector<1xf32>
        %squeeze3A_361 = vector.extract %slice3A_360[0] : f32 from vector<1xf32>
        %get3A_362 = arith.index_cast %scan3A_206 : i32 to index
        %get3A_363 = arith.constant 32 : index
        %get3A_364 = tpu.vector_load %arg14[%get3A_362, %get3A_363] {strides = array<i32>} : memref<64x128xf32, #tpu.memory_space<vmem>>, vector<1x16xf32>,
        %get3A_365 = vector.shape_cast %get3A_364 : vector<1x16xf32> to vector<16xf32>
        %mul3A_366 = vector.broadcast %squeeze3A_361 : f32 to vector<16xf32>
        %mul3A_367 = arith.mulf %mul3A_366, %get3A_365 : vector<16xf32>
        %swap3A_368 = arith.index_cast %and3A_269 : i32 to index
        %swap3A_369 = arith.constant 32 : index
        %swap3A_370 = tpu.vector_load %arg16[%swap3A_368, %swap3A_369] {strides = array<i32>} : memref<328x128xf32, #tpu.memory_space<vmem>>, vector<1x16xf32>,
        %swap3A_371 = vector.shape_cast %swap3A_370 : vector<1x16xf32> to vector<16xf32>
        %swap3A_372 = vector.shape_cast %mul3A_367 : vector<16xf32> to vector<1x16xf32>
        tpu.vector_store %arg16[%swap3A_368, %swap3A_369], %swap3A_372 {add = true, strides = array<i32>} : memref<328x128xf32, #tpu.memory_space<vmem>>, vector<1x16xf32>,
        %slice3A_373 = vector.extract_strided_slice %get3A_328 {offsets = [11], sizes = [1], strides = [1]} : vector<16xf32> to vector<1xf32>
        %squeeze3A_374 = vector.extract %slice3A_373[0] : f32 from vector<1xf32>
        %get3A_375 = arith.index_cast %scan3A_206 : i32 to index
        %get3A_376 = arith.constant 48 : index
        %get3A_377 = tpu.vector_load %arg14[%get3A_375, %get3A_376] {strides = array<i32>} : memref<64x128xf32, #tpu.memory_space<vmem>>, vector<1x16xf32>,
        %get3A_378 = vector.shape_cast %get3A_377 : vector<1x16xf32> to vector<16xf32>
        %mul3A_379 = vector.broadcast %squeeze3A_374 : f32 to vector<16xf32>
        %mul3A_380 = arith.mulf %mul3A_379, %get3A_378 : vector<16xf32>
        %swap3A_381 = arith.index_cast %and3A_269 : i32 to index
        %swap3A_382 = arith.constant 48 : index
        %swap3A_383 = tpu.vector_load %arg16[%swap3A_381, %swap3A_382] {strides = array<i32>} : memref<328x128xf32, #tpu.memory_space<vmem>>, vector<1x16xf32>,
        %swap3A_384 = vector.shape_cast %swap3A_383 : vector<1x16xf32> to vector<16xf32>
        %swap3A_385 = vector.shape_cast %mul3A_380 : vector<16xf32> to vector<1x16xf32>
        tpu.vector_store %arg16[%swap3A_381, %swap3A_382], %swap3A_385 {add = true, strides = array<i32>} : memref<328x128xf32, #tpu.memory_space<vmem>>, vector<1x16xf32>,
        %slice3A_386 = vector.extract_strided_slice %get3A_328 {offsets = [12], sizes = [1], strides = [1]} : vector<16xf32> to vector<1xf32>
        %squeeze3A_387 = vector.extract %slice3A_386[0] : f32 from vector<1xf32>
        %get3A_388 = arith.index_cast %scan3A_206 : i32 to index
        %get3A_389 = arith.constant 64 : index
        %get3A_390 = tpu.vector_load %arg14[%get3A_388, %get3A_389] {strides = array<i32>} : memref<64x128xf32, #tpu.memory_space<vmem>>, vector<1x16xf32>,
        %get3A_391 = vector.shape_cast %get3A_390 : vector<1x16xf32> to vector<16xf32>
        %mul3A_392 = vector.broadcast %squeeze3A_387 : f32 to vector<16xf32>
        %mul3A_393 = arith.mulf %mul3A_392, %get3A_391 : vector<16xf32>
        %swap3A_394 = arith.index_cast %and3A_269 : i32 to index
        %swap3A_395 = arith.constant 64 : index
        %swap3A_396 = tpu.vector_load %arg16[%swap3A_394, %swap3A_395] {strides = array<i32>} : memref<328x128xf32, #tpu.memory_space<vmem>>, vector<1x16xf32>,
        %swap3A_397 = vector.shape_cast %swap3A_396 : vector<1x16xf32> to vector<16xf32>
        %swap3A_398 = vector.shape_cast %mul3A_393 : vector<16xf32> to vector<1x16xf32>
        tpu.vector_store %arg16[%swap3A_394, %swap3A_395], %swap3A_398 {add = true, strides = array<i32>} : memref<328x128xf32, #tpu.memory_space<vmem>>, vector<1x16xf32>,
        %slice3A_399 = vector.extract_strided_slice %get3A_328 {offsets = [13], sizes = [1], strides = [1]} : vector<16xf32> to vector<1xf32>
        %squeeze3A_400 = vector.extract %slice3A_399[0] : f32 from vector<1xf32>
        %get3A_401 = arith.index_cast %scan3A_206 : i32 to index
        %get3A_402 = arith.constant 80 : index
        %get3A_403 = tpu.vector_load %arg14[%get3A_401, %get3A_402] {strides = array<i32>} : memref<64x128xf32, #tpu.memory_space<vmem>>, vector<1x16xf32>,
        %get3A_404 = vector.shape_cast %get3A_403 : vector<1x16xf32> to vector<16xf32>
        %mul3A_405 = vector.broadcast %squeeze3A_400 : f32 to vector<16xf32>
        %mul3A_406 = arith.mulf %mul3A_405, %get3A_404 : vector<16xf32>
        %swap3A_407 = arith.index_cast %and3A_269 : i32 to index
        %swap3A_408 = arith.constant 80 : index
        %swap3A_409 = tpu.vector_load %arg16[%swap3A_407, %swap3A_408] {strides = array<i32>} : memref<328x128xf32, #tpu.memory_space<vmem>>, vector<1x16xf32>,
        %swap3A_410 = vector.shape_cast %swap3A_409 : vector<1x16xf32> to vector<16xf32>
        %swap3A_411 = vector.shape_cast %mul3A_406 : vector<16xf32> to vector<1x16xf32>
        tpu.vector_store %arg16[%swap3A_407, %swap3A_408], %swap3A_411 {add = true, strides = array<i32>} : memref<328x128xf32, #tpu.memory_space<vmem>>, vector<1x16xf32>,
        %slice3A_412 = vector.extract_strided_slice %get3A_328 {offsets = [14], sizes = [1], strides = [1]} : vector<16xf32> to vector<1xf32>
        %squeeze3A_413 = vector.extract %slice3A_412[0] : f32 from vector<1xf32>
        %get3A_414 = arith.index_cast %scan3A_206 : i32 to index
        %get3A_415 = arith.constant 96 : index
        %get3A_416 = tpu.vector_load %arg14[%get3A_414, %get3A_415] {strides = array<i32>} : memref<64x128xf32, #tpu.memory_space<vmem>>, vector<1x16xf32>,
        %get3A_417 = vector.shape_cast %get3A_416 : vector<1x16xf32> to vector<16xf32>
        %mul3A_418 = vector.broadcast %squeeze3A_413 : f32 to vector<16xf32>
        %mul3A_419 = arith.mulf %mul3A_418, %get3A_417 : vector<16xf32>
        %swap3A_420 = arith.index_cast %and3A_269 : i32 to index
        %swap3A_421 = arith.constant 96 : index
        %swap3A_422 = tpu.vector_load %arg16[%swap3A_420, %swap3A_421] {strides = array<i32>} : memref<328x128xf32, #tpu.memory_space<vmem>>, vector<1x16xf32>,
        %swap3A_423 = vector.shape_cast %swap3A_422 : vector<1x16xf32> to vector<16xf32>
        %swap3A_424 = vector.shape_cast %mul3A_419 : vector<16xf32> to vector<1x16xf32>
        tpu.vector_store %arg16[%swap3A_420, %swap3A_421], %swap3A_424 {add = true, strides = array<i32>} : memref<328x128xf32, #tpu.memory_space<vmem>>, vector<1x16xf32>,
        %slice3A_425 = vector.extract_strided_slice %get3A_328 {offsets = [15], sizes = [1], strides = [1]} : vector<16xf32> to vector<1xf32>
        %squeeze3A_426 = vector.extract %slice3A_425[0] : f32 from vector<1xf32>
        %get3A_427 = arith.index_cast %scan3A_206 : i32 to index
        %get3A_428 = arith.constant 112 : index
        %get3A_429 = tpu.vector_load %arg14[%get3A_427, %get3A_428] {strides = array<i32>} : memref<64x128xf32, #tpu.memory_space<vmem>>, vector<1x16xf32>,
        %get3A_430 = vector.shape_cast %get3A_429 : vector<1x16xf32> to vector<16xf32>
        %mul3A_431 = vector.broadcast %squeeze3A_426 : f32 to vector<16xf32>
        %mul3A_432 = arith.mulf %mul3A_431, %get3A_430 : vector<16xf32>
        %swap3A_433 = arith.index_cast %and3A_269 : i32 to index
        %swap3A_434 = arith.constant 112 : index
        %swap3A_435 = tpu.vector_load %arg16[%swap3A_433, %swap3A_434] {strides = array<i32>} : memref<328x128xf32, #tpu.memory_space<vmem>>, vector<1x16xf32>,
        %swap3A_436 = vector.shape_cast %swap3A_435 : vector<1x16xf32> to vector<16xf32>
        %swap3A_437 = vector.shape_cast %mul3A_432 : vector<16xf32> to vector<1x16xf32>
        tpu.vector_store %arg16[%swap3A_433, %swap3A_434], %swap3A_437 {add = true, strides = array<i32>} : memref<328x128xf32, #tpu.memory_space<vmem>>, vector<1x16xf32>,
      }
      %scan3A_205 = arith.constant 64 : i32
    }
    %scan3A_70 = arith.constant 169 : i32
    %mul3A_71 = arith.constant 320 : i32
    %mul3A_72 = arith.muli %add3A, %mul3A_71 : i32
    %add3A_73 = arith.constant 0 : i32
    %add3A_74 = arith.addi %mul3A_72, %add3A_73 : i32
    "tpu.region"() ({
      %run_scoped3A = tpu.sem_alloc : memref<!tpu.dma_semaphore, #tpu.memory_space<semaphore_mem>>
      %dma_start3A = arith.constant 0 : i32
      %dma_start3A_93 = arith.constant 0 : i32
      %dma_start3A_94 = tpu.memref_slice %arg16[%dma_start3A, %dma_start3A_93] : memref<328x128xf32, #tpu.memory_space<vmem>> -> memref<64x128xf32, #tpu.memory_space<vmem>>
      %dma_start3A_95 = arith.constant 0 : i32
      %dma_start3A_96 = tpu.memref_slice %arg6[%add3A_74, %dma_start3A_95] : memref<10240x128xf32, #tpu.memory_space<hbm>> -> memref<64x128xf32, #tpu.memory_space<hbm>>
      %dma_start3A_97 = arith.constant 0 : i32
      %dma_start3A_98 = tpu.memref_slice %arg6[%add3A_74, %dma_start3A_97] : memref<10240x128xf32, #tpu.memory_space<hbm>> -> memref<64x128xf32, #tpu.memory_space<hbm>>
      %dma_start3A_99 = arith.constant 0 : i32
      %dma_start3A_100 = arith.constant 0 : i32
      %dma_start3A_101 = tpu.memref_slice %arg16[%dma_start3A_99, %dma_start3A_100] : memref<328x128xf32, #tpu.memory_space<vmem>> -> memref<64x128xf32, #tpu.memory_space<vmem>>
      tpu.enqueue_dma source(%dma_start3A_101 : memref<64x128xf32, #tpu.memory_space<vmem>>) target(%dma_start3A_98 : memref<64x128xf32, #tpu.memory_space<hbm>>) target_semaphore(%run_scoped3A : memref<!tpu.dma_semaphore, #tpu.memory_space<semaphore_mem>>)
      %dma_wait3A = arith.constant 0 : i32
      %dma_wait3A_102 = arith.constant 0 : i32
      %dma_wait3A_103 = tpu.memref_slice %arg16[%dma_wait3A, %dma_wait3A_102] : memref<328x128xf32, #tpu.memory_space<vmem>> -> memref<64x128xf32, #tpu.memory_space<vmem>>
      %dma_wait3A_104 = arith.constant 0 : i32
      %dma_wait3A_105 = tpu.memref_slice %arg6[%add3A_74, %dma_wait3A_104] : memref<10240x128xf32, #tpu.memory_space<hbm>> -> memref<64x128xf32, #tpu.memory_space<hbm>>
      %dma_wait3A_106 = arith.constant 0 : i32
      %dma_wait3A_107 = tpu.memref_slice %arg6[%add3A_74, %dma_wait3A_106] : memref<10240x128xf32, #tpu.memory_space<hbm>> -> memref<64x128xf32, #tpu.memory_space<hbm>>
      %dma_wait3A_108 = arith.constant 0 : i32
      %dma_wait3A_109 = arith.constant 0 : i32
      %dma_wait3A_110 = tpu.memref_slice %arg16[%dma_wait3A_108, %dma_wait3A_109] : memref<328x128xf32, #tpu.memory_space<vmem>> -> memref<64x128xf32, #tpu.memory_space<vmem>>
      tpu.wait_dma2 semaphore(%run_scoped3A : memref<!tpu.dma_semaphore, #tpu.memory_space<semaphore_mem>>) src(%dma_wait3A_110 : memref<64x128xf32, #tpu.memory_space<vmem>>) dst(%dma_wait3A_107 : memref<64x128xf32, #tpu.memory_space<hbm>>)
      tpu.yield
    }) : () -> ()
    %add3A_75 = arith.constant 0 : i32
    %add3A_76 = arith.addi %mul3A_72, %add3A_75 : i32
    "tpu.region"() ({
      %run_scoped3A = tpu.sem_alloc : memref<!tpu.dma_semaphore, #tpu.memory_space<semaphore_mem>>
      %dma_start3A = arith.constant 0 : i32
      %dma_start3A_93 = arith.constant 0 : i32
      %dma_start3A_94 = tpu.memref_slice %arg17[%dma_start3A, %dma_start3A_93] : memref<328x16xf32, #tpu.memory_space<vmem>> -> memref<64x16xf32, #tpu.memory_space<vmem>>
      %dma_start3A_95 = arith.constant 0 : i32
      %dma_start3A_96 = tpu.memref_slice %arg7[%add3A_76, %dma_start3A_95] : memref<10240x16xf32, #tpu.memory_space<hbm>> -> memref<64x16xf32, #tpu.memory_space<hbm>>
      %dma_start3A_97 = arith.constant 0 : i32
      %dma_start3A_98 = tpu.memref_slice %arg7[%add3A_76, %dma_start3A_97] : memref<10240x16xf32, #tpu.memory_space<hbm>> -> memref<64x16xf32, #tpu.memory_space<hbm>>
      %dma_start3A_99 = arith.constant 0 : i32
      %dma_start3A_100 = arith.constant 0 : i32
      %dma_start3A_101 = tpu.memref_slice %arg17[%dma_start3A_99, %dma_start3A_100] : memref<328x16xf32, #tpu.memory_space<vmem>> -> memref<64x16xf32, #tpu.memory_space<vmem>>
      tpu.enqueue_dma source(%dma_start3A_101 : memref<64x16xf32, #tpu.memory_space<vmem>>) target(%dma_start3A_98 : memref<64x16xf32, #tpu.memory_space<hbm>>) target_semaphore(%run_scoped3A : memref<!tpu.dma_semaphore, #tpu.memory_space<semaphore_mem>>)
      %dma_wait3A = arith.constant 0 : i32
      %dma_wait3A_102 = arith.constant 0 : i32
      %dma_wait3A_103 = tpu.memref_slice %arg17[%dma_wait3A, %dma_wait3A_102] : memref<328x16xf32, #tpu.memory_space<vmem>> -> memref<64x16xf32, #tpu.memory_space<vmem>>
      %dma_wait3A_104 = arith.constant 0 : i32
      %dma_wait3A_105 = tpu.memref_slice %arg7[%add3A_76, %dma_wait3A_104] : memref<10240x16xf32, #tpu.memory_space<hbm>> -> memref<64x16xf32, #tpu.memory_space<hbm>>
      %dma_wait3A_106 = arith.constant 0 : i32
      %dma_wait3A_107 = tpu.memref_slice %arg7[%add3A_76, %dma_wait3A_106] : memref<10240x16xf32, #tpu.memory_space<hbm>> -> memref<64x16xf32, #tpu.memory_space<hbm>>
      %dma_wait3A_108 = arith.constant 0 : i32
      %dma_wait3A_109 = arith.constant 0 : i32
      %dma_wait3A_110 = tpu.memref_slice %arg17[%dma_wait3A_108, %dma_wait3A_109] : memref<328x16xf32, #tpu.memory_space<vmem>> -> memref<64x16xf32, #tpu.memory_space<vmem>>
      tpu.wait_dma2 semaphore(%run_scoped3A : memref<!tpu.dma_semaphore, #tpu.memory_space<semaphore_mem>>) src(%dma_wait3A_110 : memref<64x16xf32, #tpu.memory_space<vmem>>) dst(%dma_wait3A_107 : memref<64x16xf32, #tpu.memory_space<hbm>>)
      tpu.yield
    }) : () -> ()
    %add3A_77 = arith.constant 64 : i32
    %add3A_78 = arith.addi %mul3A_72, %add3A_77 : i32
    "tpu.region"() ({
      %run_scoped3A = tpu.sem_alloc : memref<!tpu.dma_semaphore, #tpu.memory_space<semaphore_mem>>
      %dma_start3A = arith.constant 64 : i32
      %dma_start3A_93 = arith.constant 0 : i32
      %dma_start3A_94 = tpu.memref_slice %arg16[%dma_start3A, %dma_start3A_93] : memref<328x128xf32, #tpu.memory_space<vmem>> -> memref<64x128xf32, #tpu.memory_space<vmem>>
      %dma_start3A_95 = arith.constant 0 : i32
      %dma_start3A_96 = tpu.memref_slice %arg6[%add3A_78, %dma_start3A_95] : memref<10240x128xf32, #tpu.memory_space<hbm>> -> memref<64x128xf32, #tpu.memory_space<hbm>>
      %dma_start3A_97 = arith.constant 0 : i32
      %dma_start3A_98 = tpu.memref_slice %arg6[%add3A_78, %dma_start3A_97] : memref<10240x128xf32, #tpu.memory_space<hbm>> -> memref<64x128xf32, #tpu.memory_space<hbm>>
      %dma_start3A_99 = arith.constant 64 : i32
      %dma_start3A_100 = arith.constant 0 : i32
      %dma_start3A_101 = tpu.memref_slice %arg16[%dma_start3A_99, %dma_start3A_100] : memref<328x128xf32, #tpu.memory_space<vmem>> -> memref<64x128xf32, #tpu.memory_space<vmem>>
      tpu.enqueue_dma source(%dma_start3A_101 : memref<64x128xf32, #tpu.memory_space<vmem>>) target(%dma_start3A_98 : memref<64x128xf32, #tpu.memory_space<hbm>>) target_semaphore(%run_scoped3A : memref<!tpu.dma_semaphore, #tpu.memory_space<semaphore_mem>>)
      %dma_wait3A = arith.constant 64 : i32
      %dma_wait3A_102 = arith.constant 0 : i32
      %dma_wait3A_103 = tpu.memref_slice %arg16[%dma_wait3A, %dma_wait3A_102] : memref<328x128xf32, #tpu.memory_space<vmem>> -> memref<64x128xf32, #tpu.memory_space<vmem>>
      %dma_wait3A_104 = arith.constant 0 : i32
      %dma_wait3A_105 = tpu.memref_slice %arg6[%add3A_78, %dma_wait3A_104] : memref<10240x128xf32, #tpu.memory_space<hbm>> -> memref<64x128xf32, #tpu.memory_space<hbm>>
      %dma_wait3A_106 = arith.constant 0 : i32
      %dma_wait3A_107 = tpu.memref_slice %arg6[%add3A_78, %dma_wait3A_106] : memref<10240x128xf32, #tpu.memory_space<hbm>> -> memref<64x128xf32, #tpu.memory_space<hbm>>
      %dma_wait3A_108 = arith.constant 64 : i32
      %dma_wait3A_109 = arith.constant 0 : i32
      %dma_wait3A_110 = tpu.memref_slice %arg16[%dma_wait3A_108, %dma_wait3A_109] : memref<328x128xf32, #tpu.memory_space<vmem>> -> memref<64x128xf32, #tpu.memory_space<vmem>>
      tpu.wait_dma2 semaphore(%run_scoped3A : memref<!tpu.dma_semaphore, #tpu.memory_space<semaphore_mem>>) src(%dma_wait3A_110 : memref<64x128xf32, #tpu.memory_space<vmem>>) dst(%dma_wait3A_107 : memref<64x128xf32, #tpu.memory_space<hbm>>)
      tpu.yield
    }) : () -> ()
    %add3A_79 = arith.constant 64 : i32
    %add3A_80 = arith.addi %mul3A_72, %add3A_79 : i32
    "tpu.region"() ({
      %run_scoped3A = tpu.sem_alloc : memref<!tpu.dma_semaphore, #tpu.memory_space<semaphore_mem>>
      %dma_start3A = arith.constant 64 : i32
      %dma_start3A_93 = arith.constant 0 : i32
      %dma_start3A_94 = tpu.memref_slice %arg17[%dma_start3A, %dma_start3A_93] : memref<328x16xf32, #tpu.memory_space<vmem>> -> memref<64x16xf32, #tpu.memory_space<vmem>>
      %dma_start3A_95 = arith.constant 0 : i32
      %dma_start3A_96 = tpu.memref_slice %arg7[%add3A_80, %dma_start3A_95] : memref<10240x16xf32, #tpu.memory_space<hbm>> -> memref<64x16xf32, #tpu.memory_space<hbm>>
      %dma_start3A_97 = arith.constant 0 : i32
      %dma_start3A_98 = tpu.memref_slice %arg7[%add3A_80, %dma_start3A_97] : memref<10240x16xf32, #tpu.memory_space<hbm>> -> memref<64x16xf32, #tpu.memory_space<hbm>>
      %dma_start3A_99 = arith.constant 64 : i32
      %dma_start3A_100 = arith.constant 0 : i32
      %dma_start3A_101 = tpu.memref_slice %arg17[%dma_start3A_99, %dma_start3A_100] : memref<328x16xf32, #tpu.memory_space<vmem>> -> memref<64x16xf32, #tpu.memory_space<vmem>>
      tpu.enqueue_dma source(%dma_start3A_101 : memref<64x16xf32, #tpu.memory_space<vmem>>) target(%dma_start3A_98 : memref<64x16xf32, #tpu.memory_space<hbm>>) target_semaphore(%run_scoped3A : memref<!tpu.dma_semaphore, #tpu.memory_space<semaphore_mem>>)
      %dma_wait3A = arith.constant 64 : i32
      %dma_wait3A_102 = arith.constant 0 : i32
      %dma_wait3A_103 = tpu.memref_slice %arg17[%dma_wait3A, %dma_wait3A_102] : memref<328x16xf32, #tpu.memory_space<vmem>> -> memref<64x16xf32, #tpu.memory_space<vmem>>
      %dma_wait3A_104 = arith.constant 0 : i32
      %dma_wait3A_105 = tpu.memref_slice %arg7[%add3A_80, %dma_wait3A_104] : memref<10240x16xf32, #tpu.memory_space<hbm>> -> memref<64x16xf32, #tpu.memory_space<hbm>>
      %dma_wait3A_106 = arith.constant 0 : i32
      %dma_wait3A_107 = tpu.memref_slice %arg7[%add3A_80, %dma_wait3A_106] : memref<10240x16xf32, #tpu.memory_space<hbm>> -> memref<64x16xf32, #tpu.memory_space<hbm>>
      %dma_wait3A_108 = arith.constant 64 : i32
      %dma_wait3A_109 = arith.constant 0 : i32
      %dma_wait3A_110 = tpu.memref_slice %arg17[%dma_wait3A_108, %dma_wait3A_109] : memref<328x16xf32, #tpu.memory_space<vmem>> -> memref<64x16xf32, #tpu.memory_space<vmem>>
      tpu.wait_dma2 semaphore(%run_scoped3A : memref<!tpu.dma_semaphore, #tpu.memory_space<semaphore_mem>>) src(%dma_wait3A_110 : memref<64x16xf32, #tpu.memory_space<vmem>>) dst(%dma_wait3A_107 : memref<64x16xf32, #tpu.memory_space<hbm>>)
      tpu.yield
    }) : () -> ()
    %add3A_81 = arith.constant 128 : i32
    %add3A_82 = arith.addi %mul3A_72, %add3A_81 : i32
    "tpu.region"() ({
      %run_scoped3A = tpu.sem_alloc : memref<!tpu.dma_semaphore, #tpu.memory_space<semaphore_mem>>
      %dma_start3A = arith.constant 128 : i32
      %dma_start3A_93 = arith.constant 0 : i32
      %dma_start3A_94 = tpu.memref_slice %arg16[%dma_start3A, %dma_start3A_93] : memref<328x128xf32, #tpu.memory_space<vmem>> -> memref<64x128xf32, #tpu.memory_space<vmem>>
      %dma_start3A_95 = arith.constant 0 : i32
      %dma_start3A_96 = tpu.memref_slice %arg6[%add3A_82, %dma_start3A_95] : memref<10240x128xf32, #tpu.memory_space<hbm>> -> memref<64x128xf32, #tpu.memory_space<hbm>>
      %dma_start3A_97 = arith.constant 0 : i32
      %dma_start3A_98 = tpu.memref_slice %arg6[%add3A_82, %dma_start3A_97] : memref<10240x128xf32, #tpu.memory_space<hbm>> -> memref<64x128xf32, #tpu.memory_space<hbm>>
      %dma_start3A_99 = arith.constant 128 : i32
      %dma_start3A_100 = arith.constant 0 : i32
      %dma_start3A_101 = tpu.memref_slice %arg16[%dma_start3A_99, %dma_start3A_100] : memref<328x128xf32, #tpu.memory_space<vmem>> -> memref<64x128xf32, #tpu.memory_space<vmem>>
      tpu.enqueue_dma source(%dma_start3A_101 : memref<64x128xf32, #tpu.memory_space<vmem>>) target(%dma_start3A_98 : memref<64x128xf32, #tpu.memory_space<hbm>>) target_semaphore(%run_scoped3A : memref<!tpu.dma_semaphore, #tpu.memory_space<semaphore_mem>>)
      %dma_wait3A = arith.constant 128 : i32
      %dma_wait3A_102 = arith.constant 0 : i32
      %dma_wait3A_103 = tpu.memref_slice %arg16[%dma_wait3A, %dma_wait3A_102] : memref<328x128xf32, #tpu.memory_space<vmem>> -> memref<64x128xf32, #tpu.memory_space<vmem>>
      %dma_wait3A_104 = arith.constant 0 : i32
      %dma_wait3A_105 = tpu.memref_slice %arg6[%add3A_82, %dma_wait3A_104] : memref<10240x128xf32, #tpu.memory_space<hbm>> -> memref<64x128xf32, #tpu.memory_space<hbm>>
      %dma_wait3A_106 = arith.constant 0 : i32
      %dma_wait3A_107 = tpu.memref_slice %arg6[%add3A_82, %dma_wait3A_106] : memref<10240x128xf32, #tpu.memory_space<hbm>> -> memref<64x128xf32, #tpu.memory_space<hbm>>
      %dma_wait3A_108 = arith.constant 128 : i32
      %dma_wait3A_109 = arith.constant 0 : i32
      %dma_wait3A_110 = tpu.memref_slice %arg16[%dma_wait3A_108, %dma_wait3A_109] : memref<328x128xf32, #tpu.memory_space<vmem>> -> memref<64x128xf32, #tpu.memory_space<vmem>>
      tpu.wait_dma2 semaphore(%run_scoped3A : memref<!tpu.dma_semaphore, #tpu.memory_space<semaphore_mem>>) src(%dma_wait3A_110 : memref<64x128xf32, #tpu.memory_space<vmem>>) dst(%dma_wait3A_107 : memref<64x128xf32, #tpu.memory_space<hbm>>)
      tpu.yield
    }) : () -> ()
    %add3A_83 = arith.constant 128 : i32
    %add3A_84 = arith.addi %mul3A_72, %add3A_83 : i32
    "tpu.region"() ({
      %run_scoped3A = tpu.sem_alloc : memref<!tpu.dma_semaphore, #tpu.memory_space<semaphore_mem>>
      %dma_start3A = arith.constant 128 : i32
      %dma_start3A_93 = arith.constant 0 : i32
      %dma_start3A_94 = tpu.memref_slice %arg17[%dma_start3A, %dma_start3A_93] : memref<328x16xf32, #tpu.memory_space<vmem>> -> memref<64x16xf32, #tpu.memory_space<vmem>>
      %dma_start3A_95 = arith.constant 0 : i32
      %dma_start3A_96 = tpu.memref_slice %arg7[%add3A_84, %dma_start3A_95] : memref<10240x16xf32, #tpu.memory_space<hbm>> -> memref<64x16xf32, #tpu.memory_space<hbm>>
      %dma_start3A_97 = arith.constant 0 : i32
      %dma_start3A_98 = tpu.memref_slice %arg7[%add3A_84, %dma_start3A_97] : memref<10240x16xf32, #tpu.memory_space<hbm>> -> memref<64x16xf32, #tpu.memory_space<hbm>>
      %dma_start3A_99 = arith.constant 128 : i32
      %dma_start3A_100 = arith.constant 0 : i32
      %dma_start3A_101 = tpu.memref_slice %arg17[%dma_start3A_99, %dma_start3A_100] : memref<328x16xf32, #tpu.memory_space<vmem>> -> memref<64x16xf32, #tpu.memory_space<vmem>>
      tpu.enqueue_dma source(%dma_start3A_101 : memref<64x16xf32, #tpu.memory_space<vmem>>) target(%dma_start3A_98 : memref<64x16xf32, #tpu.memory_space<hbm>>) target_semaphore(%run_scoped3A : memref<!tpu.dma_semaphore, #tpu.memory_space<semaphore_mem>>)
      %dma_wait3A = arith.constant 128 : i32
      %dma_wait3A_102 = arith.constant 0 : i32
      %dma_wait3A_103 = tpu.memref_slice %arg17[%dma_wait3A, %dma_wait3A_102] : memref<328x16xf32, #tpu.memory_space<vmem>> -> memref<64x16xf32, #tpu.memory_space<vmem>>
      %dma_wait3A_104 = arith.constant 0 : i32
      %dma_wait3A_105 = tpu.memref_slice %arg7[%add3A_84, %dma_wait3A_104] : memref<10240x16xf32, #tpu.memory_space<hbm>> -> memref<64x16xf32, #tpu.memory_space<hbm>>
      %dma_wait3A_106 = arith.constant 0 : i32
      %dma_wait3A_107 = tpu.memref_slice %arg7[%add3A_84, %dma_wait3A_106] : memref<10240x16xf32, #tpu.memory_space<hbm>> -> memref<64x16xf32, #tpu.memory_space<hbm>>
      %dma_wait3A_108 = arith.constant 128 : i32
      %dma_wait3A_109 = arith.constant 0 : i32
      %dma_wait3A_110 = tpu.memref_slice %arg17[%dma_wait3A_108, %dma_wait3A_109] : memref<328x16xf32, #tpu.memory_space<vmem>> -> memref<64x16xf32, #tpu.memory_space<vmem>>
      tpu.wait_dma2 semaphore(%run_scoped3A : memref<!tpu.dma_semaphore, #tpu.memory_space<semaphore_mem>>) src(%dma_wait3A_110 : memref<64x16xf32, #tpu.memory_space<vmem>>) dst(%dma_wait3A_107 : memref<64x16xf32, #tpu.memory_space<hbm>>)
      tpu.yield
    }) : () -> ()
    %add3A_85 = arith.constant 192 : i32
    %add3A_86 = arith.addi %mul3A_72, %add3A_85 : i32
    "tpu.region"() ({
      %run_scoped3A = tpu.sem_alloc : memref<!tpu.dma_semaphore, #tpu.memory_space<semaphore_mem>>
      %dma_start3A = arith.constant 192 : i32
      %dma_start3A_93 = arith.constant 0 : i32
      %dma_start3A_94 = tpu.memref_slice %arg16[%dma_start3A, %dma_start3A_93] : memref<328x128xf32, #tpu.memory_space<vmem>> -> memref<64x128xf32, #tpu.memory_space<vmem>>
      %dma_start3A_95 = arith.constant 0 : i32
      %dma_start3A_96 = tpu.memref_slice %arg6[%add3A_86, %dma_start3A_95] : memref<10240x128xf32, #tpu.memory_space<hbm>> -> memref<64x128xf32, #tpu.memory_space<hbm>>
      %dma_start3A_97 = arith.constant 0 : i32
      %dma_start3A_98 = tpu.memref_slice %arg6[%add3A_86, %dma_start3A_97] : memref<10240x128xf32, #tpu.memory_space<hbm>> -> memref<64x128xf32, #tpu.memory_space<hbm>>
      %dma_start3A_99 = arith.constant 192 : i32
      %dma_start3A_100 = arith.constant 0 : i32
      %dma_start3A_101 = tpu.memref_slice %arg16[%dma_start3A_99, %dma_start3A_100] : memref<328x128xf32, #tpu.memory_space<vmem>> -> memref<64x128xf32, #tpu.memory_space<vmem>>
      tpu.enqueue_dma source(%dma_start3A_101 : memref<64x128xf32, #tpu.memory_space<vmem>>) target(%dma_start3A_98 : memref<64x128xf32, #tpu.memory_space<hbm>>) target_semaphore(%run_scoped3A : memref<!tpu.dma_semaphore, #tpu.memory_space<semaphore_mem>>)
      %dma_wait3A = arith.constant 192 : i32
      %dma_wait3A_102 = arith.constant 0 : i32
      %dma_wait3A_103 = tpu.memref_slice %arg16[%dma_wait3A, %dma_wait3A_102] : memref<328x128xf32, #tpu.memory_space<vmem>> -> memref<64x128xf32, #tpu.memory_space<vmem>>
      %dma_wait3A_104 = arith.constant 0 : i32
      %dma_wait3A_105 = tpu.memref_slice %arg6[%add3A_86, %dma_wait3A_104] : memref<10240x128xf32, #tpu.memory_space<hbm>> -> memref<64x128xf32, #tpu.memory_space<hbm>>
      %dma_wait3A_106 = arith.constant 0 : i32
      %dma_wait3A_107 = tpu.memref_slice %arg6[%add3A_86, %dma_wait3A_106] : memref<10240x128xf32, #tpu.memory_space<hbm>> -> memref<64x128xf32, #tpu.memory_space<hbm>>
      %dma_wait3A_108 = arith.constant 192 : i32
      %dma_wait3A_109 = arith.constant 0 : i32
      %dma_wait3A_110 = tpu.memref_slice %arg16[%dma_wait3A_108, %dma_wait3A_109] : memref<328x128xf32, #tpu.memory_space<vmem>> -> memref<64x128xf32, #tpu.memory_space<vmem>>
      tpu.wait_dma2 semaphore(%run_scoped3A : memref<!tpu.dma_semaphore, #tpu.memory_space<semaphore_mem>>) src(%dma_wait3A_110 : memref<64x128xf32, #tpu.memory_space<vmem>>) dst(%dma_wait3A_107 : memref<64x128xf32, #tpu.memory_space<hbm>>)
      tpu.yield
    }) : () -> ()
    %add3A_87 = arith.constant 192 : i32
    %add3A_88 = arith.addi %mul3A_72, %add3A_87 : i32
    "tpu.region"() ({
      %run_scoped3A = tpu.sem_alloc : memref<!tpu.dma_semaphore, #tpu.memory_space<semaphore_mem>>
      %dma_start3A = arith.constant 192 : i32
      %dma_start3A_93 = arith.constant 0 : i32
      %dma_start3A_94 = tpu.memref_slice %arg17[%dma_start3A, %dma_start3A_93] : memref<328x16xf32, #tpu.memory_space<vmem>> -> memref<64x16xf32, #tpu.memory_space<vmem>>
      %dma_start3A_95 = arith.constant 0 : i32
      %dma_start3A_96 = tpu.memref_slice %arg7[%add3A_88, %dma_start3A_95] : memref<10240x16xf32, #tpu.memory_space<hbm>> -> memref<64x16xf32, #tpu.memory_space<hbm>>
      %dma_start3A_97 = arith.constant 0 : i32
      %dma_start3A_98 = tpu.memref_slice %arg7[%add3A_88, %dma_start3A_97] : memref<10240x16xf32, #tpu.memory_space<hbm>> -> memref<64x16xf32, #tpu.memory_space<hbm>>
      %dma_start3A_99 = arith.constant 192 : i32
      %dma_start3A_100 = arith.constant 0 : i32
      %dma_start3A_101 = tpu.memref_slice %arg17[%dma_start3A_99, %dma_start3A_100] : memref<328x16xf32, #tpu.memory_space<vmem>> -> memref<64x16xf32, #tpu.memory_space<vmem>>
      tpu.enqueue_dma source(%dma_start3A_101 : memref<64x16xf32, #tpu.memory_space<vmem>>) target(%dma_start3A_98 : memref<64x16xf32, #tpu.memory_space<hbm>>) target_semaphore(%run_scoped3A : memref<!tpu.dma_semaphore, #tpu.memory_space<semaphore_mem>>)
      %dma_wait3A = arith.constant 192 : i32
      %dma_wait3A_102 = arith.constant 0 : i32
      %dma_wait3A_103 = tpu.memref_slice %arg17[%dma_wait3A, %dma_wait3A_102] : memref<328x16xf32, #tpu.memory_space<vmem>> -> memref<64x16xf32, #tpu.memory_space<vmem>>
      %dma_wait3A_104 = arith.constant 0 : i32
      %dma_wait3A_105 = tpu.memref_slice %arg7[%add3A_88, %dma_wait3A_104] : memref<10240x16xf32, #tpu.memory_space<hbm>> -> memref<64x16xf32, #tpu.memory_space<hbm>>
      %dma_wait3A_106 = arith.constant 0 : i32
      %dma_wait3A_107 = tpu.memref_slice %arg7[%add3A_88, %dma_wait3A_106] : memref<10240x16xf32, #tpu.memory_space<hbm>> -> memref<64x16xf32, #tpu.memory_space<hbm>>
      %dma_wait3A_108 = arith.constant 192 : i32
      %dma_wait3A_109 = arith.constant 0 : i32
      %dma_wait3A_110 = tpu.memref_slice %arg17[%dma_wait3A_108, %dma_wait3A_109] : memref<328x16xf32, #tpu.memory_space<vmem>> -> memref<64x16xf32, #tpu.memory_space<vmem>>
      tpu.wait_dma2 semaphore(%run_scoped3A : memref<!tpu.dma_semaphore, #tpu.memory_space<semaphore_mem>>) src(%dma_wait3A_110 : memref<64x16xf32, #tpu.memory_space<vmem>>) dst(%dma_wait3A_107 : memref<64x16xf32, #tpu.memory_space<hbm>>)
      tpu.yield
    }) : () -> ()
    %add3A_89 = arith.constant 256 : i32
    %add3A_90 = arith.addi %mul3A_72, %add3A_89 : i32
    "tpu.region"() ({
      %run_scoped3A = tpu.sem_alloc : memref<!tpu.dma_semaphore, #tpu.memory_space<semaphore_mem>>
      %dma_start3A = arith.constant 256 : i32
      %dma_start3A_93 = arith.constant 0 : i32
      %dma_start3A_94 = tpu.memref_slice %arg16[%dma_start3A, %dma_start3A_93] : memref<328x128xf32, #tpu.memory_space<vmem>> -> memref<64x128xf32, #tpu.memory_space<vmem>>
      %dma_start3A_95 = arith.constant 0 : i32
      %dma_start3A_96 = tpu.memref_slice %arg6[%add3A_90, %dma_start3A_95] : memref<10240x128xf32, #tpu.memory_space<hbm>> -> memref<64x128xf32, #tpu.memory_space<hbm>>
      %dma_start3A_97 = arith.constant 0 : i32
      %dma_start3A_98 = tpu.memref_slice %arg6[%add3A_90, %dma_start3A_97] : memref<10240x128xf32, #tpu.memory_space<hbm>> -> memref<64x128xf32, #tpu.memory_space<hbm>>
      %dma_start3A_99 = arith.constant 256 : i32
      %dma_start3A_100 = arith.constant 0 : i32
      %dma_start3A_101 = tpu.memref_slice %arg16[%dma_start3A_99, %dma_start3A_100] : memref<328x128xf32, #tpu.memory_space<vmem>> -> memref<64x128xf32, #tpu.memory_space<vmem>>
      tpu.enqueue_dma source(%dma_start3A_101 : memref<64x128xf32, #tpu.memory_space<vmem>>) target(%dma_start3A_98 : memref<64x128xf32, #tpu.memory_space<hbm>>) target_semaphore(%run_scoped3A : memref<!tpu.dma_semaphore, #tpu.memory_space<semaphore_mem>>)
      %dma_wait3A = arith.constant 256 : i32
      %dma_wait3A_102 = arith.constant 0 : i32
      %dma_wait3A_103 = tpu.memref_slice %arg16[%dma_wait3A, %dma_wait3A_102] : memref<328x128xf32, #tpu.memory_space<vmem>> -> memref<64x128xf32, #tpu.memory_space<vmem>>
      %dma_wait3A_104 = arith.constant 0 : i32
      %dma_wait3A_105 = tpu.memref_slice %arg6[%add3A_90, %dma_wait3A_104] : memref<10240x128xf32, #tpu.memory_space<hbm>> -> memref<64x128xf32, #tpu.memory_space<hbm>>
      %dma_wait3A_106 = arith.constant 0 : i32
      %dma_wait3A_107 = tpu.memref_slice %arg6[%add3A_90, %dma_wait3A_106] : memref<10240x128xf32, #tpu.memory_space<hbm>> -> memref<64x128xf32, #tpu.memory_space<hbm>>
      %dma_wait3A_108 = arith.constant 256 : i32
      %dma_wait3A_109 = arith.constant 0 : i32
      %dma_wait3A_110 = tpu.memref_slice %arg16[%dma_wait3A_108, %dma_wait3A_109] : memref<328x128xf32, #tpu.memory_space<vmem>> -> memref<64x128xf32, #tpu.memory_space<vmem>>
      tpu.wait_dma2 semaphore(%run_scoped3A : memref<!tpu.dma_semaphore, #tpu.memory_space<semaphore_mem>>) src(%dma_wait3A_110 : memref<64x128xf32, #tpu.memory_space<vmem>>) dst(%dma_wait3A_107 : memref<64x128xf32, #tpu.memory_space<hbm>>)
      tpu.yield
    }) : () -> ()
    %add3A_91 = arith.constant 256 : i32
    %add3A_92 = arith.addi %mul3A_72, %add3A_91 : i32
    "tpu.region"() ({
      %run_scoped3A = tpu.sem_alloc : memref<!tpu.dma_semaphore, #tpu.memory_space<semaphore_mem>>
      %dma_start3A = arith.constant 256 : i32
      %dma_start3A_93 = arith.constant 0 : i32
      %dma_start3A_94 = tpu.memref_slice %arg17[%dma_start3A, %dma_start3A_93] : memref<328x16xf32, #tpu.memory_space<vmem>> -> memref<64x16xf32, #tpu.memory_space<vmem>>
      %dma_start3A_95 = arith.constant 0 : i32
      %dma_start3A_96 = tpu.memref_slice %arg7[%add3A_92, %dma_start3A_95] : memref<10240x16xf32, #tpu.memory_space<hbm>> -> memref<64x16xf32, #tpu.memory_space<hbm>>
      %dma_start3A_97 = arith.constant 0 : i32
      %dma_start3A_98 = tpu.memref_slice %arg7[%add3A_92, %dma_start3A_97] : memref<10240x16xf32, #tpu.memory_space<hbm>> -> memref<64x16xf32, #tpu.memory_space<hbm>>
      %dma_start3A_99 = arith.constant 256 : i32
      %dma_start3A_100 = arith.constant 0 : i32
      %dma_start3A_101 = tpu.memref_slice %arg17[%dma_start3A_99, %dma_start3A_100] : memref<328x16xf32, #tpu.memory_space<vmem>> -> memref<64x16xf32, #tpu.memory_space<vmem>>
      tpu.enqueue_dma source(%dma_start3A_101 : memref<64x16xf32, #tpu.memory_space<vmem>>) target(%dma_start3A_98 : memref<64x16xf32, #tpu.memory_space<hbm>>) target_semaphore(%run_scoped3A : memref<!tpu.dma_semaphore, #tpu.memory_space<semaphore_mem>>)
      %dma_wait3A = arith.constant 256 : i32
      %dma_wait3A_102 = arith.constant 0 : i32
      %dma_wait3A_103 = tpu.memref_slice %arg17[%dma_wait3A, %dma_wait3A_102] : memref<328x16xf32, #tpu.memory_space<vmem>> -> memref<64x16xf32, #tpu.memory_space<vmem>>
      %dma_wait3A_104 = arith.constant 0 : i32
      %dma_wait3A_105 = tpu.memref_slice %arg7[%add3A_92, %dma_wait3A_104] : memref<10240x16xf32, #tpu.memory_space<hbm>> -> memref<64x16xf32, #tpu.memory_space<hbm>>
      %dma_wait3A_106 = arith.constant 0 : i32
      %dma_wait3A_107 = tpu.memref_slice %arg7[%add3A_92, %dma_wait3A_106] : memref<10240x16xf32, #tpu.memory_space<hbm>> -> memref<64x16xf32, #tpu.memory_space<hbm>>
      %dma_wait3A_108 = arith.constant 256 : i32
      %dma_wait3A_109 = arith.constant 0 : i32
      %dma_wait3A_110 = tpu.memref_slice %arg17[%dma_wait3A_108, %dma_wait3A_109] : memref<328x16xf32, #tpu.memory_space<vmem>> -> memref<64x16xf32, #tpu.memory_space<vmem>>
      tpu.wait_dma2 semaphore(%run_scoped3A : memref<!tpu.dma_semaphore, #tpu.memory_space<semaphore_mem>>) src(%dma_wait3A_110 : memref<64x16xf32, #tpu.memory_space<vmem>>) dst(%dma_wait3A_107 : memref<64x16xf32, #tpu.memory_space<hbm>>)
      tpu.yield
    }) : () -> ()
    return
  }
}

module attributes {stable_mosaic.version = 14 : i64} {
  func.func @_tables_body(%arg0: i32, %arg1: memref<2000x128xf32, #tpu.memory_space<vmem>>, %arg2: memref<2000x128xf32, #tpu.memory_space<vmem>>, %arg3: memref<128x128xf32, #tpu.memory_space<vmem>>, %arg4: memref<128x128xf32, #tpu.memory_space<vmem>>, %arg5: memref<128x128xf32, #tpu.memory_space<vmem>>, %arg6: memref<128x128xf32, #tpu.memory_space<vmem>>, %arg7: memref<1x128xf32, #tpu.memory_space<vmem>>, %arg8: memref<2000x128xf32, #tpu.memory_space<vmem>>, %arg9: memref<2000x128xf32, #tpu.memory_space<vmem>>, %arg10: memref<2000x128xf32, #tpu.memory_space<vmem>>, %arg11: memref<2000x128xf32, #tpu.memory_space<vmem>>) attributes {dimension_semantics = [#tpu.dimension_semantics<arbitrary>], iteration_bounds = array<i64: 5>, scalar_prefetch = 0 : i64, scratch_operands = 0 : i64, tpu.core_type = #tpu.core_type<tc>, window_params = [{transform_indices = @transform_0, window_bounds = array<i64: 2000, 128>}, {transform_indices = @transform_1, window_bounds = array<i64: 2000, 128>}, {pipeline_mode = #tpu.pipeline_mode<synchronous>, transform_indices = @transform_2, window_bounds = array<i64: 128, 128>}, {pipeline_mode = #tpu.pipeline_mode<synchronous>, transform_indices = @transform_3, window_bounds = array<i64: 128, 128>}, {pipeline_mode = #tpu.pipeline_mode<synchronous>, transform_indices = @transform_4, window_bounds = array<i64: 128, 128>}, {pipeline_mode = #tpu.pipeline_mode<synchronous>, transform_indices = @transform_5, window_bounds = array<i64: 128, 128>}, {pipeline_mode = #tpu.pipeline_mode<synchronous>, transform_indices = @transform_6, window_bounds = array<i64: 1, 128>}, {transform_indices = @transform_7, window_bounds = array<i64: 2000, 128>}, {transform_indices = @transform_8, window_bounds = array<i64: 2000, 128>}, {transform_indices = @transform_9, window_bounds = array<i64: 2000, 128>}, {transform_indices = @transform_10, window_bounds = array<i64: 2000, 128>}]} {
    %get3A = arith.constant 0 : index
    %get3A_0 = arith.constant 0 : index
    %get3A_1 = vector.load %arg1[%get3A, %get3A_0] : memref<2000x128xf32, #tpu.memory_space<vmem>>, vector<2000x128xf32>
    %get3A_2 = arith.constant 0 : index
    %get3A_3 = arith.constant 0 : index
    %get3A_4 = vector.load %arg3[%get3A_2, %get3A_3] : memref<128x128xf32, #tpu.memory_space<vmem>>, vector<128x128xf32>
    %dot_general3A = arith.constant dense<0.000000e+00> : vector<2000x128xf32>
    %dot_general3A_5 = tpu.matmul %get3A_1, %get3A_4, %dot_general3A {dimension_numbers = #tpu.dot_dimension_numbers<[1], [0], [0], [1], [0, 0, 1, 1], [], []>, transpose_lhs_hint = false} : vector<2000x128xf32>, vector<128x128xf32>, vector<2000x128xf32> -> vector<2000x128xf32>
    %get3A_6 = arith.constant 0 : index
    %get3A_7 = arith.constant 0 : index
    %get3A_8 = vector.load %arg7[%get3A_6, %get3A_7] : memref<1x128xf32, #tpu.memory_space<vmem>>, vector<1x128xf32>
    %mul3A = vector.broadcast %get3A_8 : vector<1x128xf32> to vector<2000x128xf32>
    %mul3A_9 = arith.mulf %dot_general3A_5, %mul3A : vector<2000x128xf32>
    %get3A_10 = arith.constant 0 : index
    %get3A_11 = arith.constant 0 : index
    %get3A_12 = vector.load %arg5[%get3A_10, %get3A_11] : memref<128x128xf32, #tpu.memory_space<vmem>>, vector<128x128xf32>
    %dot_general3A_13 = arith.constant dense<0.000000e+00> : vector<2000x128xf32>
    %dot_general3A_14 = tpu.matmul %mul3A_9, %get3A_12, %dot_general3A_13 {dimension_numbers = #tpu.dot_dimension_numbers<[1], [0], [0], [1], [0, 0, 1, 1], [], []>, transpose_lhs_hint = false} : vector<2000x128xf32>, vector<128x128xf32>, vector<2000x128xf32> -> vector<2000x128xf32>
    %swap3A = arith.constant 0 : index
    %swap3A_15 = arith.constant 0 : index
    %swap3A_16 = vector.load %arg8[%swap3A, %swap3A_15] : memref<2000x128xf32, #tpu.memory_space<vmem>>, vector<2000x128xf32>
    tpu.vector_store %arg8[%swap3A, %swap3A_15], %dot_general3A_14 {strides = array<i32>} : memref<2000x128xf32, #tpu.memory_space<vmem>>, vector<2000x128xf32>,
    %get3A_17 = arith.constant 0 : index
    %get3A_18 = arith.constant 0 : index
    %get3A_19 = vector.load %arg6[%get3A_17, %get3A_18] : memref<128x128xf32, #tpu.memory_space<vmem>>, vector<128x128xf32>
    %dot_general3A_20 = arith.constant dense<0.000000e+00> : vector<2000x128xf32>
    %dot_general3A_21 = tpu.matmul %mul3A_9, %get3A_19, %dot_general3A_20 {dimension_numbers = #tpu.dot_dimension_numbers<[1], [0], [0], [1], [0, 0, 1, 1], [], []>, transpose_lhs_hint = false} : vector<2000x128xf32>, vector<128x128xf32>, vector<2000x128xf32> -> vector<2000x128xf32>
    %swap3A_22 = arith.constant 0 : index
    %swap3A_23 = arith.constant 0 : index
    %swap3A_24 = vector.load %arg9[%swap3A_22, %swap3A_23] : memref<2000x128xf32, #tpu.memory_space<vmem>>, vector<2000x128xf32>
    tpu.vector_store %arg9[%swap3A_22, %swap3A_23], %dot_general3A_21 {strides = array<i32>} : memref<2000x128xf32, #tpu.memory_space<vmem>>, vector<2000x128xf32>,
    %get3A_25 = arith.constant 0 : index
    %get3A_26 = arith.constant 0 : index
    %get3A_27 = vector.load %arg2[%get3A_25, %get3A_26] : memref<2000x128xf32, #tpu.memory_space<vmem>>, vector<2000x128xf32>
    %get3A_28 = arith.constant 0 : index
    %get3A_29 = arith.constant 0 : index
    %get3A_30 = vector.load %arg4[%get3A_28, %get3A_29] : memref<128x128xf32, #tpu.memory_space<vmem>>, vector<128x128xf32>
    %dot_general3A_31 = arith.constant dense<0.000000e+00> : vector<2000x128xf32>
    %dot_general3A_32 = tpu.matmul %get3A_27, %get3A_30, %dot_general3A_31 {dimension_numbers = #tpu.dot_dimension_numbers<[1], [0], [0], [1], [0, 0, 1, 1], [], []>, transpose_lhs_hint = false} : vector<2000x128xf32>, vector<128x128xf32>, vector<2000x128xf32> -> vector<2000x128xf32>
    %get3A_33 = arith.constant 0 : index
    %get3A_34 = arith.constant 0 : index
    %get3A_35 = vector.load %arg7[%get3A_33, %get3A_34] : memref<1x128xf32, #tpu.memory_space<vmem>>, vector<1x128xf32>
    %mul3A_36 = vector.broadcast %get3A_35 : vector<1x128xf32> to vector<2000x128xf32>
    %mul3A_37 = arith.mulf %dot_general3A_32, %mul3A_36 : vector<2000x128xf32>
    %get3A_38 = arith.constant 0 : index
    %get3A_39 = arith.constant 0 : index
    %get3A_40 = vector.load %arg5[%get3A_38, %get3A_39] : memref<128x128xf32, #tpu.memory_space<vmem>>, vector<128x128xf32>
    %dot_general3A_41 = arith.constant dense<0.000000e+00> : vector<2000x128xf32>
    %dot_general3A_42 = tpu.matmul %mul3A_37, %get3A_40, %dot_general3A_41 {dimension_numbers = #tpu.dot_dimension_numbers<[1], [0], [0], [1], [0, 0, 1, 1], [], []>, transpose_lhs_hint = false} : vector<2000x128xf32>, vector<128x128xf32>, vector<2000x128xf32> -> vector<2000x128xf32>
    %swap3A_43 = arith.constant 0 : index
    %swap3A_44 = arith.constant 0 : index
    %swap3A_45 = vector.load %arg10[%swap3A_43, %swap3A_44] : memref<2000x128xf32, #tpu.memory_space<vmem>>, vector<2000x128xf32>
    tpu.vector_store %arg10[%swap3A_43, %swap3A_44], %dot_general3A_42 {strides = array<i32>} : memref<2000x128xf32, #tpu.memory_space<vmem>>, vector<2000x128xf32>,
    %get3A_46 = arith.constant 0 : index
    %get3A_47 = arith.constant 0 : index
    %get3A_48 = vector.load %arg6[%get3A_46, %get3A_47] : memref<128x128xf32, #tpu.memory_space<vmem>>, vector<128x128xf32>
    %dot_general3A_49 = arith.constant dense<0.000000e+00> : vector<2000x128xf32>
    %dot_general3A_50 = tpu.matmul %mul3A_37, %get3A_48, %dot_general3A_49 {dimension_numbers = #tpu.dot_dimension_numbers<[1], [0], [0], [1], [0, 0, 1, 1], [], []>, transpose_lhs_hint = false} : vector<2000x128xf32>, vector<128x128xf32>, vector<2000x128xf32> -> vector<2000x128xf32>
    %swap3A_51 = arith.constant 0 : index
    %swap3A_52 = arith.constant 0 : index
    %swap3A_53 = vector.load %arg11[%swap3A_51, %swap3A_52] : memref<2000x128xf32, #tpu.memory_space<vmem>>, vector<2000x128xf32>
    tpu.vector_store %arg11[%swap3A_51, %swap3A_52], %dot_general3A_50 {strides = array<i32>} : memref<2000x128xf32, #tpu.memory_space<vmem>>, vector<2000x128xf32>,
    return
  }
  func.func @transform_0(%arg0: i32) -> (i32, i32) {
    %c0_i32 = arith.constant 0 : i32
    %c0_i32_0 = arith.constant 0 : i32
    return %arg0, %c0_i32 : i32, i32
  }
  func.func @transform_1(%arg0: i32) -> (i32, i32) {
    %c0_i32 = arith.constant 0 : i32
    %c0_i32_0 = arith.constant 0 : i32
    return %arg0, %c0_i32 : i32, i32
  }
  func.func @transform_2(%arg0: i32) -> (i32, i32) {
    %c0_i32 = arith.constant 0 : i32
    %c0_i32_0 = arith.constant 0 : i32
    %c0_i32_1 = arith.constant 0 : i32
    return %c0_i32, %c0_i32_0 : i32, i32
  }
  func.func @transform_3(%arg0: i32) -> (i32, i32) {
    %c0_i32 = arith.constant 0 : i32
    %c0_i32_0 = arith.constant 0 : i32
    %c0_i32_1 = arith.constant 0 : i32
    return %c0_i32, %c0_i32_0 : i32, i32
  }
  func.func @transform_4(%arg0: i32) -> (i32, i32) {
    %c0_i32 = arith.constant 0 : i32
    %c0_i32_0 = arith.constant 0 : i32
    %c0_i32_1 = arith.constant 0 : i32
    return %c0_i32, %c0_i32_0 : i32, i32
  }
  func.func @transform_5(%arg0: i32) -> (i32, i32) {
    %c0_i32 = arith.constant 0 : i32
    %c0_i32_0 = arith.constant 0 : i32
    %c0_i32_1 = arith.constant 0 : i32
    return %c0_i32, %c0_i32_0 : i32, i32
  }
  func.func @transform_6(%arg0: i32) -> (i32, i32) {
    %c0_i32 = arith.constant 0 : i32
    %c0_i32_0 = arith.constant 0 : i32
    %c0_i32_1 = arith.constant 0 : i32
    return %c0_i32, %c0_i32_0 : i32, i32
  }
  func.func @transform_7(%arg0: i32) -> (i32, i32) {
    %c0_i32 = arith.constant 0 : i32
    %c0_i32_0 = arith.constant 0 : i32
    return %arg0, %c0_i32 : i32, i32
  }
  func.func @transform_8(%arg0: i32) -> (i32, i32) {
    %c0_i32 = arith.constant 0 : i32
    %c0_i32_0 = arith.constant 0 : i32
    return %arg0, %c0_i32 : i32, i32
  }
  func.func @transform_9(%arg0: i32) -> (i32, i32) {
    %c0_i32 = arith.constant 0 : i32
    %c0_i32_0 = arith.constant 0 : i32
    return %arg0, %c0_i32 : i32, i32
  }
  func.func @transform_10(%arg0: i32) -> (i32, i32) {
    %c0_i32 = arith.constant 0 : i32
    %c0_i32_0 = arith.constant 0 : i32
    return %arg0, %c0_i32 : i32, i32
  }
}

module attributes {stable_mosaic.version = 14 : i64} {
  func.func @_edge_body(%arg0: i32, %arg1: memref<4000x128xf32, #tpu.memory_space<vmem>>, %arg2: memref<4000x1xf32, #tpu.memory_space<vmem>>, %arg3: memref<1x128xf32, #tpu.memory_space<vmem>>, %arg4: memref<128x16xf32, #tpu.memory_space<vmem>>, %arg5: memref<4000x16xf32, #tpu.memory_space<vmem>>) attributes {dimension_semantics = [#tpu.dimension_semantics<arbitrary>], iteration_bounds = array<i64: 80>, scalar_prefetch = 0 : i64, scratch_operands = 0 : i64, tpu.core_type = #tpu.core_type<tc>, window_params = [{transform_indices = @transform_0, window_bounds = array<i64: 4000, 128>}, {transform_indices = @transform_1, window_bounds = array<i64: 4000, 1>}, {pipeline_mode = #tpu.pipeline_mode<synchronous>, transform_indices = @transform_2, window_bounds = array<i64: 1, 128>}, {pipeline_mode = #tpu.pipeline_mode<synchronous>, transform_indices = @transform_3, window_bounds = array<i64: 128, 16>}, {transform_indices = @transform_4, window_bounds = array<i64: 4000, 16>}]} {
    %get3A = arith.constant 0 : index
    %get3A_0 = arith.constant 0 : index
    %get3A_1 = vector.load %arg2[%get3A, %get3A_0] : memref<4000x1xf32, #tpu.memory_space<vmem>>, vector<4000x1xf32>
    %get3A_2 = arith.constant 0 : index
    %get3A_3 = arith.constant 0 : index
    %get3A_4 = vector.load %arg1[%get3A_2, %get3A_3] : memref<4000x128xf32, #tpu.memory_space<vmem>>, vector<4000x128xf32>
    %mul3A = vector.broadcast %get3A_1 : vector<4000x1xf32> to vector<4000x128xf32>
    %mul3A_5 = arith.mulf %mul3A, %get3A_4 : vector<4000x128xf32>
    %get3A_6 = arith.constant 0 : index
    %get3A_7 = arith.constant 0 : index
    %get3A_8 = vector.load %arg3[%get3A_6, %get3A_7] : memref<1x128xf32, #tpu.memory_space<vmem>>, vector<1x128xf32>
    %add3A = vector.broadcast %get3A_8 : vector<1x128xf32> to vector<4000x128xf32>
    %add3A_9 = arith.addf %mul3A_5, %add3A : vector<4000x128xf32>
    %logistic3A = arith.negf %add3A_9 : vector<4000x128xf32>
    %logistic3A_10 = math.exp %logistic3A : vector<4000x128xf32>
    %logistic3A_11 = arith.constant 1.000000e+00 : f32
    %logistic3A_12 = vector.broadcast %logistic3A_11 : f32 to vector<4000x128xf32>
    %logistic3A_13 = arith.addf %logistic3A_12, %logistic3A_10 : vector<4000x128xf32>
    %logistic3A_14 = arith.divf %logistic3A_12, %logistic3A_13 : vector<4000x128xf32>
    %mul3A_15 = arith.constant 6.000000e-01 : f32
    %mul3A_16 = vector.broadcast %mul3A_15 : f32 to vector<4000x128xf32>
    %mul3A_17 = arith.mulf %mul3A_16, %add3A_9 : vector<4000x128xf32>
    %mul3A_18 = arith.constant 4.000000e-01 : f32
    %mul3A_19 = vector.broadcast %mul3A_18 : f32 to vector<4000x128xf32>
    %mul3A_20 = arith.mulf %mul3A_19, %add3A_9 : vector<4000x128xf32>
    %mul3A_21 = arith.constant 2.000000e+00 : f32
    %mul3A_22 = vector.broadcast %mul3A_21 : f32 to vector<4000x128xf32>
    %mul3A_23 = arith.mulf %mul3A_22, %logistic3A_14 : vector<4000x128xf32>
    %sub3A = arith.constant 1.000000e+00 : f32
    %sub3A_24 = vector.broadcast %sub3A : f32 to vector<4000x128xf32>
    %sub3A_25 = arith.subf %mul3A_23, %sub3A_24 : vector<4000x128xf32>
    %mul3A_26 = arith.mulf %mul3A_20, %sub3A_25 : vector<4000x128xf32>
    %add3A_27 = arith.addf %mul3A_17, %mul3A_26 : vector<4000x128xf32>
    %get3A_28 = arith.constant 0 : index
    %get3A_29 = arith.constant 0 : index
    %get3A_30 = vector.load %arg4[%get3A_28, %get3A_29] : memref<128x16xf32, #tpu.memory_space<vmem>>, vector<128x16xf32>
    %dot_general3A = arith.constant dense<0.000000e+00> : vector<4000x16xf32>
    %dot_general3A_31 = tpu.matmul %add3A_27, %get3A_30, %dot_general3A {dimension_numbers = #tpu.dot_dimension_numbers<[1], [0], [0], [1], [0, 0, 1, 1], [], []>, transpose_lhs_hint = false} : vector<4000x128xf32>, vector<128x16xf32>, vector<4000x16xf32> -> vector<4000x16xf32>
    %exp3A = math.exp %dot_general3A_31 : vector<4000x16xf32>
    %iota3A = tpu.iota {dimensions = array<i32: 1>} : vector<4000x16xi32>
    %lt3A = arith.constant 8 : i32
    %lt3A_32 = vector.broadcast %lt3A : i32 to vector<4000x16xi32>
    %lt3A_33 = arith.cmpi slt, %iota3A, %lt3A_32 : vector<4000x16xi32>
    %get3A_34 = arith.constant 0 : index
    %get3A_35 = arith.constant 0 : index
    %get3A_36 = vector.load %arg2[%get3A_34, %get3A_35] : memref<4000x1xf32, #tpu.memory_space<vmem>>, vector<4000x1xf32>
    %jit3A = arith.constant 1.000000e+00 : f32
    %broadcast_in_dim3A = vector.broadcast %jit3A : f32 to vector<4000x16xf32>
    %broadcast_in_dim3A_37 = vector.shape_cast %get3A_36 : vector<4000x1xf32> to vector<4000x1xf32>
    %broadcast_in_dim3A_38 = vector.broadcast %broadcast_in_dim3A_37 : vector<4000x1xf32> to vector<4000x16xf32>
    %select_n3A = arith.select %lt3A_33, %broadcast_in_dim3A, %broadcast_in_dim3A_38 : vector<4000x16xi1>, vector<4000x16xf32>
    %mul3A_39 = arith.mulf %exp3A, %select_n3A : vector<4000x16xf32>
    %swap3A = arith.constant 0 : index
    %swap3A_40 = arith.constant 0 : index
    %swap3A_41 = vector.load %arg5[%swap3A, %swap3A_40] : memref<4000x16xf32, #tpu.memory_space<vmem>>, vector<4000x16xf32>
    tpu.vector_store %arg5[%swap3A, %swap3A_40], %mul3A_39 {strides = array<i32>} : memref<4000x16xf32, #tpu.memory_space<vmem>>, vector<4000x16xf32>,
    return
  }
  func.func @transform_0(%arg0: i32) -> (i32, i32) {
    %c0_i32 = arith.constant 0 : i32
    %c0_i32_0 = arith.constant 0 : i32
    return %arg0, %c0_i32 : i32, i32
  }
  func.func @transform_1(%arg0: i32) -> (i32, i32) {
    %c0_i32 = arith.constant 0 : i32
    %c0_i32_0 = arith.constant 0 : i32
    return %arg0, %c0_i32 : i32, i32
  }
  func.func @transform_2(%arg0: i32) -> (i32, i32) {
    %c0_i32 = arith.constant 0 : i32
    %c0_i32_0 = arith.constant 0 : i32
    %c0_i32_1 = arith.constant 0 : i32
    return %c0_i32, %c0_i32_0 : i32, i32
  }
  func.func @transform_3(%arg0: i32) -> (i32, i32) {
    %c0_i32 = arith.constant 0 : i32
    %c0_i32_0 = arith.constant 0 : i32
    %c0_i32_1 = arith.constant 0 : i32
    return %c0_i32, %c0_i32_0 : i32, i32
  }
  func.func @transform_4(%arg0: i32) -> (i32, i32) {
    %c0_i32 = arith.constant 0 : i32
    %c0_i32_0 = arith.constant 0 : i32
    return %arg0, %c0_i32 : i32, i32
  }
}

module attributes {stable_mosaic.version = 14 : i64} {
  func.func @_final_body(%arg0: i32, %arg1: memref<2000x128xf32, #tpu.memory_space<vmem>>, %arg2: memref<2000x16xf32, #tpu.memory_space<vmem>>, %arg3: memref<2000x128xf32, #tpu.memory_space<vmem>>, %arg4: memref<1x128xf32, #tpu.memory_space<vmem>>, %arg5: memref<16x128xf32, #tpu.memory_space<vmem>>, %arg6: memref<16x128xf32, #tpu.memory_space<vmem>>, %arg7: memref<128x128xf32, #tpu.memory_space<vmem>>, %arg8: memref<1x128xf32, #tpu.memory_space<vmem>>, %arg9: memref<2000x128xf32, #tpu.memory_space<vmem>>) attributes {dimension_semantics = [#tpu.dimension_semantics<arbitrary>], iteration_bounds = array<i64: 5>, scalar_prefetch = 0 : i64, scratch_operands = 0 : i64, tpu.core_type = #tpu.core_type<tc>, window_params = [{transform_indices = @transform_0, window_bounds = array<i64: 2000, 128>}, {transform_indices = @transform_1, window_bounds = array<i64: 2000, 16>}, {transform_indices = @transform_2, window_bounds = array<i64: 2000, 128>}, {pipeline_mode = #tpu.pipeline_mode<synchronous>, transform_indices = @transform_3, window_bounds = array<i64: 1, 128>}, {pipeline_mode = #tpu.pipeline_mode<synchronous>, transform_indices = @transform_4, window_bounds = array<i64: 16, 128>}, {pipeline_mode = #tpu.pipeline_mode<synchronous>, transform_indices = @transform_5, window_bounds = array<i64: 16, 128>}, {pipeline_mode = #tpu.pipeline_mode<synchronous>, transform_indices = @transform_6, window_bounds = array<i64: 128, 128>}, {pipeline_mode = #tpu.pipeline_mode<synchronous>, transform_indices = @transform_7, window_bounds = array<i64: 1, 128>}, {transform_indices = @transform_8, window_bounds = array<i64: 2000, 128>}]} {
    %get3A = arith.constant 0 : index
    %get3A_0 = arith.constant 0 : index
    %get3A_1 = vector.load %arg1[%get3A, %get3A_0] : memref<2000x128xf32, #tpu.memory_space<vmem>>, vector<2000x128xf32>
    %get3A_2 = arith.constant 0 : index
    %get3A_3 = arith.constant 0 : index
    %get3A_4 = vector.load %arg2[%get3A_2, %get3A_3] : memref<2000x16xf32, #tpu.memory_space<vmem>>, vector<2000x16xf32>
    %get3A_5 = arith.constant 0 : index
    %get3A_6 = arith.constant 0 : index
    %get3A_7 = vector.load %arg5[%get3A_5, %get3A_6] : memref<16x128xf32, #tpu.memory_space<vmem>>, vector<16x128xf32>
    %dot_general3A = arith.constant dense<0.000000e+00> : vector<2000x128xf32>
    %dot_general3A_8 = tpu.matmul %get3A_4, %get3A_7, %dot_general3A {dimension_numbers = #tpu.dot_dimension_numbers<[1], [0], [0], [1], [0, 0, 1, 1], [], []>, transpose_lhs_hint = false} : vector<2000x16xf32>, vector<16x128xf32>, vector<2000x128xf32> -> vector<2000x128xf32>
    %get3A_9 = arith.constant 0 : index
    %get3A_10 = arith.constant 0 : index
    %get3A_11 = vector.load %arg6[%get3A_9, %get3A_10] : memref<16x128xf32, #tpu.memory_space<vmem>>, vector<16x128xf32>
    %dot_general3A_12 = arith.constant dense<0.000000e+00> : vector<2000x128xf32>
    %dot_general3A_13 = tpu.matmul %get3A_4, %get3A_11, %dot_general3A_12 {dimension_numbers = #tpu.dot_dimension_numbers<[1], [0], [0], [1], [0, 0, 1, 1], [], []>, transpose_lhs_hint = false} : vector<2000x16xf32>, vector<16x128xf32>, vector<2000x128xf32> -> vector<2000x128xf32>
    %get3A_14 = arith.constant 0 : index
    %get3A_15 = arith.constant 0 : index
    %get3A_16 = vector.load %arg3[%get3A_14, %get3A_15] : memref<2000x128xf32, #tpu.memory_space<vmem>>, vector<2000x128xf32>
    %mul3A = arith.mulf %get3A_16, %dot_general3A_13 : vector<2000x128xf32>
    %add3A = arith.addf %get3A_1, %mul3A : vector<2000x128xf32>
    %get3A_17 = arith.constant 0 : index
    %get3A_18 = arith.constant 0 : index
    %get3A_19 = vector.load %arg4[%get3A_17, %get3A_18] : memref<1x128xf32, #tpu.memory_space<vmem>>, vector<1x128xf32>
    %mul3A_20 = vector.broadcast %get3A_19 : vector<1x128xf32> to vector<2000x128xf32>
    %mul3A_21 = arith.mulf %mul3A_20, %dot_general3A_8 : vector<2000x128xf32>
    %add3A_22 = arith.addf %add3A, %mul3A_21 : vector<2000x128xf32>
    %add3A_23 = arith.constant 1.000000e-16 : f32
    %add3A_24 = vector.broadcast %add3A_23 : f32 to vector<2000x128xf32>
    %add3A_25 = arith.addf %dot_general3A_8, %add3A_24 : vector<2000x128xf32>
    %div3A = arith.divf %add3A_22, %add3A_25 : vector<2000x128xf32>
    %get3A_26 = arith.constant 0 : index
    %get3A_27 = arith.constant 0 : index
    %get3A_28 = vector.load %arg7[%get3A_26, %get3A_27] : memref<128x128xf32, #tpu.memory_space<vmem>>, vector<128x128xf32>
    %dot_general3A_29 = arith.constant dense<0.000000e+00> : vector<2000x128xf32>
    %dot_general3A_30 = tpu.matmul %div3A, %get3A_28, %dot_general3A_29 {dimension_numbers = #tpu.dot_dimension_numbers<[1], [0], [0], [1], [0, 0, 1, 1], [], []>, transpose_lhs_hint = false} : vector<2000x128xf32>, vector<128x128xf32>, vector<2000x128xf32> -> vector<2000x128xf32>
    %get3A_31 = arith.constant 0 : index
    %get3A_32 = arith.constant 0 : index
    %get3A_33 = vector.load %arg8[%get3A_31, %get3A_32] : memref<1x128xf32, #tpu.memory_space<vmem>>, vector<1x128xf32>
    %add3A_34 = vector.broadcast %get3A_33 : vector<1x128xf32> to vector<2000x128xf32>
    %add3A_35 = arith.addf %dot_general3A_30, %add3A_34 : vector<2000x128xf32>
    %swap3A = arith.constant 0 : index
    %swap3A_36 = arith.constant 0 : index
    %swap3A_37 = vector.load %arg9[%swap3A, %swap3A_36] : memref<2000x128xf32, #tpu.memory_space<vmem>>, vector<2000x128xf32>
    tpu.vector_store %arg9[%swap3A, %swap3A_36], %add3A_35 {strides = array<i32>} : memref<2000x128xf32, #tpu.memory_space<vmem>>, vector<2000x128xf32>,
    return
  }
  func.func @transform_0(%arg0: i32) -> (i32, i32) {
    %c0_i32 = arith.constant 0 : i32
    %c0_i32_0 = arith.constant 0 : i32
    return %arg0, %c0_i32 : i32, i32
  }
  func.func @transform_1(%arg0: i32) -> (i32, i32) {
    %c0_i32 = arith.constant 0 : i32
    %c0_i32_0 = arith.constant 0 : i32
    return %arg0, %c0_i32 : i32, i32
  }
  func.func @transform_2(%arg0: i32) -> (i32, i32) {
    %c0_i32 = arith.constant 0 : i32
    %c0_i32_0 = arith.constant 0 : i32
    return %arg0, %c0_i32 : i32, i32
  }
  func.func @transform_3(%arg0: i32) -> (i32, i32) {
    %c0_i32 = arith.constant 0 : i32
    %c0_i32_0 = arith.constant 0 : i32
    %c0_i32_1 = arith.constant 0 : i32
    return %c0_i32, %c0_i32_0 : i32, i32
  }
  func.func @transform_4(%arg0: i32) -> (i32, i32) {
    %c0_i32 = arith.constant 0 : i32
    %c0_i32_0 = arith.constant 0 : i32
    %c0_i32_1 = arith.constant 0 : i32
    return %c0_i32, %c0_i32_0 : i32, i32
  }
  func.func @transform_5(%arg0: i32) -> (i32, i32) {
    %c0_i32 = arith.constant 0 : i32
    %c0_i32_0 = arith.constant 0 : i32
    %c0_i32_1 = arith.constant 0 : i32
    return %c0_i32, %c0_i32_0 : i32, i32
  }
  func.func @transform_6(%arg0: i32) -> (i32, i32) {
    %c0_i32 = arith.constant 0 : i32
    %c0_i32_0 = arith.constant 0 : i32
    %c0_i32_1 = arith.constant 0 : i32
    return %c0_i32, %c0_i32_0 : i32, i32
  }
  func.func @transform_7(%arg0: i32) -> (i32, i32) {
    %c0_i32 = arith.constant 0 : i32
    %c0_i32_0 = arith.constant 0 : i32
    %c0_i32_1 = arith.constant 0 : i32
    return %c0_i32, %c0_i32_0 : i32, i32
  }
  func.func @transform_8(%arg0: i32) -> (i32, i32) {
    %c0_i32 = arith.constant 0 : i32
    %c0_i32_0 = arith.constant 0 : i32
    return %arg0, %c0_i32 : i32, i32
  }
}

</mosaic_0001>

<sc_bundles>
// kernel: kernel.10.cloned.1.call-start
scs
__scs_entry_jumppad:
0x0: {  	(pc) =	sbr.rel $0x88, $3  }
0x1: {  	(tag) =	ssettag $0x0;
	lr =	simm.s32 $0x1  }
0x2: {  	[smem:$0x3F94] =	sst lr;
	_ =	strace $0xD0000000  }
0x3: {  	_ = 	snop  }
0x4: {  	_ = 	snop  }
0x5: {  	_ = 	snop  }
0x6: {  	_ = 	snop  }
0x7: {  	_ = 	snop  }
__scs_overlays_trampoline_lowered:
0x8: {  	[smem:$0x3FA3] =	sst s0  }
0x9: {  	[smem:$0x3FA4] =	sst s1  }
0xa: {  	[smem:$0x3FA5] =	sst s2  }
0xb: {  	[smem:$0x3FA6] =	sst s3  }
0xc: {  	[smem:$0x3FA7] =	sst s4  }
0xd: {  	[smem:$0x3FA8] =	sst s5  }
0xe: {  	[smem:$0x3FA9] =	sst s6  }
0xf: {  	[smem:$0x3FAA] =	sst s7  }
0x10: {  	[smem:$0x3FAB] =	sst s8  }
0x11: {  	[smem:$0x3FAC] =	sst s9;
	s0 =	simm.s32 @!p0 $0x0  }
0x12: {  	s1 =	sld [smem:$0x3F92];
	s0 =	simm.s32 @p0 $0x1  }
0x13: {  	[smem:$0x3FAD] =	sst s0;
	s0 =	simm.s32 @!p1 $0x0  }
0x14: {  	s2 =	sld [smem:$0x3F91];
	s0 =	simm.s32 @p1 $0x1  }
0x15: {  	[smem:$0x3FAE] =	sst s0;
	s0 =	simm.s32 @!p2 $0x0  }
0x16: {  	s3 =	sld [smem:$0x3FDB];
	s0 =	simm.s32 @p2 $0x1  }
0x17: {  	s4 =	simm.s32 $0x1BF5;
	[smem:$0x3FB0] =	sst s0  }
0x18: {  	s0 =	sld [smem:$0x3F93];
	_ =	swait.ge [sflag:s4], $0x0  }
0x19: {  	s7 =	sld [smem:$0x3F94]  }
0x1a: {  	s8 =	sadd.s32 $0xFFFFE003, lr  }
0x1b: {  	s9 =	sadd.s32 $0xFFFFFEF7, lr;
	s5 =	simm.s32 $0xFFFFFFFF;
	p2 =	slt.u32 s8, $0xFFFFF086  }
0x1c: {  	p1 =	slt.u32 s9, $0xF7A;
	s5 =	simm.s32 @!p2 $0x0  }
0x1d: {  	s5 =	simm.s32 @p1 $0x1;
	p0 =	seq.s32 s7, s2  }
0x1e: {  	s7 =	smul.u32 @!p0 $0xF7A, s2;
	p2 =	seq.s32 @!p0 s5, $0x0  }
0x1f: {  	s9 =	smul.u32 $0xF7A, s1;
	s8 =	simm.s32 @!p0 $0x1BF5;
	p2 =	por !p2, p0  }
0x20: {  	[sflag:s8] =	ssyncset.s32 @!p0 $0xFFFFF086;
	s6 =	sadd.s32 @!p0 s3, s7;
	s7 =	simm.s32 @!p0 $0x108  }
0x21: {  	s3 =	sadd.s32 s3, s9;
	s6 =	sadd.s32 @!p0 $0x88, s6;
	s7 =	simm.s32 @p2 $0x1082  }
0x22: {  	[simem:s7], [sflag:s8] =	dma.local @!p0 [hbm:s6], $0xF7A  }
0x23: {  	s9 =	sor.u32 $0xD0000000, s2;
	s6 =	simm.s32 $0x108;
	_ =	swait.ge @!p0 [sflag:s8], $0x0  }
0x24: {  	s3 =	sadd.s32 $0x88, s3;
	s6 =	simm.s32 @!p1 $0x1082;
	[sflag:s4] =	ssyncset.s32 $0xFFFFF086  }
0x25: {  	[simem:s6], [sflag:s4] =	dma.local [hbm:s3], $0xF7A  }
0x26: {  	[smem:$0x3F94] =	sst s1;
	(tag) =	ssettag s2;
	_ =	strace s9  }
0x27: {  	s1 =	sld [smem:$0x3FA4]  }
0x28: {  	s2 =	sld [smem:$0x3FA5]  }
0x29: {  	s4 =	sld [smem:$0x3FA7]  }
0x2a: {  	p0 =	seq.s32 s5, $0x0;
	s5 =	sld [smem:$0x3FA8]  }
0x2b: {  	s6 =	sld [smem:$0x3FA9]  }
0x2c: {  	s7 =	sld [smem:$0x3FAA]  }
0x2d: {  	s3 =	simm.s32 $0x108;
	s8 =	sld [smem:$0x3FAB]  }
0x2e: {  	s3 =	simm.s32 @!p0 $0x1082;
	s9 =	sld [smem:$0x3FAC]  }
0x2f: {  	lr =	sadd.s32 s0, s3;
	s0 =	sld [smem:$0x3FA3]  }
0x30: {  	s3 =	sld [smem:$0x3FA6]  }
0x31: {  	[smem:$0x3FAF] =	sst s10  }
0x32: {  	s10 =	sld [smem:$0x3FAD];
	_ =	sdelay $0x3  }
0x33: {  	p0 =	seq.s32 s10, $0x1;
	s10 =	sld [smem:$0x3FAF];
	_ =	sdelay $0x3  }
0x34: {  	[smem:$0x3FAF] =	sst s10  }
0x35: {  	s10 =	sld [smem:$0x3FAE];
	_ =	sdelay $0x3  }
0x36: {  	p1 =	seq.s32 s10, $0x1;
	s10 =	sld [smem:$0x3FAF];
	_ =	sdelay $0x3  }
0x37: {  	[smem:$0x3FAF] =	sst s10  }
0x38: {  	s10 =	sld [smem:$0x3FB0]  }
0x39: {  	_ = 	snop;
	(pc) =	sbr.ind lr, $3  }
0x3a: {  	_ = 	snop  }
0x3b: {  	_ = 	snop  }
0x3c: {  	p2 =	seq.s32 s10, $0x1;
	s10 =	sld [smem:$0x3FAF]  }
0x3d: {  	_ =	shalt  }
0x3e: {  	_ =	shalt  }
0x3f: {  	_ =	shalt  }
0x40: {  	_ =	shalt  }
0x41: {  	_ =	shalt  }
0x42: {  	_ =	shalt  }
0x43: {  	_ =	shalt  }
0x44: {  	_ =	shalt  }
0x45: {  	_ =	shalt  }
0x46: {  	_ =	shalt  }
0x47: {  	_ =	shalt  }
0x48: {  	_ =	shalt  }
0x49: {  	_ =	shalt  }
0x4a: {  	_ =	shalt  }
0x4b: {  	_ =	shalt  }
0x4c: {  	_ =	shalt  }
0x4d: {  	_ =	shalt  }
0x4e: {  	_ =	shalt  }
0x4f: {  	_ =	shalt  }
0x50: {  	_ =	shalt  }
0x51: {  	_ =	shalt  }
0x52: {  	_ =	shalt  }
0x53: {  	_ =	shalt  }
0x54: {  	_ =	shalt  }
0x55: {  	_ =	shalt  }
0x56: {  	_ =	shalt  }
0x57: {  	_ =	shalt  }
0x58: {  	_ =	shalt  }
0x59: {  	_ =	shalt  }
0x5a: {  	_ =	shalt  }
0x5b: {  	_ =	shalt  }
0x5c: {  	_ =	shalt  }
0x5d: {  	_ =	shalt  }
0x5e: {  	_ =	shalt  }
0x5f: {  	_ =	shalt  }
0x60: {  	_ =	shalt  }
0x61: {  	_ =	shalt  }
0x62: {  	_ =	shalt  }
0x63: {  	_ =	shalt  }
0x64: {  	_ =	shalt  }
0x65: {  	_ =	shalt  }
0x66: {  	_ =	shalt  }
0x67: {  	_ =	shalt  }
0x68: {  	_ =	shalt  }
0x69: {  	_ =	shalt  }
0x6a: {  	_ =	shalt  }
0x6b: {  	_ =	shalt  }
0x6c: {  	_ =	shalt  }
0x6d: {  	_ =	shalt  }
0x6e: {  	_ =	shalt  }
0x6f: {  	_ =	shalt  }
0x70: {  	_ =	shalt  }
0x71: {  	_ =	shalt  }
0x72: {  	_ =	shalt  }
0x73: {  	_ =	shalt  }
0x74: {  	_ =	shalt  }
0x75: {  	_ =	shalt  }
0x76: {  	_ =	shalt  }
0x77: {  	_ =	shalt  }
0x78: {  	_ =	shalt  }
0x79: {  	_ =	shalt  }
0x7a: {  	_ =	shalt  }
0x7b: {  	_ =	shalt  }
0x7c: {  	_ =	shalt  }
0x7d: {  	_ =	shalt  }
0x7e: {  	_ =	shalt  }
0x7f: {  	_ =	shalt  }
0x80: {  	_ =	shalt  }
0x81: {  	_ =	shalt  }
0x82: {  	_ =	shalt  }
0x83: {  	_ =	shalt  }
0x84: {  	_ =	shalt  }
0x85: {  	_ =	shalt  }
0x86: {  	_ =	shalt  }
0x87: {  	_ =	shalt  }
.Lfunc_end0:
.L_simem_size_0:
called_computation.1_lowered:
.L_overlay_start_0:
0x88: {  	s2 =	sld [smem:$0x3FD9]  }
0x89: {  	s3 =	sld [smem:$0x3FFE];
	_ =	sdelay $0x1  }
0x8a: {  	s1 =	srdreg.scid  }
0x8b: {  	s0 =	sand.u32 $0x1, s1  }
0x8c: {  	s17 =	sshll.u32 s0, $0xA;
	s2 =	sadd.s32 s3, s2  }
0x8d: {  	s2 =	sadd.s32 s2, s17  }
0x8e: {  	[smem:$0x3FBB] =	sst s2  }
0x8f: {  	_ = 	snop  }
0x90: {  	s2 =	sld [smem:$0x3FC7]  }
0x91: {  	s18 =	sld [smem:$0x3FC6];
	(tm) =	ssettm $0x1  }
0x92: {  	s4 =	sld [smem:$0x3FFB];
	_ =	sdelay $0x3  }
0x93: {  	_ =	strace s4  }
0x94: {  	s4 =	sld [smem:$0x3FFC];
	_ =	sdelay $0x3  }
0x95: {  	_ =	strace s4  }
0x96: {  	s4 =	sld [smem:$0x3FFD];
	_ =	sdelay $0x3  }
0x97: {  	_ =	strace s4  }
0x98: {  	_ =	strace $0x8FFFFFFF  }
0x99: {  	s19 =	sld [smem:$0x3FDB];
	_ =	sdelay $0x1  }
0x9a: {  	s5 =	simm.s32 $_scs_section_size  }
0x9b: {  	s6 =	simm.s32 $_size__tile_overlayer_lowered;
	s7 =	simm.s32 $_tile_overlayer_lowered  }
0x9c: {  	s22 =	simm.s32 $0x1BFF;
	s21 =	sshll.u32 s7, $0x1;
	s4 =	sadd.s32 s5, s19  }
0x9d: {  	s8 =	simm.s32 $0x0;
	s20 =	sshll.u32 s6, $0x1;
	s6 =	sadd.s32 s21, s4  }
0x9e: {  	[timem:s8], [sflag:s22] =	dma.local [hbm:s6], s20  }
0x9f: {  	_ =	swait.ge [sflag:s22], s20  }
0xa0: {  	s5 =	ssub.s32 $0x0, s20;
	[sflag:s22] =	ssyncset.done $0x0  }
0xa1: {  	[sflag:s22] =	ssyncadd.s32 s5;
	_ =	sdelay $0x1  }
0xa2: {  	s23 =	simm.s32 $0x1B8B  }
0xa3: {  	_ =	swait.ge [sflag:s23], $0x1  }
0xa4: {  	[sflag:s23] =	ssyncset.done $0x0  }
0xa5: {  	s25 =	simm.s32 $0x1B8E;
	s24 =	sld [smem:$0x3FFE];
	[sflag:s23] =	ssyncadd.s32 $0xFFFFFFFF  }
0xa6: {  	s26 =	simm.s32 $execute0_lowered;
	[smem:$0x3FD2] =	sst s25  }
0xa7: {  	s6 =	sshll.u32 s26, $0x1;
	_ =	strace $0x80000049;
	[dreg:$0x1] =	wrdreg $0xFFFFFFFF  }
0xa8: {  	s28 =	simm.s32 $_size_execute0_lowered;
	s4 =	sadd.s32 s4, s6;
	[dreg:$0x0] =	wrdreg $0x0  }
0xa9: {  	s6 =	sshll.u32 s28, $0x1;
	[dreg:$0x2] =	wrdreg s4  }
0xaa: {  	[dreg:$0x3] =	wrdreg s6  }
0xab: {  	[dreg:$0x4] =	wrdreg $0xC0  }
0xac: {  	_ =	task [dreg:s8], $0x5FFFF  }
0xad: {  	[dreg:$0x1] =	wrdreg $0xFFFFFFFF  }
0xae: {  	[dreg:$0x0] =	wrdreg $0x60  }
0xaf: {  	[dreg:$0x2] =	wrdreg s2  }
0xb0: {  	[dreg:$0x3] =	wrdreg s18  }
0xb1: {  	[dreg:$0x4] =	wrdreg s24  }
0xb2: {  	[dreg:$0x5] =	wrdreg $0x9  }
0xb3: {  	_ =	task.clear_ibuf [dreg:s8], $0x6FFFF;
	_ =	strace $0x90000049  }
0xb4: {  	s29 =	simm.s32 $0x9;
	_ =	strace $0x8000004B  }
0xb5: {  	_ =	swait.ge [sflag:s29], $0x1  }
0xb6: {  	[sflag:s29] =	ssyncadd.s32 $0xFFFFFFFF  }
0xb7: {  	_ =	strace $0x9000004B  }
0xb8: {  	_ =	sfence  }
0xb9: {  	s30 =	sld [smem:$0x0];
	_ =	sdelay $0x2  }
0xba: {  	s31 =	sshll.u32 s1, $0xD;
	s1 =	sshrl.u32 s1, $0x2  }
0xbb: {  	s3 =	sand.u32 $0x4000, s31;
	s1 =	sadd.s32 s1, s30  }
0xbc: {  	s0 =	sor.u32 s3, s0;
	s1 =	sshll.u32 s1, $0x11  }
0xbd: {  	s0 =	sor.u32 s1, s0  }
0xbe: {  	s0 =	sadd.s32 $0x8F2B, s0  }
0xbf: {  	[sflag:s0] =	ssyncadd.remote.s32 $0x1  }
0xc0: {  	_ =	sfence.sel $0xFFFF  }
0xc1: {  	[dreg:$0x0] =	wrdreg $0xFFFFFFFF;
	(pc) =	sbr.abs _section_cstart, $3  }
0xc2: {  	[dreg:$0x1] =	wrdreg $0xFFFFFFFF  }
0xc3: {  	_ =	task.clear_ibuf [dreg:s8], $0x2FFFF;
	_ =	strace $0x9FFFFFFF  }
0xc4: {  	(tm) =	ssettm $0x7FFFFFFF  }
0xc5: {  	_ =	shalt  }
tec
execute0_lowered:
.L_overlay_start_1:
0x0: {  	(tag) =	ssettag $0x1  }
0x1: {  	s0 =	rddreg [dreg:$0x2];
	s2 =	simm.s32 $0x0;
	s1 =	srdreg.scid  }
0x2: {  	s3 =	stileid.u32;
	[smem:$0x7FF] =	sst s2;
	s1 =	sand.u32 $0x1, s1  }
0x3: {  	v0 =	vimm.s32 $0xB5F47;
	vm0 =	vcmask $0x300;
	s24 =	sadd.s32 $0x78E00, s0;
	s28 =	sadd.s32 $0x2AA00, s0;
	s19 =	sshll.u32 s1, $0x4  }
0x4: {  	vm14 =	vcmask $0x704;
	v0 =	vsel vm0, $0x140, v0;
	s20 =	sadd.s32 $0x115200, s0;
	s1 =	ssub.s32 $0x2, s1;
	s2 =	sor.u32 s3, s19  }
0x5: {  	vm15 =	vcmask $0xB08;
	_ =	strace $0x8000004A;
	v0 =	vsel vm14, $0xC341, v0;
	s5 =	sshrl.u32 s1, $0x1;
	s4 =	smul.u32 $0xA000, s2  }
0x6: {  	vm4 =	vcmask $0xF0C;
	[dreg:$0x4] =	wrdreg s24;
	v0 =	vsel vm15, $0x18542, v0;
	s7 =	smul.u32 $0x1400, s2;
	s1 =	ssub.s32 s1, s5  }
0x7: {  	vm5 =	vcmask $0x1310;
	s0 =	sadd.s32 $0x13D200, s0;
	[dreg:$0x5] =	wrdreg s28;
	v0 =	vsel vm4, $0x24743, v0;
	s31 =	smax.u32 s1, $0x1  }
0x8: {  	vm6 =	vcmask $0x1714;
	v0 =	vsel vm5, $0x30944, v0;
	s4 =	sshrl.u32 s4, $0x3;
	s21 =	sadd.s32 s20, s7;
	[dreg:$0x10] =	wrdreg s31  }
0x9: {  	vm7 =	vcmask $0x1B18;
	s22 =	sadd.s32 s0, s7;
	v0 =	vsel vm6, $0x3CB45, v0;
	[dreg:$0x6] =	wrdreg s21;
	s23 =	sadd.s32 $0x400, s4  }
0xa: {  	vm8 =	vcmask $0x1F1C;
	s2 =	smul.u32 $0xFFFFFEC0, s2;
	[dreg:$0x7] =	wrdreg s22;
	v0 =	vsel vm7, $0x48D46, v0;
	s6 =	sadd.s32 s20, s23  }
0xb: {  	vm9 =	vcmask $0x2320;
	s25 =	sadd.s32 $0x800, s4;
	s5 =	sadd.s32 s0, s23;
	v0 =	vsel vm8, $0x54F47, v0;
	[dreg:$0x8] =	wrdreg s6  }
0xc: {  	vm10 =	vcmask $0x2724;
	s29 =	sadd.s32 $0xC00, s4;
	s26 =	sadd.s32 s20, s25;
	[dreg:$0x9] =	wrdreg s5;
	v1 =	vsel vm9, $0x61140, v0  }
0xd: {  	vm11 =	vcmask $0x2B28;
	vm12 =	vcmask $0x2F2C;
	s4 =	sadd.s32 $0x1000, s4;
	s30 =	sadd.s32 s20, s29;
	[dreg:$0xa] =	wrdreg s26;
	v2 =	vsel vm10, $0x6D341, v1  }
0xe: {  	vm13 =	vcmask $0x3330;
	vm14 =	vcmask $0x3734;
	s3 =	sadd.s32 s20, s4;
	[dreg:$0xc] =	wrdreg s30;
	v3 =	vsel vm11, $0x79542, v2  }
0xf: {  	vm15 =	vcmask $0x3B38;
	s5 =	sadd.s32 s0, s25;
	[dreg:$0xe] =	wrdreg s3;
	v0 =	vmov s2;
	v4 =	vsel vm12, $0x85743, v3  }
0x10: {  	[dreg:$0xb] =	wrdreg s5;
	s5 =	sadd.s32 s0, s29;
	v1 =	vimm.s32 $0x0;
	v3 =	vlaneseq.u32;
	v4 =	vsel vm13, $0x91944, v4  }
0x11: {  	s0 =	sadd.s32 s0, s4;
	[dreg:$0xd] =	wrdreg s5;
	v2 =	vimm.f32 $0.0e+00;
	v5 =	vand.u32 $0x7, v3;
	v6 =	vsel vm14, $0x9DB45, v4  }
0x12: {  	s1 =	simm.s32 $0x0;
	[dreg:$0xf] =	wrdreg s0;
	v4 =	vmul.u32 $0x200, v3;
	v5 =	vor.u32 $0x140, v5;
	v6 =	vsel vm15, $0xA9D46, v6  }
.LBB2_1:
0x13: {  	[dreg:$0x11] =	wrdreg s1;
	[tilespmem:$0x1E600] =	vst v1;
	s0 =	simm.s32 $0x0;
	s1 =	simm.s32 $0x200  }
.LBB2_2:
0x14: {  	p0 =	sne.s32 s1, $0x28E00;
	[tilespmem:s0+$0x14200] =	vst v2  }
0x15: {  	[tilespmem:s0+$0x9E00] =	vst v2  }
0x16: {  	[tilespmem:s0+$0x9E10] =	vst v2  }
0x17: {  	[tilespmem:s0+$0x9E20] =	vst v2  }
.Ltmp0:
0x18: {  	[tilespmem:s0+$0x9E30] =	vst v2;
	(pc) =	sbr.rel @p0 .LBB2_2-.Ltmp0, $4  }
0x19: {  	[tilespmem:s0+$0x9E40] =	vst v2  }
0x1a: {  	[tilespmem:s0+$0x9E50] =	vst v2  }
0x1b: {  	[tilespmem:s0+$0x9E60] =	vst v2  }
0x1c: {  	[tilespmem:s0+$0x9E70] =	vst v2;
	s0 =	sshra.s32 s1, $0x2;
	s1 =	sadd.s32 $0x200, s1  }
0x1d: {  	[tilespmem:s0+$0x14200] =	vst v2  }
0x1e: {  	[tilespmem:s0+$0x9E00] =	vst v2  }
0x1f: {  	[tilespmem:s0+$0x9E10] =	vst v2  }
0x20: {  	[tilespmem:s0+$0x9E20] =	vst v2;
	s1 =	simm.s32 $0x0  }
0x21: {  	[tilespmem:s0+$0x9E30] =	vst v2;
	v7 =	vmov s1  }
0x22: {  	[tilespmem:s0+$0x9E40] =	vst v2;
	v7 =	vshll.u32 v7, $0x9  }
0x23: {  	[tilespmem:s0+$0x9E50] =	vst v2;
	v7 =	vor.u32 v4, v7  }
0x24: {  	[tilespmem:s0+$0x9E60] =	vst v2;
	v7 =	vand.u32 $0x3FFE00, v7  }
0x25: {  	[tilespmem:s0+$0x9E70] =	vst v2;
	s0 =	simm.s32 $0x800;
	v7 =	vor.u32 v5, v7  }
0x26: {  	s2 =	simm.s32 $0x10;
	s1 =	simm.s32 $0x3280;
	[tilespmem:s0+$0x0] =	vst v7  }
.LBB2_4:
0x27: {  	v7 =	vmov s2;
	[tilespmem:s1+$0x0] =	vst v1;
	p0 =	sne.s32 s2, $0x2A30  }
.Ltmp1:
0x28: {  	s2 =	sadd.s32 $0x10, s2;
	v7 =	vshll.u32 v7, $0x9;
	(pc) =	sbr.rel @p0 .LBB2_4-.Ltmp1, $4  }
0x29: {  	v7 =	vor.u32 v4, v7  }
0x2a: {  	v7 =	vand.u32 $0x3FFE00, v7  }
0x2b: {  	s0 =	sadd.s32 $0x10, s0;
	v7 =	vor.u32 v5, v7  }
0x2c: {  	s1 =	sadd.s32 $0x10, s1;
	[tilespmem:s0+$0x0] =	vst v7  }
.Ltmp2:
0x2d: {  	(pc) =	sbr.rel .LBB2_6-.Ltmp2, $4  }
0x2e: {  	_ = 	snop  }
0x2f: {  	[tilespmem:s1+$0x0] =	vst v1  }
0x30: {  	s0 =	simm.s32 $0x0;
	[tilespmem:$0x1E680] =	vst v1  }
0x31: {  	s4 =	simm.s32 $0x0;
	s1 =	simm.s32 $0x0;
	[tilespmem:$0x1E690] =	vst v1;
	[dreg:$0x12] =	wrdreg s0  }
.LBB2_10:
0x32: {  	s1 =	rddreg [dreg:$0x13]  }
0x33: {  	s1 =	sadd.s32 $0x1, s1  }
0x34: {  	p0 =	sne.s32 s1, $0x140  }
.Ltmp3:
0x35: {  	_ = 	snop;
	(pc) =	sbr.rel @!p0 .LBB2_11-.Ltmp3, $4  }
0x36: {  	_ = 	snop  }
0x37: {  	s0 =	rddreg [dreg:$0x12]  }
0x38: {  	s0 =	sadd.s32 $0x3E8, s0  }
0x39: {  	[dreg:$0x12] =	wrdreg s0  }
.LBB2_6:
0x3a: {  	s28 =	smul.u32 $0x3E8, s1  }
0x3b: {  	[dreg:$0x13] =	wrdreg s1  }
0x3c: {  	s0 =	rddreg [dreg:$0x0];
	s1 =	sshrl.u32 s28, $0x3  }
0x3d: {  	s3 =	simm.s32 $0x0;
	s29 =	simm.s32 $0x3;
	s2 =	sadd.s32 s0, s1  }
0x3e: {  	[tilespmem:s3], [sflag:$0x3] =	stream.linear.gather [hbm4b:s2+s3], $0x3E8, $0x38;
	[tilespmem:$0x1E700] =	vst v63  }
0x3f: {  	_ =	swait.ge [sflag:s29], $0x3E8  }
0x40: {  	[sflag:s29] =	ssyncset.done $0x0  }
0x41: {  	[sflag:s29] =	ssyncadd.s32 $0xFFFFFC18  }
0x42: {  	s30 =	rddreg [dreg:$0x1]  }
.Ltmp4:
0x43: {  	s25 =	simm.s32 $0x400;
	s1 =	sadd.s32 s30, s1;
	(pc) =	sbr.rel .LBB2_7-.Ltmp4, $4  }
0x44: {  	[tilespmem:s25], [sflag:$0x3] =	stream.linear.gather [hbm4b:s1+s3], $0x3E8, $0x38;
	[tilespmem:$0x1E700] =	vst v63  }
0x45: {  	_ =	swait.ge [sflag:s29], $0x3E8  }
0x46: {  	[sflag:s29] =	ssyncset.done $0x0  }
0x47: {  	s31 =	simm.s32 $0x0;
	s26 =	simm.s32 $0x0;
	[sflag:s29] =	ssyncadd.s32 $0xFFFFFC18  }
.LBB2_9:
0x48: {  	s26 =	sadd.s32 $0x10, s26  }
0x49: {  	p0 =	sne.s32 s26, $0x3E0  }
.Ltmp5:
0x4a: {  	s0 =	sadd.s32 s0, s4;
	(pc) =	sbr.rel @!p0 .LBB2_10-.Ltmp5, $4  }
0x4b: {  	s0 =	sadd.s32 $0xFFFFD5D0, s0  }
0x4c: {  	s1 =	sshra.s32 s0, $0x1F  }
0x4d: {  	s0 =	sand.u32 s1, s0  }
0x4e: {  	s31 =	sadd.s32 $0x10, s31;
	s25 =	sadd.s32 $0x10, s25;
	s4 =	sadd.s32 $0x2A30, s0  }
.LBB2_7:
0x4f: {  	v7 =	vld [tilespmem:s31+$0x0];
	_ =	sdelay $0x4  }
0x50: {  	v7 =	vadd.s32 v0, v7  }
0x51: {  	v8 =	vadd.s32 $0xFFFFFEC0, v7  }
0x52: {  	vm0 =	vlt.s32 v7, $0x0;
	v8 =	vshrl.u32 v8, $0x1F  }
0x53: {  	v8 =	vsel vm0, $0x0, v8  }
0x54: {  	(v2sf) =	vpush v8, $0x0  }
0x55: {  	(v2sf) =	vpush v8, $0x1  }
0x56: {  	(v2sf) =	vpush v8, $0x2  }
0x57: {  	(v2sf) =	vpush v8, $0x3  }
0x58: {  	(v2sf) =	vpush v8, $0x4  }
0x59: {  	(v2sf) =	vpush v8, $0x5  }
0x5a: {  	(v2sf) =	vpush v8, $0x6  }
0x5b: {  	(v2sf) =	vpush v8, $0x7  }
0x5c: {  	(v2sf) =	vpush v8, $0x8  }
0x5d: {  	(v2sf) =	vpush v8, $0x9  }
0x5e: {  	(v2sf) =	vpush v8, $0xA  }
0x5f: {  	(v2sf) =	vpush v8, $0xB  }
0x60: {  	(v2sf) =	vpush v8, $0xC  }
0x61: {  	(v2sf) =	vpush v8, $0xD  }
0x62: {  	(v2sf) =	vpush v8, $0xE  }
0x63: {  	s21 =	spop (v2sf);
	(v2sf) =	vpush v8, $0xF  }
0x64: {  	s5 =	spop (v2sf)  }
0x65: {  	s2 =	spop (v2sf);
	s3 =	sadd.s32 s5, s21  }
0x66: {  	s1 =	spop (v2sf);
	s3 =	sadd.s32 s2, s3  }
0x67: {  	s28 =	spop (v2sf);
	s3 =	sadd.s32 s1, s3  }
0x68: {  	s16 =	spop (v2sf);
	s7 =	sadd.s32 s28, s3  }
0x69: {  	s3 =	spop (v2sf);
	s7 =	sadd.s32 s16, s7  }
0x6a: {  	s17 =	spop (v2sf);
	s7 =	sadd.s32 s3, s7  }
0x6b: {  	s15 =	spop (v2sf);
	s7 =	sadd.s32 s17, s7  }
0x6c: {  	s14 =	spop (v2sf);
	s7 =	sadd.s32 s15, s7  }
0x6d: {  	s13 =	spop (v2sf);
	s7 =	sadd.s32 s14, s7  }
0x6e: {  	s12 =	spop (v2sf);
	s7 =	sadd.s32 s13, s7  }
0x6f: {  	s11 =	spop (v2sf);
	s7 =	sadd.s32 s12, s7  }
0x70: {  	s9 =	spop (v2sf);
	s7 =	sadd.s32 s11, s7  }
0x71: {  	s8 =	spop (v2sf);
	s7 =	sadd.s32 s9, s7  }
0x72: {  	s7 =	sadd.s32 s8, s7;
	s6 =	spop (v2sf)  }
0x73: {  	s0 =	sadd.s32 s6, s7  }
0x74: {  	p0 =	slt.s32 s0, $0x1  }
.Ltmp6:
0x75: {  	_ = 	snop;
	(pc) =	sbr.rel @p0 .LBB2_9-.Ltmp6, $1  }
0x76: {  	_ =	sdelay $0x3  }
0x77: {  	v8 =	vld [tilespmem:s25+$0x0];
	_ =	sdelay $0x4  }
0x78: {  	(v2sf) =	vpush v7, $0x0;
	v8 =	vshll.u32 v8, $0x9  }
0x79: {  	(v2sf) =	vpush v8, $0x0  }
0x7a: {  	(v2sf) =	vpush v7, $0x1  }
0x7b: {  	(v2sf) =	vpush v8, $0x1  }
0x7c: {  	(v2sf) =	vpush v7, $0x2  }
0x7d: {  	(v2sf) =	vpush v8, $0x2  }
0x7e: {  	(v2sf) =	vpush v7, $0x3  }
0x7f: {  	(v2sf) =	vpush v8, $0x3  }
0x80: {  	(v2sf) =	vpush v7, $0x4  }
0x81: {  	s20 =	smul.u32 s4, s21;
	s22 =	sxor.u32 $0x1, s21;
	(v2sf) =	vpush v8, $0x4  }
0x82: {  	s30 =	sadd.s32 s4, s21;
	s22 =	smul.u32 $0x2A40, s22;
	(v2sf) =	vpush v7, $0x5  }
0x83: {  	[dreg:$0x16] =	wrdreg s6;
	s19 =	sxor.u32 $0x1, s5;
	s10 =	smul.u32 s5, s30;
	(v2sf) =	vpush v8, $0x5  }
0x84: {  	[dreg:$0x15] =	wrdreg s0;
	s19 =	smul.u32 $0x2A40, s19;
	s5 =	sadd.s32 s5, s30;
	(v2sf) =	vpush v7, $0x6  }
0x85: {  	[dreg:$0x14] =	wrdreg s4;
	s30 =	sxor.u32 $0x1, s2;
	s24 =	smul.u32 s2, s5;
	(v2sf) =	vpush v8, $0x6  }
0x86: {  	s6 =	sxor.u32 $0x1, s28;
	[dreg:$0x17] =	wrdreg s8;
	s0 =	smul.u32 $0x2A40, s30;
	(v2sf) =	vpush v7, $0x7  }
0x87: {  	s4 =	smul.u32 $0x2A40, s6;
	s20 =	sadd.s32 s20, s22;
	s7 =	spop (v2sf);
	(v2sf) =	vpush v8, $0x7  }
0x88: {  	s21 =	sadd.s32 s0, s24;
	s24 =	sadd.s32 s2, s5;
	s23 =	spop (v2sf);
	(v2sf) =	vpush v7, $0x8  }
0x89: {  	s22 =	sadd.s32 s19, s10;
	s5 =	smul.u32 s1, s24;
	s29 =	spop (v2sf)  }
0x8a: {  	s2 =	sadd.s32 s1, s24;
	s7 =	sadd.s32 s7, s23;
	s18 =	spop (v2sf)  }
0x8b: {  	[dreg:$0x1a] =	wrdreg s7;
	s7 =	sadd.s32 s29, s18;
	s10 =	spop (v2sf)  }
0x8c: {  	s29 =	sxor.u32 $0x1, s1;
	s1 =	smul.u32 s28, s2;
	s23 =	spop (v2sf)  }
0x8d: {  	(v2sf) =	vpush v8, $0x8;
	[dreg:$0x19] =	wrdreg s7;
	s30 =	spop (v2sf)  }
0x8e: {  	(v2sf) =	vpush v7, $0x9;
	s2 =	sadd.s32 s28, s2;
	s19 =	smul.u32 $0x2A40, s29;
	s29 =	spop (v2sf)  }
0x8f: {  	(v2sf) =	vpush v8, $0x9;
	s28 =	smul.u32 s16, s2;
	s7 =	spop (v2sf)  }
0x90: {  	(v2sf) =	vpush v7, $0xA;
	s2 =	sadd.s32 s16, s2;
	s0 =	sadd.s32 s10, s23;
	s10 =	spop (v2sf)  }
0x91: {  	(v2sf) =	vpush v8, $0xA;
	s1 =	sadd.s32 s4, s1;
	s19 =	sadd.s32 s19, s5;
	s5 =	spop (v2sf)  }
0x92: {  	s18 =	smul.u32 s3, s2;
	(v2sf) =	vpush v7, $0xB;
	s24 =	sadd.s32 s30, s29;
	s29 =	spop (v2sf)  }
0x93: {  	s23 =	sxor.u32 $0x1, s16;
	s16 =	rddreg [dreg:$0x1a];
	(v2sf) =	vpush v8, $0xB;
	s8 =	spop (v2sf)  }
0x94: {  	s4 =	smul.u32 $0x2A40, s23;
	s23 =	smov.u32 s9;
	(v2sf) =	vpush v7, $0xC;
	s9 =	spop (v2sf)  }
0x95: {  	s2 =	sadd.s32 s3, s2;
	v56 =	vmov s0;
	s0 =	sxor.u32 $0x1, s17;
	s6 =	spop (v2sf)  }
0x96: {  	s30 =	sxor.u32 $0x1, s3;
	(v2sf) =	vpush v8, $0xC;
	s7 =	sadd.s32 s7, s10;
	s10 =	spop (v2sf)  }
0x97: {  	s3 =	smul.u32 s17, s2;
	s4 =	sadd.s32 s4, s28;
	(v2sf) =	vpush v7, $0xD;
	s28 =	spop (v2sf)  }
0x98: {  	s0 =	smul.u32 $0x2A40, s0;
	(v2sf) =	vpush v8, $0xD;
	[dreg:$0x18] =	wrdreg s28  }
0x99: {  	s30 =	smul.u32 $0x2A40, s30;
	s28 =	rddreg [dreg:$0x12]  }
0x9a: {  	v9 =	vmov s16;
	s0 =	sadd.s32 s0, s3;
	(v2sf) =	vpush v7, $0xE;
	s16 =	sadd.s32 s26, s28  }
0x9b: {  	[tilespmem:s20+$0x800] =	vst v9;
	s29 =	sadd.s32 s5, s29;
	s28 =	sadd.s32 s30, s18;
	s30 =	rddreg [dreg:$0x19];
	v54 =	vmov s16  }
0x9c: {  	v62 =	vmov s29;
	s29 =	sxor.u32 $0x1, s14;
	s18 =	spop (v2sf);
	v55 =	vmov s30;
	[tilespmem:s20+$0x3280] =	vst v54;
	s20 =	sadd.s32 $0x1, s16  }
0x9d: {  	s8 =	sadd.s32 s8, s9;
	s6 =	sadd.s32 s6, s10;
	s5 =	spop (v2sf);
	v10 =	vmov s20;
	[tilespmem:s22+$0x800] =	vst v55  }
0x9e: {  	s30 =	sadd.s32 s17, s2;
	s2 =	spop (v2sf);
	[tilespmem:s22+$0x3280] =	vst v10;
	s22 =	sadd.s32 $0x2, s16  }
0x9f: {  	(v2sf) =	vpush v8, $0xE;
	s10 =	smul.u32 $0x2A40, s29;
	s17 =	spop (v2sf);
	s20 =	sxor.u32 $0x1, s15;
	v57 =	vmov s22;
	[tilespmem:s21+$0x800] =	vst v56  }
0xa0: {  	v58 =	vmov s24;
	s22 =	spop (v2sf);
	[tilespmem:s21+$0x3280] =	vst v57;
	s21 =	smul.u32 $0x2A40, s20;
	s20 =	sadd.s32 $0x3, s16  }
0xa1: {  	s29 =	sadd.s32 $0x6, s16;
	s9 =	smul.u32 s15, s30;
	s24 =	spop (v2sf);
	v59 =	vmov s20;
	[tilespmem:s19+$0x800] =	vst v58  }
0xa2: {  	v60 =	vmov s7;
	v63 =	vmov s29;
	s29 =	sxor.u32 $0x1, s13;
	s20 =	spop (v2sf);
	[tilespmem:s19+$0x3280] =	vst v59;
	s19 =	sadd.s32 $0x4, s16  }
0xa3: {  	s2 =	sadd.s32 s5, s2;
	s22 =	sadd.s32 s17, s22;
	s3 =	spop (v2sf);
	v61 =	vmov s19;
	[tilespmem:s1+$0x800] =	vst v60  }
0xa4: {  	s7 =	sadd.s32 s21, s9;
	s9 =	sadd.s32 s15, s30;
	s19 =	sadd.s32 $0x5, s16;
	[tilespmem:s1+$0x3280] =	vst v61  }
0xa5: {  	(v2sf) =	vpush v7, $0xF;
	s17 =	sadd.s32 s24, s20;
	s21 =	spop (v2sf);
	s30 =	smul.u32 s14, s9;
	v7 =	vmov s19;
	[tilespmem:s4+$0x800] =	vst v62  }
0xa6: {  	s20 =	sadd.s32 $0xB, s16;
	s1 =	spop (v2sf);
	s19 =	rddreg [dreg:$0x18];
	[tilespmem:s4+$0x3280] =	vst v7;
	v7 =	vmov s8  }
0xa7: {  	(v2sf) =	vpush v8, $0xF;
	s24 =	sadd.s32 s3, s21;
	s15 =	spop (v2sf);
	s8 =	sadd.s32 s14, s9;
	[tilespmem:s28+$0x800] =	vst v7  }
0xa8: {  	s4 =	sadd.s32 s19, s18;
	s19 =	sadd.s32 $0x7, s16;
	[tilespmem:s28+$0x3280] =	vst v63;
	v7 =	vmov s6;
	s28 =	smul.u32 s13, s8  }
0xa9: {  	s14 =	spop (v2sf);
	s6 =	sadd.s32 s10, s30;
	v8 =	vmov s19;
	s30 =	smul.u32 $0x2A40, s29;
	[tilespmem:s0+$0x800] =	vst v7  }
0xaa: {  	s8 =	sadd.s32 s13, s8;
	s13 =	sadd.s32 $0x9, s16;
	[tilespmem:s0+$0x3280] =	vst v8;
	v7 =	vmov s4;
	s4 =	sadd.s32 $0x8, s16  }
0xab: {  	s19 =	sxor.u32 $0x1, s12;
	s29 =	sadd.s32 $0xA, s16;
	s18 =	smul.u32 s12, s8;
	[tilespmem:s7+$0x800] =	vst v7;
	v7 =	vmov s4  }
0xac: {  	s0 =	sadd.s32 s30, s28;
	s28 =	smul.u32 $0x2A40, s19;
	s4 =	sadd.s32 s12, s8;
	[tilespmem:s7+$0x3280] =	vst v7;
	v7 =	vmov s2  }
0xad: {  	s1 =	sadd.s32 s1, s15;
	s30 =	sxor.u32 $0x1, s11;
	s10 =	smul.u32 s11, s4;
	[tilespmem:s6+$0x800] =	vst v7;
	v7 =	vmov s13  }
0xae: {  	s5 =	spop (v2sf);
	s4 =	sadd.s32 s11, s4;
	s13 =	smul.u32 $0x2A40, s30;
	[tilespmem:s6+$0x3280] =	vst v7;
	v7 =	vmov s22  }
0xaf: {  	s19 =	sxor.u32 $0x1, s23;
	s6 =	sadd.s32 s28, s18;
	s18 =	smul.u32 s23, s4;
	[tilespmem:s0+$0x800] =	vst v7;
	v7 =	vmov s29  }
0xb0: {  	s22 =	smul.u32 $0x2A40, s19;
	s4 =	sadd.s32 s23, s4;
	s28 =	rddreg [dreg:$0x17];
	[tilespmem:s0+$0x3280] =	vst v7;
	v7 =	vmov s17  }
0xb1: {  	s21 =	sadd.s32 s14, s5;
	s29 =	smul.u32 s28, s4;
	s30 =	sxor.u32 $0x1, s28;
	[tilespmem:s6+$0x800] =	vst v7;
	v7 =	vmov s20  }
0xb2: {  	s12 =	smul.u32 $0x2A40, s30;
	[tilespmem:s6+$0x3280] =	vst v7;
	s6 =	sadd.s32 s13, s10;
	v7 =	vmov s24;
	s10 =	sadd.s32 $0xC, s16  }
0xb3: {  	s17 =	sadd.s32 s22, s18;
	s22 =	rddreg [dreg:$0x16];
	s20 =	sadd.s32 s28, s4;
	[tilespmem:s6+$0x800] =	vst v7;
	v7 =	vmov s10  }
0xb4: {  	s18 =	sadd.s32 $0xD, s16;
	s4 =	sxor.u32 $0x1, s22;
	s3 =	smul.u32 s22, s20;
	[tilespmem:s6+$0x3280] =	vst v7;
	v7 =	vmov s1  }
0xb5: {  	s23 =	sadd.s32 $0xE, s16;
	s13 =	spop (v2sf);
	s24 =	smul.u32 $0x2A40, s4;
	[tilespmem:s17+$0x800] =	vst v7;
	v7 =	vmov s18  }
.Ltmp7:
0xb6: {  	s19 =	sadd.s32 s12, s29;
	s28 =	spop (v2sf);
	[tilespmem:s17+$0x3280] =	vst v7;
	v7 =	vmov s21;
	(pc) =	sbr.rel .LBB2_9-.Ltmp7, $4  }
0xb7: {  	s29 =	sadd.s32 s13, s28;
	[tilespmem:s19+$0x800] =	vst v7;
	v7 =	vmov s23  }
0xb8: {  	s30 =	sadd.s32 $0xF, s16;
	s1 =	sadd.s32 s24, s3;
	[tilespmem:s19+$0x3280] =	vst v7;
	v7 =	vmov s29  }
0xb9: {  	s0 =	rddreg [dreg:$0x15];
	[tilespmem:s1+$0x800] =	vst v7;
	v7 =	vmov s30  }
0xba: {  	s4 =	rddreg [dreg:$0x14];
	[tilespmem:s1+$0x3280] =	vst v7  }
.LBB2_11:
0xbb: {  	[tilespmem:s4+$0x800] =	vst v6;
	s29 =	simm.s32 $0x0;
	s9 =	simm.s32 $0x3280;
	s24 =	rddreg [dreg:$0x4]  }
0xbc: {  	[tilespmem:s4+$0x3280] =	vst v1;
	s31 =	simm.s32 $0x800;
	s0 =	simm.s32 $0x0;
	s28 =	rddreg [dreg:$0x5]  }
.LBB2_12:
0xbd: {  	s1 =	sshll.u32 s0, $0x6  }
0xbe: {  	v7 =	vld [tilespmem:s1+$0x800];
	_ =	sdelay $0x4  }
0xbf: {  	v7 =	vshrl.u32 v7, $0x9  }
0xc0: {  	[tilespmem:$0x5D00] =	vst v7  }
0xc1: {  	v7 =	vld [tilespmem:s1+$0x3280];
	_ =	sdelay $0x4  }
0xc2: {  	v7 =	vshrl.u32 v7, $0x3  }
0xc3: {  	[tilespmem:$0x5D80] =	vst v7  }
0xc4: {  	v7 =	vld [tilespmem:s1+$0x810];
	_ =	sdelay $0x4  }
0xc5: {  	v7 =	vshrl.u32 v7, $0x9  }
0xc6: {  	[tilespmem:$0x5D10] =	vst v7  }
0xc7: {  	v7 =	vld [tilespmem:s1+$0x3290];
	_ =	sdelay $0x4  }
0xc8: {  	v7 =	vshrl.u32 v7, $0x3  }
0xc9: {  	[tilespmem:$0x5D90] =	vst v7  }
0xca: {  	v7 =	vld [tilespmem:s1+$0x820];
	_ =	sdelay $0x4  }
0xcb: {  	v7 =	vshrl.u32 v7, $0x9  }
0xcc: {  	[tilespmem:$0x5D20] =	vst v7  }
0xcd: {  	v7 =	vld [tilespmem:s1+$0x32A0];
	_ =	sdelay $0x4  }
0xce: {  	v7 =	vshrl.u32 v7, $0x3  }
0xcf: {  	[tilespmem:$0x5DA0] =	vst v7  }
0xd0: {  	v7 =	vld [tilespmem:s1+$0x830];
	_ =	sdelay $0x4  }
0xd1: {  	v7 =	vshrl.u32 v7, $0x9  }
0xd2: {  	[tilespmem:$0x5D30] =	vst v7  }
0xd3: {  	v7 =	vld [tilespmem:s1+$0x32B0];
	_ =	sdelay $0x4  }
0xd4: {  	v7 =	vshrl.u32 v7, $0x3  }
0xd5: {  	s18 =	simm.s32 $0x40;
	s2 =	simm.s32 $0x5D00;
	s3 =	simm.s32 $0x5E00;
	[tilespmem:$0x5DB0] =	vst v7  }
0xd6: {  	[tilespmem:s3], [sflag:$0x1] =	stream.indirect.gather [hbm4b:s28+s18], $0x80, s2, s18, $0xb8;
	[tilespmem:$0x1E700] =	vst v63  }
0xd7: {  	s4 =	simm.s32 $0x7E00;
	s19 =	simm.s32 $0x5D80;
	s20 =	simm.s32 $0x1  }
0xd8: {  	[tilespmem:s4], [sflag:$0x2] =	stream.indirect.gather [hbm4b:s24+s18], $0x80, s19, s18, $0xb8;
	[tilespmem:$0x1E700] =	vst v63  }
0xd9: {  	_ =	swait.ge [sflag:s20], $0x2000  }
0xda: {  	s21 =	sand.u32 $0xF, s29;
	[sflag:s20] =	ssyncset.done $0x0  }
0xdb: {  	s22 =	simm.s32 $0x2;
	s1 =	sshll.u32 s21, $0x2;
	[sflag:s20] =	ssyncadd.s32 $0xFFFFE000  }
0xdc: {  	s1 =	ssub.s32 $0x0, s1;
	_ =	swait.ge [sflag:s22], $0x2000  }
0xdd: {  	s23 =	sand.u32 $0xF, s29;
	s1 =	sshra.s32 s1, $0x2;
	[sflag:s22] =	ssyncset.done $0x0  }
0xde: {  	s25 =	sadd.s32 s1, s9;
	v7 =	vmov s23;
	[sflag:s22] =	ssyncadd.s32 $0xFFFFE000  }
0xdf: {  	v7 =	vsub.s32 v3, v7;
	v8 =	vld [tilespmem:s25+$0x0]  }
0xe0: {  	v7 =	vmul.u32 v7, v7;
	_ =	sdelay $0x1  }
0xe1: {  	v7 =	vmin.u32 v7, $0x1  }
0xe2: {  	v7 =	vxor.u32 $0x1, v7  }
0xe3: {  	v8 =	vmul.u32 v7, v8;
	_ =	sdelay $0x1  }
0xe4: {  	s1 =	sadd.s32 s1, s31;
	(v2sf) =	vpush v8, $0x8  }
0xe5: {  	v9 =	vld [tilespmem:s1+$0x0];
	(v2sf) =	vpush v8, $0xD  }
0xe6: {  	(v2sf) =	vpush v8, $0x9  }
0xe7: {  	(v2sf) =	vpush v8, $0x6  }
0xe8: {  	(v2sf) =	vpush v8, $0x5  }
0xe9: {  	(v2sf) =	vpush v8, $0x4  }
0xea: {  	v7 =	vmul.u32 v7, v9;
	(v2sf) =	vpush v8, $0x3  }
0xeb: {  	(v2sf) =	vpush v8, $0x7  }
0xec: {  	(v2sf) =	vpush v7, $0xA  }
0xed: {  	(v2sf) =	vpush v7, $0x9  }
0xee: {  	(v2sf) =	vpush v8, $0x2  }
0xef: {  	(v2sf) =	vpush v8, $0x0  }
0xf0: {  	(v2sf) =	vpush v7, $0x6  }
0xf1: {  	(v2sf) =	vpush v7, $0x5  }
0xf2: {  	(v2sf) =	vpush v7, $0x4  }
0xf3: {  	(v2sf) =	vpush v7, $0x3;
	s2 =	spop (v2sf)  }
0xf4: {  	(v2sf) =	vpush v7, $0x2;
	s1 =	spop (v2sf)  }
0xf5: {  	(v2sf) =	vpush v8, $0x1;
	s3 =	spop (v2sf)  }
0xf6: {  	(v2sf) =	vpush v7, $0x0;
	s5 =	spop (v2sf)  }
0xf7: {  	(v2sf) =	vpush v7, $0x1;
	s6 =	spop (v2sf)  }
0xf8: {  	(v2sf) =	vpush v7, $0x7;
	s7 =	spop (v2sf)  }
0xf9: {  	s8 =	spop (v2sf);
	(v2sf) =	vpush v8, $0xA  }
0xfa: {  	(v2sf) =	vpush v7, $0x8;
	s10 =	spop (v2sf)  }
0xfb: {  	s11 =	spop (v2sf);
	(v2sf) =	vpush v8, $0xB  }
0xfc: {  	s12 =	spop (v2sf);
	(v2sf) =	vpush v8, $0xC  }
0xfd: {  	(v2sf) =	vpush v7, $0xC;
	s13 =	spop (v2sf)  }
0xfe: {  	(v2sf) =	vpush v7, $0xD;
	s14 =	spop (v2sf)  }
0xff: {  	s15 =	spop (v2sf);
	(v2sf) =	vpush v7, $0xB  }
0x100: {  	s16 =	spop (v2sf);
	(v2sf) =	vpush v7, $0xE  }
0x101: {  	s17 =	spop (v2sf);
	(v2sf) =	vpush v7, $0xF  }
0x102: {  	s18 =	spop (v2sf);
	(v2sf) =	vpush v8, $0xE  }
0x103: {  	s19 =	spop (v2sf);
	(v2sf) =	vpush v8, $0xF  }
0x104: {  	s20 =	spop (v2sf)  }
0x105: {  	s14 =	sadd.s32 s20, s14;
	s26 =	spop (v2sf)  }
0x106: {  	s13 =	sadd.s32 s13, s14;
	s21 =	spop (v2sf)  }
0x107: {  	s8 =	sadd.s32 s8, s13;
	s13 =	spop (v2sf)  }
0x108: {  	s7 =	sadd.s32 s7, s8;
	s22 =	spop (v2sf)  }
0x109: {  	s6 =	sadd.s32 s6, s7;
	s7 =	spop (v2sf)  }
0x10a: {  	s5 =	sadd.s32 s5, s6;
	s23 =	spop (v2sf)  }
0x10b: {  	s14 =	sadd.s32 s21, s26;
	s5 =	sadd.s32 s10, s5;
	s25 =	spop (v2sf)  }
0x10c: {  	s14 =	sadd.s32 s19, s14;
	s2 =	sadd.s32 s2, s5;
	s26 =	spop (v2sf)  }
0x10d: {  	s14 =	sadd.s32 s18, s14;
	s2 =	sadd.s32 s3, s2;
	s18 =	spop (v2sf)  }
0x10e: {  	s14 =	sadd.s32 s17, s14;
	s2 =	sadd.s32 s22, s2;
	s19 =	spop (v2sf)  }
0x10f: {  	s14 =	sadd.s32 s16, s14;
	s2 =	sadd.s32 s23, s2;
	s20 =	spop (v2sf)  }
0x110: {  	s14 =	sadd.s32 s15, s14;
	s2 =	sadd.s32 s25, s2;
	s21 =	spop (v2sf)  }
0x111: {  	s13 =	sadd.s32 s13, s14;
	s1 =	sadd.s32 s1, s2;
	s22 =	spop (v2sf)  }
0x112: {  	s7 =	sadd.s32 s7, s13;
	s1 =	sadd.s32 s22, s1;
	s23 =	spop (v2sf)  }
0x113: {  	s7 =	sadd.s32 s12, s7;
	s1 =	sadd.s32 s23, s1  }
0x114: {  	s25 =	sadd.s32 s11, s7;
	s1 =	sand.u32 $0x7, s1  }
0x115: {  	s2 =	sadd.s32 s19, s25;
	s1 =	sshll.u32 s1, $0x4  }
0x116: {  	s2 =	sadd.s32 s26, s2;
	s1 =	sadd.s32 $0x7E00, s1  }
0x117: {  	s2 =	sadd.s32 s18, s2;
	v7 =	vld [tilespmem:s1+$0x0]  }
0x118: {  	s26 =	sadd.s32 s20, s2  }
0x119: {  	s1 =	sadd.s32 s21, s26  }
0x11a: {  	s1 =	sshll.u32 s1, $0x7  }
0x11b: {  	s11 =	sand.u32 $0xFF80, s1  }
0x11c: {  	s25 =	simm.s32 $0x5E40;
	[tilespmem:s11+$0x14200] =	vst.add.f32.msk $0xffff, v7  }
0x11d: {  	v8 =	vld [tilespmem:s25+$0xFFFFFFC0];
	_ =	sdelay $0x2  }
0x11e: {  	v9 =	vbroadcast v7, $0x8;
	_ =	sdelay $0x1  }
0x11f: {  	v8 =	vmul.f32 v8, v9;
	_ =	sdelay $0x1  }
0x120: {  	[tilespmem:s11+$0x9E00] =	vst.add.f32.msk $0xffff, v8  }
0x121: {  	v8 =	vld [tilespmem:s25+$0xFFFFFFD0];
	_ =	sdelay $0x2  }
0x122: {  	v9 =	vbroadcast v7, $0x9;
	_ =	sdelay $0x1  }
0x123: {  	v8 =	vmul.f32 v8, v9;
	_ =	sdelay $0x1  }
0x124: {  	[tilespmem:s11+$0x9E10] =	vst.add.f32.msk $0xffff, v8  }
0x125: {  	v8 =	vld [tilespmem:s25+$0xFFFFFFE0];
	_ =	sdelay $0x2  }
0x126: {  	v9 =	vbroadcast v7, $0xA;
	_ =	sdelay $0x1  }
0x127: {  	v8 =	vmul.f32 v8, v9;
	_ =	sdelay $0x1  }
0x128: {  	[tilespmem:s11+$0x9E20] =	vst.add.f32.msk $0xffff, v8  }
0x129: {  	v8 =	vld [tilespmem:s25+$0xFFFFFFF0];
	_ =	sdelay $0x2  }
0x12a: {  	v9 =	vbroadcast v7, $0xB;
	_ =	sdelay $0x1  }
0x12b: {  	v8 =	vmul.f32 v8, v9;
	_ =	sdelay $0x1  }
0x12c: {  	[tilespmem:s11+$0x9E30] =	vst.add.f32.msk $0xffff, v8  }
0x12d: {  	v8 =	vld [tilespmem:s25+$0x0];
	_ =	sdelay $0x2  }
0x12e: {  	v9 =	vbroadcast v7, $0xC;
	_ =	sdelay $0x1  }
0x12f: {  	v8 =	vmul.f32 v8, v9;
	_ =	sdelay $0x1  }
0x130: {  	[tilespmem:s11+$0x9E40] =	vst.add.f32.msk $0xffff, v8  }
0x131: {  	v8 =	vld [tilespmem:s25+$0x10];
	_ =	sdelay $0x2  }
0x132: {  	v9 =	vbroadcast v7, $0xD  }
0x133: {  	s30 =	smov.u32 s9;
	s8 =	simm.s32 $0x5EC0  }
0x134: {  	s10 =	simm.s32 $0x0;
	s7 =	sadd.s32 $0x1, s31;
	s26 =	simm.s32 $0x1;
	v8 =	vmul.f32 v8, v9  }
.LBB2_13:
0x135: {  	s4 =	sadd.s32 $0x80, s4;
	s30 =	sadd.s32 $0x1, s30;
	s10 =	sadd.s32 $0x1, s10  }
0x136: {  	p0 =	sne.s32 s26, $0x3F;
	s1 =	smov.u32 s26;
	s26 =	sadd.s32 $0x1, s26;
	[tilespmem:s11+$0x9E50] =	vst.add.f32.msk $0xffff, v8  }
0x137: {  	v8 =	vld [tilespmem:s25+$0x20];
	_ =	sdelay $0x2  }
0x138: {  	v9 =	vbroadcast v7, $0xE;
	_ =	sdelay $0x1  }
0x139: {  	v8 =	vmul.f32 v8, v9;
	_ =	sdelay $0x1  }
0x13a: {  	[tilespmem:s11+$0x9E60] =	vst.add.f32.msk $0xffff, v8  }
0x13b: {  	v8 =	vld [tilespmem:s25+$0x30];
	s25 =	smov.u32 s8;
	_ =	sdelay $0x2  }
0x13c: {  	v7 =	vbroadcast v7, $0xF;
	s2 =	sand.u32 $0xF, s10  }
0x13d: {  	s2 =	sshll.u32 s2, $0x2  }
0x13e: {  	s2 =	ssub.s32 $0x0, s2;
	v7 =	vmul.f32 v8, v7  }
0x13f: {  	s1 =	sand.u32 $0xF, s1;
	s2 =	sshra.s32 s2, $0x2  }
0x140: {  	s3 =	sadd.s32 s2, s30;
	s2 =	sadd.s32 s2, s7;
	v8 =	vmov s1;
	[tilespmem:s11+$0x9E70] =	vst.add.f32.msk $0xffff, v7  }
0x141: {  	v7 =	vsub.s32 v3, v8;
	v8 =	vld [tilespmem:s3+$0x0]  }
0x142: {  	v7 =	vmul.u32 v7, v7;
	_ =	sdelay $0x1  }
0x143: {  	v7 =	vmin.u32 v7, $0x1  }
0x144: {  	v7 =	vxor.u32 $0x1, v7  }
0x145: {  	v8 =	vmul.u32 v7, v8;
	_ =	sdelay $0x1  }
0x146: {  	v9 =	vld [tilespmem:s2+$0x0];
	(v2sf) =	vpush v8, $0x8  }
0x147: {  	(v2sf) =	vpush v8, $0xD  }
0x148: {  	(v2sf) =	vpush v8, $0x9  }
0x149: {  	(v2sf) =	vpush v8, $0x6  }
0x14a: {  	(v2sf) =	vpush v8, $0x5  }
0x14b: {  	v7 =	vmul.u32 v7, v9;
	(v2sf) =	vpush v8, $0x4  }
0x14c: {  	(v2sf) =	vpush v8, $0x3  }
0x14d: {  	(v2sf) =	vpush v8, $0x7  }
0x14e: {  	(v2sf) =	vpush v7, $0xA  }
0x14f: {  	(v2sf) =	vpush v7, $0x9  }
0x150: {  	(v2sf) =	vpush v8, $0x2  }
0x151: {  	(v2sf) =	vpush v8, $0x0  }
0x152: {  	(v2sf) =	vpush v7, $0x6  }
0x153: {  	(v2sf) =	vpush v7, $0x5  }
0x154: {  	(v2sf) =	vpush v7, $0x4  }
0x155: {  	(v2sf) =	vpush v7, $0x3;
	s1 =	spop (v2sf)  }
0x156: {  	(v2sf) =	vpush v7, $0x2;
	s3 =	spop (v2sf)  }
0x157: {  	(v2sf) =	vpush v8, $0x1;
	s2 =	spop (v2sf)  }
0x158: {  	(v2sf) =	vpush v7, $0x0;
	s6 =	spop (v2sf)  }
0x159: {  	(v2sf) =	vpush v7, $0x1;
	s12 =	spop (v2sf)  }
0x15a: {  	(v2sf) =	vpush v7, $0x7;
	s13 =	spop (v2sf)  }
0x15b: {  	s14 =	spop (v2sf);
	(v2sf) =	vpush v8, $0xA  }
0x15c: {  	(v2sf) =	vpush v7, $0x8;
	s15 =	spop (v2sf)  }
0x15d: {  	s11 =	spop (v2sf);
	(v2sf) =	vpush v8, $0xB  }
0x15e: {  	s5 =	spop (v2sf);
	(v2sf) =	vpush v8, $0xC  }
0x15f: {  	(v2sf) =	vpush v7, $0xC;
	s16 =	spop (v2sf)  }
0x160: {  	(v2sf) =	vpush v7, $0xD;
	s17 =	spop (v2sf)  }
0x161: {  	s18 =	spop (v2sf);
	(v2sf) =	vpush v7, $0xB  }
0x162: {  	s19 =	spop (v2sf);
	(v2sf) =	vpush v7, $0xE  }
0x163: {  	s20 =	spop (v2sf);
	(v2sf) =	vpush v7, $0xF  }
0x164: {  	s21 =	spop (v2sf);
	(v2sf) =	vpush v8, $0xE  }
0x165: {  	s22 =	spop (v2sf);
	(v2sf) =	vpush v8, $0xF  }
0x166: {  	s23 =	spop (v2sf)  }
0x167: {  	s17 =	sadd.s32 s23, s17;
	s23 =	spop (v2sf)  }
0x168: {  	s16 =	sadd.s32 s16, s17;
	s17 =	spop (v2sf)  }
0x169: {  	s17 =	sadd.s32 s17, s23;
	s14 =	sadd.s32 s14, s16;
	s16 =	spop (v2sf)  }
0x16a: {  	s17 =	sadd.s32 s22, s17;
	s13 =	sadd.s32 s13, s14;
	s14 =	spop (v2sf)  }
0x16b: {  	s17 =	sadd.s32 s21, s17;
	s12 =	sadd.s32 s12, s13;
	s13 =	spop (v2sf)  }
0x16c: {  	s17 =	sadd.s32 s20, s17;
	s6 =	sadd.s32 s6, s12;
	s12 =	spop (v2sf)  }
0x16d: {  	s17 =	sadd.s32 s19, s17;
	s6 =	sadd.s32 s15, s6;
	s15 =	spop (v2sf)  }
0x16e: {  	s17 =	sadd.s32 s18, s17;
	s1 =	sadd.s32 s1, s6;
	s6 =	spop (v2sf)  }
0x16f: {  	s16 =	sadd.s32 s16, s17;
	s1 =	sadd.s32 s2, s1;
	s2 =	spop (v2sf)  }
0x170: {  	s13 =	sadd.s32 s13, s16;
	s1 =	sadd.s32 s14, s1;
	s14 =	spop (v2sf)  }
0x171: {  	s5 =	sadd.s32 s5, s13;
	s1 =	sadd.s32 s12, s1;
	s12 =	spop (v2sf)  }
0x172: {  	s5 =	sadd.s32 s11, s5;
	s1 =	sadd.s32 s15, s1;
	s11 =	spop (v2sf)  }
0x173: {  	s5 =	sadd.s32 s14, s5;
	s1 =	sadd.s32 s3, s1;
	s3 =	spop (v2sf)  }
0x174: {  	s5 =	sadd.s32 s6, s5;
	s1 =	sadd.s32 s3, s1;
	s3 =	spop (v2sf)  }
0x175: {  	s2 =	sadd.s32 s2, s5;
	s1 =	sadd.s32 s3, s1  }
0x176: {  	s2 =	sadd.s32 s12, s2;
	s1 =	sand.u32 $0x7, s1  }
0x177: {  	s2 =	sadd.s32 s11, s2;
	s1 =	sshll.u32 s1, $0x4  }
0x178: {  	s1 =	sadd.s32 s1, s4;
	s2 =	sshll.u32 s2, $0x7  }
0x179: {  	v7 =	vld [tilespmem:s1+$0x0];
	_ =	sdelay $0x3  }
0x17a: {  	s11 =	sand.u32 $0xFF80, s2  }
0x17b: {  	[tilespmem:s11+$0x14200] =	vst.add.f32.msk $0xffff, v7  }
0x17c: {  	v8 =	vld [tilespmem:s8+$0xFFFFFFC0];
	_ =	sdelay $0x2  }
0x17d: {  	v9 =	vbroadcast v7, $0x8;
	_ =	sdelay $0x1  }
0x17e: {  	v8 =	vmul.f32 v8, v9;
	_ =	sdelay $0x1  }
0x17f: {  	[tilespmem:s11+$0x9E00] =	vst.add.f32.msk $0xffff, v8  }
0x180: {  	v8 =	vld [tilespmem:s8+$0xFFFFFFD0];
	_ =	sdelay $0x2  }
0x181: {  	v9 =	vbroadcast v7, $0x9;
	_ =	sdelay $0x1  }
0x182: {  	v8 =	vmul.f32 v8, v9;
	_ =	sdelay $0x1  }
0x183: {  	[tilespmem:s11+$0x9E10] =	vst.add.f32.msk $0xffff, v8  }
0x184: {  	v8 =	vld [tilespmem:s8+$0xFFFFFFE0];
	_ =	sdelay $0x2  }
0x185: {  	v9 =	vbroadcast v7, $0xA;
	_ =	sdelay $0x1  }
0x186: {  	v8 =	vmul.f32 v8, v9;
	_ =	sdelay $0x1  }
0x187: {  	[tilespmem:s11+$0x9E20] =	vst.add.f32.msk $0xffff, v8  }
0x188: {  	v8 =	vld [tilespmem:s8+$0xFFFFFFF0];
	_ =	sdelay $0x2  }
0x189: {  	v9 =	vbroadcast v7, $0xB;
	_ =	sdelay $0x1  }
0x18a: {  	v8 =	vmul.f32 v8, v9;
	_ =	sdelay $0x1  }
0x18b: {  	[tilespmem:s11+$0x9E30] =	vst.add.f32.msk $0xffff, v8  }
0x18c: {  	v8 =	vld [tilespmem:s8+$0x0];
	_ =	sdelay $0x2  }
0x18d: {  	v9 =	vbroadcast v7, $0xC;
	_ =	sdelay $0x1  }
0x18e: {  	v8 =	vmul.f32 v8, v9;
	_ =	sdelay $0x1  }
0x18f: {  	[tilespmem:s11+$0x9E40] =	vst.add.f32.msk $0xffff, v8  }
0x190: {  	v8 =	vld [tilespmem:s8+$0x10]  }
.Ltmp8:
0x191: {  	(pc) =	sbr.rel @p0 .LBB2_13-.Ltmp8, $3  }
0x192: {  	_ = 	snop  }
0x193: {  	v9 =	vbroadcast v7, $0xD;
	_ =	sdelay $0x1  }
0x194: {  	s7 =	sadd.s32 $0x1, s7;
	s8 =	sadd.s32 $0x80, s8;
	v8 =	vmul.f32 v8, v9  }
0x195: {  	_ = 	snop  }
0x196: {  	[tilespmem:s11+$0x9E50] =	vst.add.f32.msk $0xffff, v8  }
0x197: {  	v8 =	vld [tilespmem:s25+$0x20];
	_ =	sdelay $0x2  }
0x198: {  	v9 =	vbroadcast v7, $0xE;
	_ =	sdelay $0x1  }
0x199: {  	v8 =	vmul.f32 v8, v9;
	_ =	sdelay $0x1  }
0x19a: {  	[tilespmem:s11+$0x9E60] =	vst.add.f32.msk $0xffff, v8  }
0x19b: {  	v8 =	vld [tilespmem:s25+$0x30]  }
0x19c: {  	s0 =	sadd.s32 $0x1, s0  }
0x19d: {  	p0 =	sne.s32 s0, $0xA9  }
.Ltmp9:
0x19e: {  	v7 =	vbroadcast v7, $0xF;
	(pc) =	sbr.rel @p0 .LBB2_12-.Ltmp9, $3  }
0x19f: {  	_ = 	snop  }
0x1a0: {  	v7 =	vmul.f32 v8, v7;
	_ =	sdelay $0x1  }
0x1a1: {  	s9 =	sadd.s32 $0x40, s9;
	s31 =	sadd.s32 $0x40, s31;
	[tilespmem:s11+$0x9E70] =	vst.add.f32.msk $0xffff, v7  }
0x1a2: {  	s0 =	simm.s32 $0x0  }
0x1a3: {  	s1 =	rddreg [dreg:$0x6];
	s2 =	simm.s32 $0x9E00;
	s11 =	simm.s32 $0x3  }
0x1a4: {  	[hbm4b:s1+s0] =	stream.linear.scatter [tilespmem:s2], [sflag:$0x3], $0x2000, $0x38;
	[tilespmem:$0x1E700] =	vst v63  }
0x1a5: {  	_ =	swait.ge [sflag:s11], $0x2000  }
0x1a6: {  	[sflag:s11] =	ssyncset.done $0x0  }
0x1a7: {  	s3 =	simm.s32 $0x14200;
	s12 =	rddreg [dreg:$0x7];
	[sflag:s11] =	ssyncadd.s32 $0xFFFFE000  }
0x1a8: {  	[hbm4b:s12+s0] =	stream.linear.scatter [tilespmem:s3], [sflag:$0x3], $0x2000, $0x38;
	[tilespmem:$0x1E700] =	vst v63  }
0x1a9: {  	_ =	swait.ge [sflag:s11], $0x2000  }
0x1aa: {  	[sflag:s11] =	ssyncset.done $0x0  }
0x1ab: {  	s14 =	simm.s32 $0xBE00;
	s13 =	rddreg [dreg:$0x8];
	[sflag:s11] =	ssyncadd.s32 $0xFFFFE000  }
0x1ac: {  	[hbm4b:s13+s0] =	stream.linear.scatter [tilespmem:s14], [sflag:$0x3], $0x2000, $0x38;
	[tilespmem:$0x1E700] =	vst v63  }
0x1ad: {  	_ =	swait.ge [sflag:s11], $0x2000  }
0x1ae: {  	[sflag:s11] =	ssyncset.done $0x0  }
0x1af: {  	s16 =	simm.s32 $0x16200;
	s15 =	rddreg [dreg:$0x9];
	[sflag:s11] =	ssyncadd.s32 $0xFFFFE000  }
0x1b0: {  	[hbm4b:s15+s0] =	stream.linear.scatter [tilespmem:s16], [sflag:$0x3], $0x2000, $0x38;
	[tilespmem:$0x1E700] =	vst v63  }
0x1b1: {  	_ =	swait.ge [sflag:s11], $0x2000  }
0x1b2: {  	[sflag:s11] =	ssyncset.done $0x0  }
0x1b3: {  	s18 =	simm.s32 $0xDE00;
	s17 =	rddreg [dreg:$0xa];
	[sflag:s11] =	ssyncadd.s32 $0xFFFFE000  }
0x1b4: {  	[hbm4b:s17+s0] =	stream.linear.scatter [tilespmem:s18], [sflag:$0x3], $0x2000, $0x38;
	[tilespmem:$0x1E700] =	vst v63  }
0x1b5: {  	_ =	swait.ge [sflag:s11], $0x2000  }
0x1b6: {  	[sflag:s11] =	ssyncset.done $0x0  }
0x1b7: {  	s20 =	simm.s32 $0x18200;
	s19 =	rddreg [dreg:$0xb];
	[sflag:s11] =	ssyncadd.s32 $0xFFFFE000  }
0x1b8: {  	[hbm4b:s19+s0] =	stream.linear.scatter [tilespmem:s20], [sflag:$0x3], $0x2000, $0x38;
	[tilespmem:$0x1E700] =	vst v63  }
0x1b9: {  	_ =	swait.ge [sflag:s11], $0x2000  }
0x1ba: {  	[sflag:s11] =	ssyncset.done $0x0  }
0x1bb: {  	s22 =	simm.s32 $0xFE00;
	s21 =	rddreg [dreg:$0xc];
	[sflag:s11] =	ssyncadd.s32 $0xFFFFE000  }
0x1bc: {  	[hbm4b:s21+s0] =	stream.linear.scatter [tilespmem:s22], [sflag:$0x3], $0x2000, $0x38;
	[tilespmem:$0x1E700] =	vst v63  }
0x1bd: {  	_ =	swait.ge [sflag:s11], $0x2000  }
0x1be: {  	[sflag:s11] =	ssyncset.done $0x0  }
0x1bf: {  	s24 =	simm.s32 $0x1A200;
	s23 =	rddreg [dreg:$0xd];
	[sflag:s11] =	ssyncadd.s32 $0xFFFFE000  }
0x1c0: {  	[hbm4b:s23+s0] =	stream.linear.scatter [tilespmem:s24], [sflag:$0x3], $0x2000, $0x38;
	[tilespmem:$0x1E700] =	vst v63  }
0x1c1: {  	_ =	swait.ge [sflag:s11], $0x2000  }
0x1c2: {  	[sflag:s11] =	ssyncset.done $0x0  }
0x1c3: {  	s26 =	simm.s32 $0x11E00;
	s25 =	rddreg [dreg:$0xe];
	[sflag:s11] =	ssyncadd.s32 $0xFFFFE000  }
0x1c4: {  	[hbm4b:s25+s0] =	stream.linear.scatter [tilespmem:s26], [sflag:$0x3], $0x2000, $0x38;
	[tilespmem:$0x1E700] =	vst v63  }
0x1c5: {  	_ =	swait.ge [sflag:s11], $0x2000  }
0x1c6: {  	[sflag:s11] =	ssyncset.done $0x0  }
0x1c7: {  	s29 =	simm.s32 $0x1C200;
	s28 =	rddreg [dreg:$0xf];
	[sflag:s11] =	ssyncadd.s32 $0xFFFFE000  }
0x1c8: {  	[hbm4b:s28+s0] =	stream.linear.scatter [tilespmem:s29], [sflag:$0x3], $0x2000, $0x38;
	[tilespmem:$0x1E700] =	vst v63  }
0x1c9: {  	_ =	swait.ge [sflag:s11], $0x2000  }
0x1ca: {  	s30 =	rddreg [dreg:$0x11]  }
0x1cb: {  	s31 =	rddreg [dreg:$0x10];
	s1 =	sadd.s32 $0x1, s30  }
0x1cc: {  	p0 =	sne.s32 s1, s31  }
.Ltmp10:
0x1cd: {  	_ = 	snop;
	(pc) =	sbr.rel @p0 .LBB2_1-.Ltmp10, $3  }
0x1ce: {  	_ =	sdelay $0x1  }
0x1cf: {  	[sflag:s11] =	ssyncset.done $0x0  }
0x1d0: {  	[sflag:s11] =	ssyncadd.s32 $0xFFFFE000  }
0x1d1: {  	_ =	sfence.sel $0x180000  }
0x1d2: {  	[bflag:$0x0] =	sbarrier.arrive $0xFFFF  }
0x1d3: {  	_ =	strace $0x9000004A  }
0x1d4: {  	s0 =	stileid.u32;
	[bflag:$0x2] =	sbarrier.arrive $0xFFFF  }
0x1d5: {  	p0 =	sne.s32 s0, $0x0;
	s0 =	rddreg [dreg:$0x3]  }
0x1d6: {  	s0 =	sadd.s32 @!p0 $0x100000, s0  }
0x1d7: {  	[sflag:s0] =	ssyncadd.tile.s32 @!p0 $0x1;
	_ =	shalt  }
.Lfunc_end2:
_tile_overlayer_lowered:
.L_overlay_start_2:
0x1d8: {  	(tag) =	ssettag $0x2  }
0x1d9: {  	s0 =	rddreg [dreg:$0x0];
	s2 =	stileid.u32  }
0x1da: {  	s1 =	rddreg [dreg:$0x1];
	p0 =	sne.s32 s2, $0x0  }
0x1db: {  	s3 =	rddreg [dreg:$0x2];
	[bflag:$0x3] =	sbarrier.arrive $0xFFFF;
	s2 =	simm.s32 @!p0 $0x1C03  }
0x1dc: {  	[timem:s3], [sflag:s2] =	dma.local @!p0 [hbm:s0], s1  }
0x1dd: {  	s0 =	simm.s32 @!p0 $0x3  }
0x1de: {  	_ =	swait.ge @!p0 [sflag:s0], s1  }
0x1df: {  	s1 =	ssub.s32 @!p0 $0x0, s1;
	[sflag:s0] =	ssyncset.done @!p0 $0x0  }
0x1e0: {  	[sflag:s0] =	ssyncadd.s32 @!p0 s1  }
0x1e1: {  	[bflag:$0x3] =	sbarrier.arrive $0xFFFF  }
0x1e2: {  	_ =	shalt  }

// kernel: kernel.7.cloned.1.call-start
scs
__scs_entry_jumppad:
0x0: {  	(pc) =	sbr.rel $0x88, $3  }
0x1: {  	(tag) =	ssettag $0x0;
	lr =	simm.s32 $0x1  }
0x2: {  	[smem:$0x3F94] =	sst lr;
	_ =	strace $0xD0000000  }
0x3: {  	_ = 	snop  }
0x4: {  	_ = 	snop  }
0x5: {  	_ = 	snop  }
0x6: {  	_ = 	snop  }
0x7: {  	_ = 	snop  }
__scs_overlays_trampoline_lowered:
0x8: {  	[smem:$0x3FA3] =	sst s0  }
0x9: {  	[smem:$0x3FA4] =	sst s1  }
0xa: {  	[smem:$0x3FA5] =	sst s2  }
0xb: {  	[smem:$0x3FA6] =	sst s3  }
0xc: {  	[smem:$0x3FA7] =	sst s4  }
0xd: {  	[smem:$0x3FA8] =	sst s5  }
0xe: {  	[smem:$0x3FA9] =	sst s6  }
0xf: {  	[smem:$0x3FAA] =	sst s7  }
0x10: {  	[smem:$0x3FAB] =	sst s8  }
0x11: {  	[smem:$0x3FAC] =	sst s9;
	s0 =	simm.s32 @!p0 $0x0  }
0x12: {  	s1 =	sld [smem:$0x3F92];
	s0 =	simm.s32 @p0 $0x1  }
0x13: {  	[smem:$0x3FAD] =	sst s0;
	s0 =	simm.s32 @!p1 $0x0  }
0x14: {  	s2 =	sld [smem:$0x3F91];
	s0 =	simm.s32 @p1 $0x1  }
0x15: {  	[smem:$0x3FAE] =	sst s0;
	s0 =	simm.s32 @!p2 $0x0  }
0x16: {  	s3 =	sld [smem:$0x3FDB];
	s0 =	simm.s32 @p2 $0x1  }
0x17: {  	s4 =	simm.s32 $0x1BF5;
	[smem:$0x3FB0] =	sst s0  }
0x18: {  	s0 =	sld [smem:$0x3F93];
	_ =	swait.ge [sflag:s4], $0x0  }
0x19: {  	s7 =	sld [smem:$0x3F94]  }
0x1a: {  	s8 =	sadd.s32 $0xFFFFE003, lr  }
0x1b: {  	s9 =	sadd.s32 $0xFFFFFEF7, lr;
	s5 =	simm.s32 $0xFFFFFFFF;
	p2 =	slt.u32 s8, $0xFFFFF086  }
0x1c: {  	p1 =	slt.u32 s9, $0xF7A;
	s5 =	simm.s32 @!p2 $0x0  }
0x1d: {  	s5 =	simm.s32 @p1 $0x1;
	p0 =	seq.s32 s7, s2  }
0x1e: {  	s7 =	smul.u32 @!p0 $0xF7A, s2;
	p2 =	seq.s32 @!p0 s5, $0x0  }
0x1f: {  	s9 =	smul.u32 $0xF7A, s1;
	s8 =	simm.s32 @!p0 $0x1BF5;
	p2 =	por !p2, p0  }
0x20: {  	[sflag:s8] =	ssyncset.s32 @!p0 $0xFFFFF086;
	s6 =	sadd.s32 @!p0 s3, s7;
	s7 =	simm.s32 @!p0 $0x108  }
0x21: {  	s3 =	sadd.s32 s3, s9;
	s6 =	sadd.s32 @!p0 $0x88, s6;
	s7 =	simm.s32 @p2 $0x1082  }
0x22: {  	[simem:s7], [sflag:s8] =	dma.local @!p0 [hbm:s6], $0xF7A  }
0x23: {  	s9 =	sor.u32 $0xD0000000, s2;
	s6 =	simm.s32 $0x108;
	_ =	swait.ge @!p0 [sflag:s8], $0x0  }
0x24: {  	s3 =	sadd.s32 $0x88, s3;
	s6 =	simm.s32 @!p1 $0x1082;
	[sflag:s4] =	ssyncset.s32 $0xFFFFF086  }
0x25: {  	[simem:s6], [sflag:s4] =	dma.local [hbm:s3], $0xF7A  }
0x26: {  	[smem:$0x3F94] =	sst s1;
	(tag) =	ssettag s2;
	_ =	strace s9  }
0x27: {  	s1 =	sld [smem:$0x3FA4]  }
0x28: {  	s2 =	sld [smem:$0x3FA5]  }
0x29: {  	s4 =	sld [smem:$0x3FA7]  }
0x2a: {  	p0 =	seq.s32 s5, $0x0;
	s5 =	sld [smem:$0x3FA8]  }
0x2b: {  	s6 =	sld [smem:$0x3FA9]  }
0x2c: {  	s7 =	sld [smem:$0x3FAA]  }
0x2d: {  	s3 =	simm.s32 $0x108;
	s8 =	sld [smem:$0x3FAB]  }
0x2e: {  	s3 =	simm.s32 @!p0 $0x1082;
	s9 =	sld [smem:$0x3FAC]  }
0x2f: {  	lr =	sadd.s32 s0, s3;
	s0 =	sld [smem:$0x3FA3]  }
0x30: {  	s3 =	sld [smem:$0x3FA6]  }
0x31: {  	[smem:$0x3FAF] =	sst s10  }
0x32: {  	s10 =	sld [smem:$0x3FAD];
	_ =	sdelay $0x3  }
0x33: {  	p0 =	seq.s32 s10, $0x1;
	s10 =	sld [smem:$0x3FAF];
	_ =	sdelay $0x3  }
0x34: {  	[smem:$0x3FAF] =	sst s10  }
0x35: {  	s10 =	sld [smem:$0x3FAE];
	_ =	sdelay $0x3  }
0x36: {  	p1 =	seq.s32 s10, $0x1;
	s10 =	sld [smem:$0x3FAF];
	_ =	sdelay $0x3  }
0x37: {  	[smem:$0x3FAF] =	sst s10  }
0x38: {  	s10 =	sld [smem:$0x3FB0]  }
0x39: {  	_ = 	snop;
	(pc) =	sbr.ind lr, $3  }
0x3a: {  	_ = 	snop  }
0x3b: {  	_ = 	snop  }
0x3c: {  	p2 =	seq.s32 s10, $0x1;
	s10 =	sld [smem:$0x3FAF]  }
0x3d: {  	_ =	shalt  }
0x3e: {  	_ =	shalt  }
0x3f: {  	_ =	shalt  }
0x40: {  	_ =	shalt  }
0x41: {  	_ =	shalt  }
0x42: {  	_ =	shalt  }
0x43: {  	_ =	shalt  }
0x44: {  	_ =	shalt  }
0x45: {  	_ =	shalt  }
0x46: {  	_ =	shalt  }
0x47: {  	_ =	shalt  }
0x48: {  	_ =	shalt  }
0x49: {  	_ =	shalt  }
0x4a: {  	_ =	shalt  }
0x4b: {  	_ =	shalt  }
0x4c: {  	_ =	shalt  }
0x4d: {  	_ =	shalt  }
0x4e: {  	_ =	shalt  }
0x4f: {  	_ =	shalt  }
0x50: {  	_ =	shalt  }
0x51: {  	_ =	shalt  }
0x52: {  	_ =	shalt  }
0x53: {  	_ =	shalt  }
0x54: {  	_ =	shalt  }
0x55: {  	_ =	shalt  }
0x56: {  	_ =	shalt  }
0x57: {  	_ =	shalt  }
0x58: {  	_ =	shalt  }
0x59: {  	_ =	shalt  }
0x5a: {  	_ =	shalt  }
0x5b: {  	_ =	shalt  }
0x5c: {  	_ =	shalt  }
0x5d: {  	_ =	shalt  }
0x5e: {  	_ =	shalt  }
0x5f: {  	_ =	shalt  }
0x60: {  	_ =	shalt  }
0x61: {  	_ =	shalt  }
0x62: {  	_ =	shalt  }
0x63: {  	_ =	shalt  }
0x64: {  	_ =	shalt  }
0x65: {  	_ =	shalt  }
0x66: {  	_ =	shalt  }
0x67: {  	_ =	shalt  }
0x68: {  	_ =	shalt  }
0x69: {  	_ =	shalt  }
0x6a: {  	_ =	shalt  }
0x6b: {  	_ =	shalt  }
0x6c: {  	_ =	shalt  }
0x6d: {  	_ =	shalt  }
0x6e: {  	_ =	shalt  }
0x6f: {  	_ =	shalt  }
0x70: {  	_ =	shalt  }
0x71: {  	_ =	shalt  }
0x72: {  	_ =	shalt  }
0x73: {  	_ =	shalt  }
0x74: {  	_ =	shalt  }
0x75: {  	_ =	shalt  }
0x76: {  	_ =	shalt  }
0x77: {  	_ =	shalt  }
0x78: {  	_ =	shalt  }
0x79: {  	_ =	shalt  }
0x7a: {  	_ =	shalt  }
0x7b: {  	_ =	shalt  }
0x7c: {  	_ =	shalt  }
0x7d: {  	_ =	shalt  }
0x7e: {  	_ =	shalt  }
0x7f: {  	_ =	shalt  }
0x80: {  	_ =	shalt  }
0x81: {  	_ =	shalt  }
0x82: {  	_ =	shalt  }
0x83: {  	_ =	shalt  }
0x84: {  	_ =	shalt  }
0x85: {  	_ =	shalt  }
0x86: {  	_ =	shalt  }
0x87: {  	_ =	shalt  }
.Lfunc_end0:
.L_simem_size_0:
called_computation_lowered:
.L_overlay_start_0:
0x88: {  	s2 =	sld [smem:$0x3FD9]  }
0x89: {  	s3 =	sld [smem:$0x3FFE];
	_ =	sdelay $0x1  }
0x8a: {  	s1 =	srdreg.scid  }
0x8b: {  	s0 =	sand.u32 $0x1, s1  }
0x8c: {  	s17 =	sshll.u32 s0, $0xA;
	s2 =	sadd.s32 s3, s2  }
0x8d: {  	s2 =	sadd.s32 s2, s17  }
0x8e: {  	[smem:$0x3FBB] =	sst s2  }
0x8f: {  	_ = 	snop  }
0x90: {  	s2 =	sld [smem:$0x3FC7]  }
0x91: {  	s18 =	sld [smem:$0x3FC6]  }
0x92: {  	s4 =	sld [smem:$0x3FD0];
	(tm) =	ssettm $0x1  }
0x93: {  	s5 =	sld [smem:$0x3FFB];
	_ =	sdelay $0x3  }
0x94: {  	_ =	strace s5  }
0x95: {  	s5 =	sld [smem:$0x3FFC];
	_ =	sdelay $0x3  }
0x96: {  	_ =	strace s5  }
0x97: {  	s5 =	sld [smem:$0x3FFD];
	_ =	sdelay $0x3  }
0x98: {  	_ =	strace s5  }
0x99: {  	_ =	strace $0x8FFFFFFF  }
0x9a: {  	s19 =	sld [smem:$0x3FDB];
	_ =	sdelay $0x1  }
0x9b: {  	s6 =	simm.s32 $_scs_section_size  }
0x9c: {  	s7 =	simm.s32 $_size__tile_overlayer_lowered;
	s8 =	simm.s32 $_tile_overlayer_lowered  }
0x9d: {  	s22 =	simm.s32 $0x1BFF;
	s21 =	sshll.u32 s8, $0x1;
	s5 =	sadd.s32 s6, s19  }
0x9e: {  	s9 =	simm.s32 $0x0;
	s20 =	sshll.u32 s7, $0x1;
	s7 =	sadd.s32 s21, s5  }
0x9f: {  	[timem:s9], [sflag:s22] =	dma.local [hbm:s7], s20  }
0xa0: {  	_ =	swait.ge [sflag:s22], s20  }
0xa1: {  	s6 =	ssub.s32 $0x0, s20;
	[sflag:s22] =	ssyncset.done $0x0  }
0xa2: {  	[sflag:s22] =	ssyncadd.s32 s6;
	_ =	sdelay $0x1  }
0xa3: {  	s23 =	simm.s32 $0x1B8B  }
0xa4: {  	_ =	swait.ge [sflag:s23], $0x1  }
0xa5: {  	[sflag:s23] =	ssyncset.done $0x0  }
0xa6: {  	s25 =	simm.s32 $0x1B8E;
	s24 =	sld [smem:$0x3FFE];
	[sflag:s23] =	ssyncadd.s32 $0xFFFFFFFF  }
0xa7: {  	s26 =	simm.s32 $execute0_lowered;
	[smem:$0x3FD2] =	sst s25  }
0xa8: {  	s7 =	sshll.u32 s26, $0x1;
	_ =	strace $0x80000046;
	[dreg:$0x1] =	wrdreg $0xFFFFFFFF  }
0xa9: {  	s28 =	simm.s32 $_size_execute0_lowered;
	s5 =	sadd.s32 s5, s7;
	[dreg:$0x0] =	wrdreg $0x0  }
0xaa: {  	s7 =	sshll.u32 s28, $0x1;
	[dreg:$0x2] =	wrdreg s5  }
0xab: {  	[dreg:$0x3] =	wrdreg s7  }
0xac: {  	[dreg:$0x4] =	wrdreg $0xC0  }
0xad: {  	_ =	task [dreg:s9], $0x5FFFF  }
0xae: {  	[dreg:$0x1] =	wrdreg $0xFFFFFFFF  }
0xaf: {  	[dreg:$0x0] =	wrdreg $0x60  }
0xb0: {  	[dreg:$0x2] =	wrdreg s2  }
0xb1: {  	[dreg:$0x3] =	wrdreg s18  }
0xb2: {  	[dreg:$0x4] =	wrdreg s4  }
0xb3: {  	[dreg:$0x5] =	wrdreg s24  }
0xb4: {  	[dreg:$0x6] =	wrdreg $0x9  }
0xb5: {  	_ =	task.clear_ibuf [dreg:s9], $0x7FFFF;
	_ =	strace $0x90000046  }
0xb6: {  	s29 =	simm.s32 $0x9;
	_ =	strace $0x80000048  }
0xb7: {  	_ =	swait.ge [sflag:s29], $0x1  }
0xb8: {  	[sflag:s29] =	ssyncadd.s32 $0xFFFFFFFF  }
0xb9: {  	_ =	strace $0x90000048  }
0xba: {  	_ =	sfence  }
0xbb: {  	s30 =	sld [smem:$0x0];
	_ =	sdelay $0x2  }
0xbc: {  	s31 =	sshll.u32 s1, $0xD;
	s1 =	sshrl.u32 s1, $0x2  }
0xbd: {  	s3 =	sand.u32 $0x4000, s31;
	s1 =	sadd.s32 s1, s30  }
0xbe: {  	s0 =	sor.u32 s3, s0;
	s1 =	sshll.u32 s1, $0x11  }
0xbf: {  	s0 =	sor.u32 s1, s0  }
0xc0: {  	s0 =	sadd.s32 $0x8F2B, s0  }
0xc1: {  	[sflag:s0] =	ssyncadd.remote.s32 $0x1  }
0xc2: {  	_ =	sfence.sel $0xFFFF  }
0xc3: {  	[dreg:$0x0] =	wrdreg $0xFFFFFFFF;
	(pc) =	sbr.abs _section_cstart, $3  }
0xc4: {  	[dreg:$0x1] =	wrdreg $0xFFFFFFFF  }
0xc5: {  	_ =	task.clear_ibuf [dreg:s9], $0x2FFFF;
	_ =	strace $0x9FFFFFFF  }
0xc6: {  	(tm) =	ssettm $0x7FFFFFFF  }
0xc7: {  	_ =	shalt  }
tec
execute0_lowered:
.L_overlay_start_1:
0x0: {  	(tag) =	ssettag $0x1  }
0x1: {  	s1 =	rddreg [dreg:$0x0]  }
0x2: {  	s2 =	rddreg [dreg:$0x1]  }
0x3: {  	s3 =	rddreg [dreg:$0x2]  }
0x4: {  	s7 =	rddreg [dreg:$0x3]  }
0x5: {  	s0 =	rddreg [dreg:$0x4];
	s4 =	simm.s32 $0x0;
	s5 =	srdreg.scid  }
0x6: {  	s11 =	simm.s32 $0x80;
	s12 =	simm.s32 $0x50;
	s13 =	simm.s32 $0x100  }
0x7: {  	s14 =	simm.s32 $0x2900;
	s15 =	simm.s32 $0x1;
	s16 =	simm.s32 $0x2  }
0x8: {  	s17 =	simm.s32 $0x0;
	[smem:$0x7FF] =	sst s4;
	s6 =	sand.u32 $0x1, s5  }
0x9: {  	s5 =	stileid.u32;
	_ =	strace $0x80000047;
	s8 =	ssub.s32 $0x2, s6  }
0xa: {  	s9 =	sshll.u32 s6, $0x4;
	s6 =	sadd.s32 $0x3800, s7;
	s10 =	sshrl.u32 s8, $0x1  }
0xb: {  	s7 =	sadd.s32 $0x78E00, s7;
	s9 =	sor.u32 s5, s9;
	s10 =	ssub.s32 s8, s10  }
0xc: {  	s8 =	smul.u32 $0x2710, s9;
	s9 =	smax.u32 s10, $0x1;
	s10 =	simm.s32 $0x3  }
.LBB2_1:
0xd: {  	s18 =	simm.s32 $0x0  }
.LBB2_2:
0xe: {  	s19 =	smul.u32 $0x50, s18;
	_ =	sdelay $0x1  }
0xf: {  	s19 =	sadd.s32 s8, s19  }
0x10: {  	s20 =	sshrl.u32 s19, $0x3  }
0x11: {  	s22 =	simm.s32 $0x0;
	s21 =	sadd.s32 s1, s20  }
0x12: {  	[tilespmem:s22], [sflag:$0x3] =	stream.linear.gather [hbm4b:s21+s22], $0x50, $0x38;
	[tilespmem:$0x5100] =	vst v63  }
0x13: {  	_ =	swait.ge [sflag:s10], $0x50  }
0x14: {  	[sflag:s10] =	ssyncset.done $0x0  }
0x15: {  	s20 =	sadd.s32 s2, s20;
	[sflag:s10] =	ssyncadd.s32 $0xFFFFFFB0  }
0x16: {  	[tilespmem:s11], [sflag:$0x3] =	stream.linear.gather [hbm4b:s20+s22], $0x50, $0x38;
	[tilespmem:$0x5100] =	vst v63  }
0x17: {  	_ =	swait.ge [sflag:s10], $0x50  }
0x18: {  	[sflag:s10] =	ssyncset.done $0x0  }
0x19: {  	[sflag:s10] =	ssyncadd.s32 $0xFFFFFFB0  }
0x1a: {  	[tilespmem:s13], [sflag:$0x1] =	stream.indirect.gather [hbm4b:s3+s12], $0x80, s22, s12, $0xb8;
	[tilespmem:$0x5100] =	vst v63  }
0x1b: {  	_ = 	snop  }
0x1c: {  	[tilespmem:s14], [sflag:$0x2] =	stream.indirect.gather [hbm4b:s6+s12], $0x80, s11, s12, $0xb8;
	[tilespmem:$0x5100] =	vst v63  }
0x1d: {  	_ =	swait.ge [sflag:s15], $0x2800  }
0x1e: {  	[sflag:s15] =	ssyncset.done $0x0  }
0x1f: {  	[sflag:s15] =	ssyncadd.s32 $0xFFFFD800  }
0x20: {  	_ =	swait.ge [sflag:s16], $0x2800  }
0x21: {  	[sflag:s16] =	ssyncset.done $0x0  }
0x22: {  	s20 =	simm.s32 $0x0;
	[sflag:s16] =	ssyncadd.s32 $0xFFFFD800  }
0x23: {  	v7 =	vld [tilespmem:s20+$0x2900]  }
0x24: {  	v11 =	vld [tilespmem:s20+$0x2910]  }
0x25: {  	v5 =	vld [tilespmem:s20+$0x2920]  }
0x26: {  	v4 =	vld [tilespmem:s20+$0x2930]  }
0x27: {  	v3 =	vld [tilespmem:s20+$0x2940]  }
0x28: {  	v2 =	vld [tilespmem:s20+$0x2950]  }
0x29: {  	v1 =	vld [tilespmem:s20+$0x2960]  }
0x2a: {  	v0 =	vld [tilespmem:s20+$0x2970]  }
0x2b: {  	v12 =	vld [tilespmem:s20+$0x100]  }
0x2c: {  	v13 =	vld [tilespmem:s20+$0x110]  }
0x2d: {  	v10 =	vld [tilespmem:s20+$0x120]  }
0x2e: {  	v9 =	vld [tilespmem:s20+$0x130]  }
0x2f: {  	v8 =	vld [tilespmem:s20+$0x140]  }
0x30: {  	v6 =	vld [tilespmem:s20+$0x150];
	v12 =	vadd.f32 v7, v12  }
0x31: {  	s21 =	simm.s32 $0x200;
	v11 =	vadd.f32 v11, v13;
	v7 =	vld [tilespmem:s20+$0x160]  }
.LBB2_3:
0x32: {  	s22 =	sshra.s32 s21, $0x2;
	p0 =	sne.s32 s21, $0x9E00;
	[tilespmem:s20+$0x100] =	vst v12;
	v5 =	vadd.f32 v5, v10;
	v10 =	vld [tilespmem:s20+$0x170]  }
0x33: {  	v12 =	vld [tilespmem:s22+$0x2900];
	[tilespmem:s20+$0x110] =	vst v11;
	v4 =	vadd.f32 v4, v9  }
0x34: {  	v11 =	vld [tilespmem:s22+$0x2910];
	[tilespmem:s20+$0x120] =	vst v5;
	v3 =	vadd.f32 v3, v8  }
0x35: {  	v5 =	vld [tilespmem:s22+$0x2920];
	[tilespmem:s20+$0x130] =	vst v4;
	v2 =	vadd.f32 v2, v6  }
0x36: {  	v4 =	vld [tilespmem:s22+$0x2930];
	[tilespmem:s20+$0x140] =	vst v3;
	v1 =	vadd.f32 v1, v7  }
0x37: {  	v3 =	vld [tilespmem:s22+$0x2940];
	[tilespmem:s20+$0x150] =	vst v2;
	v0 =	vadd.f32 v0, v10  }
0x38: {  	v2 =	vld [tilespmem:s22+$0x2950];
	[tilespmem:s20+$0x160] =	vst v1  }
0x39: {  	v1 =	vld [tilespmem:s22+$0x2960];
	[tilespmem:s20+$0x170] =	vst v0;
	s20 =	smov.u32 s22  }
0x3a: {  	v0 =	vld [tilespmem:s20+$0x2970]  }
0x3b: {  	v6 =	vld [tilespmem:s20+$0x100]  }
0x3c: {  	v7 =	vld [tilespmem:s20+$0x110]  }
.Ltmp0:
0x3d: {  	v10 =	vld [tilespmem:s20+$0x120];
	(pc) =	sbr.rel @p0 .LBB2_3-.Ltmp0, $4  }
0x3e: {  	v9 =	vld [tilespmem:s20+$0x130]  }
0x3f: {  	v8 =	vld [tilespmem:s20+$0x140]  }
0x40: {  	v12 =	vadd.f32 v12, v6;
	v6 =	vld [tilespmem:s20+$0x150]  }
0x41: {  	s21 =	sadd.s32 $0x200, s21;
	v11 =	vadd.f32 v11, v7;
	v7 =	vld [tilespmem:s20+$0x160]  }
0x42: {  	[tilespmem:s20+$0x100] =	vst v12;
	v5 =	vadd.f32 v5, v10;
	v63 =	vld [tilespmem:s20+$0x170]  }
0x43: {  	[tilespmem:s20+$0x110] =	vst v11;
	v4 =	vadd.f32 v4, v9  }
0x44: {  	[tilespmem:s20+$0x120] =	vst v5;
	v3 =	vadd.f32 v3, v8  }
0x45: {  	[tilespmem:s20+$0x130] =	vst v4;
	v2 =	vadd.f32 v2, v6  }
0x46: {  	[tilespmem:s20+$0x140] =	vst v3;
	v1 =	vadd.f32 v1, v7  }
0x47: {  	s18 =	sadd.s32 $0x1, s18;
	[tilespmem:s20+$0x150] =	vst v2;
	v0 =	vadd.f32 v0, v63  }
0x48: {  	s19 =	sshll.u32 s19, $0x4;
	p0 =	sne.s32 s18, $0x7D;
	[tilespmem:s20+$0x160] =	vst v1  }
.Ltmp1:
0x49: {  	s19 =	sadd.s32 s7, s19;
	[tilespmem:s20+$0x170] =	vst v0;
	(pc) =	sbr.rel @p0 .LBB2_2-.Ltmp1, $4  }
0x4a: {  	[hbm4b:s19+s4] =	stream.linear.scatter [tilespmem:s13], [sflag:$0x3], $0x2800, $0x38;
	[tilespmem:$0x5100] =	vst v63  }
0x4b: {  	_ =	swait.ge [sflag:s10], $0x2800  }
0x4c: {  	[sflag:s10] =	ssyncset.done $0x0  }
0x4d: {  	[sflag:s10] =	ssyncadd.s32 $0xFFFFD800  }
0x4e: {  	s17 =	sadd.s32 $0x1, s17  }
0x4f: {  	p0 =	sne.s32 s17, s9  }
.Ltmp2:
0x50: {  	_ = 	snop;
	(pc) =	sbr.rel @p0 .LBB2_1-.Ltmp2, $1  }
0x51: {  	_ =	sdelay $0x3  }
0x52: {  	_ =	sfence.sel $0x180000  }
0x53: {  	[bflag:$0x0] =	sbarrier.arrive $0xFFFF  }
0x54: {  	p0 =	sne.s32 s5, $0x0;
	_ =	strace $0x90000047  }
0x55: {  	s0 =	sadd.s32 @!p0 $0x100000, s0;
	[bflag:$0x2] =	sbarrier.arrive $0xFFFF  }
0x56: {  	[sflag:s0] =	ssyncadd.tile.s32 @!p0 $0x1;
	_ =	shalt  }
.Lfunc_end2:
_tile_overlayer_lowered:
.L_overlay_start_2:
0x57: {  	(tag) =	ssettag $0x2  }
0x58: {  	s0 =	rddreg [dreg:$0x0];
	s2 =	stileid.u32  }
0x59: {  	s1 =	rddreg [dreg:$0x1];
	p0 =	sne.s32 s2, $0x0  }
0x5a: {  	s3 =	rddreg [dreg:$0x2];
	[bflag:$0x3] =	sbarrier.arrive $0xFFFF;
	s2 =	simm.s32 @!p0 $0x1C03  }
0x5b: {  	[timem:s3], [sflag:s2] =	dma.local @!p0 [hbm:s0], s1  }
0x5c: {  	s0 =	simm.s32 @!p0 $0x3  }
0x5d: {  	_ =	swait.ge @!p0 [sflag:s0], s1  }
0x5e: {  	s1 =	ssub.s32 @!p0 $0x0, s1;
	[sflag:s0] =	ssyncset.done @!p0 $0x0  }
0x5f: {  	[sflag:s0] =	ssyncadd.s32 @!p0 s1  }
0x60: {  	[bflag:$0x3] =	sbarrier.arrive $0xFFFF  }
0x61: {  	_ =	shalt  }

</sc_bundles>
